<compile_context>
chip_gen: v7x
topology: tpu7x:2x2x1
jax: 0.10.2.dev20260603
libtpu: 0.0.44.dev20260713+nightly
codegen_flags: <defaults>
</compile_context>

<pallas_src>
import jax
import jax.numpy as jnp
from jax.experimental import pallas as pl
from jax.experimental.pallas import tpu as pltpu

N_REAL = 5000
NP = 5120
NC = 11
C_PAD = 16
TI = 128
TJ = 1024
CH = 128
NCH = TJ // CH
NI = NP // TI
NJ = NP // TJ
OVERLAP = 0.45
CLS_THRESH = 0.01
FAR = 1e6
NB = 128
THS = OVERLAP / (1.0 + OVERLAP)


def _pos_kernel(key_ref, pos_ref, perm_ref):
    kcol = key_ref[0]
    ridx = jax.lax.broadcasted_iota(jnp.int32, (NP, 1), 0)
    valid = ridx < N_REAL
    kmin = jnp.min(jnp.where(valid, kcol, jnp.inf))
    kmax = jnp.max(jnp.where(valid, kcol, -jnp.inf))
    scale = NB / jnp.maximum(kmax - kmin, 1e-30)
    bfl = jnp.clip(jnp.floor((kcol - kmin) * scale), 0.0, NB - 1.0)
    bi = jnp.where(valid, bfl.astype(jnp.int32), NB - 1)
    lane = jax.lax.broadcasted_iota(jnp.int32, (NP, NB), 1)
    H = jnp.where(lane == bi, 1.0, 0.0)
    C = H
    sh = 1
    while sh < NP:
        C = C + jnp.concatenate(
            [jnp.zeros((sh, NB), jnp.float32), C[:NP - sh, :]], axis=0)
        sh *= 2
    tot = C[NP - 1:NP, :]
    shl = 1
    acc = tot
    while shl < NB:
        acc_shift = jnp.concatenate(
            [jnp.zeros((1, shl), jnp.float32), acc[:, :NB - shl]], axis=1)
        acc = acc + acc_shift
        shl *= 2
    off = acc - tot
    posf = jnp.sum(H * (C + off - 1.0), axis=1, keepdims=True)
    pos_ref[0] = posf.astype(jnp.int32)

    lanef = lane.astype(jnp.float32)
    kf = ridx.astype(jnp.float32)
    gk = jnp.floor(posf * (1.0 / NB))
    lk = posf - gk * NB
    W = jnp.where(lanef == gk, 1.0, 0.0)
    onel = jnp.where(lanef == lk, 1.0, 0.0)
    khi = jnp.floor(kf * (1.0 / 64.0))
    klo = kf - khi * 64.0
    dims = (((0,), (0,)), ((), ()))
    Rhi = jax.lax.dot_general(W, onel * khi, dims,
                              preferred_element_type=jnp.float32)
    Rlo = jax.lax.dot_general(W, onel * klo, dims,
                              preferred_element_type=jnp.float32)
    R = Rhi * 64.0 + Rlo
    permf = R[:NP // NB, :].reshape(1, NP)
    perm_ref[0] = permf.astype(jnp.int32)


def _prep_kernel(loc_ref, cls_ref, def_ref, boxes_ref, msc_ref):
    dc = def_ref[0, 0:1, :]
    dw = def_ref[0, 1:2, :]
    ctr = dc + loc_ref[0, 0:1, :] * 0.1 * dw
    w = dw * jnp.exp(loc_ref[0, 1:2, :] * 0.2)
    s = ctr - w / 2.0
    e = ctr + w / 2.0
    se = jnp.concatenate([s, e], axis=0)
    lane2 = jax.lax.broadcasted_iota(jnp.int32, (2, NP), 1)
    boxes_ref[0] = jnp.where(lane2 < N_REAL, se, FAR)

    x = cls_ref[0]
    mx = jnp.max(x, axis=0, keepdims=True)
    ex = jnp.exp(x - mx)
    sc = ex / jnp.sum(ex, axis=0, keepdims=True)
    fg = sc[1:NC, :]
    msc = jnp.where(fg > CLS_THRESH, fg, 0.0)
    lane = jax.lax.broadcasted_iota(jnp.int32, (NC - 1, NP), 1)
    msc = jnp.where(lane < N_REAL, msc, 0.0)
    msc_ref[0] = jnp.concatenate(
        [msc, jnp.zeros((C_PAD - (NC - 1), NP), jnp.float32)], axis=0)


def _nms_kernel(bi_ref, mi_ref, bj_ref, mj_ref, out_ref,
                sjb_ref, ejb_ref, ljb_ref, mscb_ref, m_ref, ibnd_ref):
    j = pl.program_id(1)

    sj = bj_ref[0, :, 0:1]
    ej = bj_ref[0, :, 1:2]
    sjb_ref[...] = jnp.broadcast_to(sj, (TJ, TI))
    ejb_ref[...] = jnp.broadcast_to(ej, (TJ, TI))
    ljb_ref[...] = jnp.broadcast_to((ej - sj) * THS, (TJ, TI))
    for c in range(NC - 1):
        mscb_ref[c] = jnp.broadcast_to(mj_ref[0, :, c:c + 1], (TJ, TI))
    ejm = jnp.where(sj < FAR, ej, -FAR)
    jb0 = jnp.min(sj)
    jb1 = jnp.max(ejm)
    for k in range(NCH):
        ibnd_ref[2 * NI + 2 * k] = jnp.min(sj[k * CH:(k + 1) * CH, :])
        ibnd_ref[2 * NI + 2 * k + 1] = jnp.max(ejm[k * CH:(k + 1) * CH, :])

    @pl.when(j == 0)
    def _():
        for i in range(NI):
            sit = bi_ref[0, i, 0:1, :]
            eit = bi_ref[0, i, 1:2, :]
            ibnd_ref[2 * i] = jnp.min(sit)
            ibnd_ref[2 * i + 1] = jnp.max(jnp.where(sit < FAR, eit, -FAR))
        m_ref[...] = jnp.zeros((NI, C_PAD, TI), jnp.float32)

    def i_body(i, carry):
        live = (jb0 <= ibnd_ref[2 * i + 1]) & (jb1 >= ibnd_ref[2 * i])

        @pl.when(live)
        def _():
            si = bi_ref[0, i, 0:1, :]
            ei = bi_ref[0, i, 1:2, :]
            lis = (ei - si) * THS
            ism = ibnd_ref[2 * i]
            iem = ibnd_ref[2 * i + 1]

            def chunk_body(k, parts):
                live_k = ((ibnd_ref[2 * NI + 2 * k] <= iem)
                          & (ibnd_ref[2 * NI + 2 * k + 1] >= ism))

                def do(parts):
                    r0 = k * CH
                    interk = (jnp.minimum(ejb_ref[pl.ds(r0, CH), :], ei)
                              - jnp.maximum(sjb_ref[pl.ds(r0, CH), :], si))
                    afk = jnp.where(
                        interk > (ljb_ref[pl.ds(r0, CH), :] + lis), 1.0, 0.0)
                    out = []
                    for c in range(NC - 1):
                        tk = afk * mscb_ref[c, pl.ds(r0, CH), :]
                        pm = jnp.max(tk.reshape(CH // 8, 8, TI), axis=0)
                        out.append(jnp.maximum(parts[c], pm))
                    return tuple(out)

                return jax.lax.cond(live_k, do, lambda p: p, parts)

            parts0 = tuple(
                jnp.zeros((8, TI), jnp.float32) for _ in range(NC - 1))
            parts = jax.lax.fori_loop(0, NCH, chunk_body, parts0)
            terms = [jnp.max(p, axis=0, keepdims=True) for p in parts]
            new = jnp.concatenate(
                terms + [jnp.zeros((C_PAD - (NC - 1), TI), jnp.float32)],
                axis=0)
            m_ref[i] = jnp.maximum(m_ref[i], new)

        return carry

    jax.lax.fori_loop(0, NI, i_body, 0)

    @pl.when(j == NJ - 1)
    def _():
        def fin_body(i, carry):
            m = m_ref[i]
            msci = mi_ref[0, i]
            contrib = jnp.where(m <= msci, msci, 0.0)
            best = jnp.max(contrib, axis=0, keepdims=True)
            si = bi_ref[0, i, 0:1, :]
            ei = bi_ref[0, i, 1:2, :]
            inr = (si > -10.0) & (ei < 10.0)
            best = jnp.where(inr, best, 0.0)
            out_ref[0, i] = jnp.concatenate(
                [best, jnp.zeros((7, TI), jnp.float32)], axis=0)
            return carry

        jax.lax.fori_loop(0, NI, fin_body, 0)


def kernel(localizations, classifications, localizations_default):
    B = localizations.shape[0]
    pad = NP - N_REAL

    dc = localizations_default[None, :, 0]
    dw = localizations_default[None, :, 1]
    key = (dc + localizations[:, :, 0] * 0.1 * dw
           - 0.5 * dw * jnp.exp(localizations[:, :, 1] * 0.2))
    key_p = jnp.pad(key, ((0, 0), (0, pad)))
    pos3, perm3 = pl.pallas_call(
        _pos_kernel,
        grid=(B,),
        in_specs=[pl.BlockSpec((1, NP, 1), lambda b: (b, 0, 0))],
        out_specs=[
            pl.BlockSpec((1, NP, 1), lambda b: (b, 0, 0)),
            pl.BlockSpec((1, 1, NP), lambda b: (b, 0, 0)),
        ],
        out_shape=[
            jax.ShapeDtypeStruct((B, NP, 1), jnp.int32),
            jax.ShapeDtypeStruct((B, 1, NP), jnp.int32),
        ],
    )(key_p[:, :, None])
    pos = pos3[:, :, 0]
    perm = perm3[:, 0, :]

    loc_p = jnp.pad(localizations, ((0, 0), (0, pad), (0, 0)))
    cls_p = jnp.pad(classifications, ((0, 0), (0, pad), (0, 0)))
    def_p = jnp.broadcast_to(
        jnp.pad(localizations_default, ((0, pad), (0, 0)))[None], (B, NP, 2))
    loc_s = jnp.take_along_axis(loc_p, perm[:, :, None], axis=1)
    cls_s = jnp.take_along_axis(cls_p, perm[:, :, None], axis=1)
    def_s = jnp.take_along_axis(def_p, perm[:, :, None], axis=1)

    locT = loc_s.transpose(0, 2, 1)
    clsT = cls_s.transpose(0, 2, 1)
    defT = def_s.transpose(0, 2, 1)

    boxes, mscT = pl.pallas_call(
        _prep_kernel,
        grid=(B,),
        in_specs=[
            pl.BlockSpec((1, 2, NP), lambda b: (b, 0, 0)),
            pl.BlockSpec((1, NC, NP), lambda b: (b, 0, 0)),
            pl.BlockSpec((1, 2, NP), lambda b: (b, 0, 0)),
        ],
        out_specs=[
            pl.BlockSpec((1, 2, NP), lambda b: (b, 0, 0)),
            pl.BlockSpec((1, C_PAD, NP), lambda b: (b, 0, 0)),
        ],
        out_shape=[
            jax.ShapeDtypeStruct((B, 2, NP), jnp.float32),
            jax.ShapeDtypeStruct((B, C_PAD, NP), jnp.float32),
        ],
    )(locT, clsT, defT)

    boxes_j = boxes.transpose(0, 2, 1)
    msc_j = mscT.transpose(0, 2, 1)
    boxes_i = boxes.reshape(B, 2, NI, TI).transpose(0, 2, 1, 3)
    msc_i = mscT.reshape(B, C_PAD, NI, TI).transpose(0, 2, 1, 3)

    best4 = pl.pallas_call(
        _nms_kernel,
        grid=(B, NJ),
        in_specs=[
            pl.BlockSpec((1, NI, 2, TI), lambda b, j: (b, 0, 0, 0)),
            pl.BlockSpec((1, NI, C_PAD, TI), lambda b, j: (b, 0, 0, 0)),
            pl.BlockSpec((1, TJ, 2), lambda b, j: (b, j, 0)),
            pl.BlockSpec((1, TJ, C_PAD), lambda b, j: (b, j, 0)),
        ],
        out_specs=pl.BlockSpec((1, NI, 8, TI), lambda b, j: (b, 0, 0, 0)),
        out_shape=jax.ShapeDtypeStruct((B, NI, 8, TI), jnp.float32),
        scratch_shapes=[
            pltpu.VMEM((TJ, TI), jnp.float32),
            pltpu.VMEM((TJ, TI), jnp.float32),
            pltpu.VMEM((TJ, TI), jnp.float32),
            pltpu.VMEM((NC - 1, TJ, TI), jnp.float32),
            pltpu.VMEM((NI, C_PAD, TI), jnp.float32),
            pltpu.SMEM((2 * NI + 2 * NCH,), jnp.float32),
        ],
    )(boxes_i, msc_i, boxes_j, msc_j)

    dec = boxes.transpose(0, 2, 1)
    best = best4[:, :, 0, :].reshape(B, NP)
    out_s = jnp.concatenate([dec, best[:, :, None]], axis=2)
    return jnp.take_along_axis(out_s, pos[:, :N_REAL, None], axis=1)

# --- scband reference (transcript-rebuilt; emitter-appended) ---
"""Pipeline reference for scband-detection-2920577761704 (READ-ONLY COPY).

The authoritative reference and input builder live on the scoring server;
editing this copy changes nothing except your own understanding.
"""

import jax, jax.numpy as jnp
import numpy as np

B = 4
N = 5000
NUM_CLASSES = 11
OVERLAP = 0.45
CLS_THRESH = 0.01


def setup_inputs(seed: int = 0) -> dict:
    key = jax.random.key(seed)
    k1, k2, k3, k4 = jax.random.split(key, 4)
    localizations = jax.random.normal(k1, (B, N, 2), dtype=jnp.float32)
    classifications = jax.random.normal(k2, (B, N, NUM_CLASSES), dtype=jnp.float32)
    centers = jax.random.uniform(k3, (N,), minval=-8.0, maxval=8.0, dtype=jnp.float32)
    widths = jax.random.uniform(k4, (N,), minval=0.05, maxval=0.5, dtype=jnp.float32)
    localizations_default = jnp.stack([centers, widths], axis=1)
    return {
        'localizations': localizations,
        'classifications': classifications,
        'localizations_default': localizations_default,
    }


def _decode(loc, default):
    # SSD-style 1D decode: default = (center, width); loc = (center offset, log-width offset)
    center = default[:, 0] + loc[:, 0] * 0.1 * default[:, 1]
    width = default[:, 1] * jnp.exp(loc[:, 1] * 0.2)
    return jnp.stack([center - width / 2.0, center + width / 2.0], axis=1)


def _iou_1d(boxes):
    s = boxes[:, 0]
    e = boxes[:, 1]
    inter = jnp.clip(jnp.minimum(e[:, None], e[None, :]) - jnp.maximum(s[:, None], s[None, :]), 0.0)
    length = e - s
    union = length[:, None] + length[None, :] - inter
    return inter / jnp.maximum(union, 1e-9)


def reference(localizations, classifications, localizations_default):
    scores = jax.nn.softmax(classifications, axis=2)
    outs = []
    for i in range(localizations.shape[0]):
        dec = _decode(localizations[i], localizations_default)  # [N, 2]
        dec_ng = jax.lax.stop_gradient(dec)
        iou = _iou_1d(dec_ng)  # [N, N]
        in_range = (dec_ng[:, 0] > -10.0) & (dec_ng[:, 1] < 10.0)
        best = jnp.zeros((localizations.shape[1],), dtype=localizations.dtype)
        for c in range(1, NUM_CLASSES):
            sc = scores[i, :, c]
            sc_ng = jax.lax.stop_gradient(sc)
            valid = sc_ng > CLS_THRESH
            # vectorized NMS: anchor i suppressed if any valid higher-scored anchor overlaps > OVERLAP
            higher = sc_ng[None, :] > sc_ng[:, None]
            suppressed = jnp.any(valid[None, :] & higher & (iou > OVERLAP), axis=1)
            keep = valid & (~suppressed) & in_range
            best = jnp.maximum(best, jnp.where(keep, sc, 0.0))
        outs.append(jnp.concatenate([dec, best[:, None]], axis=1))
    return jnp.stack(outs, axis=0)  # [B, N, 3]: start, end, kept score (0 if suppressed)

if __name__ == "__main__":
    import jax
    _d = setup_inputs()
    print(jax.jit(kernel)(*tuple(_d.values())))

</pallas_src>

<mosaic_0001>
module attributes {stable_mosaic.version = 14 : i64} {
  func.func @_pos_kernel(%arg0: i32, %arg1: memref<1x5120x1xf32, #tpu.memory_space<vmem>>, %arg2: memref<1x5120x1xi32, #tpu.memory_space<vmem>>, %arg3: memref<1x1x5120xi32, #tpu.memory_space<vmem>>) attributes {dimension_semantics = [#tpu.dimension_semantics<arbitrary>], iteration_bounds = array<i64: 4>, scalar_prefetch = 0 : i64, scratch_operands = 0 : i64, tpu.core_type = #tpu.core_type<tc>, window_params = [{transform_indices = @transform_0, window_bounds = array<i64: 1, 5120, 1>}, {transform_indices = @transform_1, window_bounds = array<i64: 1, 5120, 1>}, {transform_indices = @transform_2, window_bounds = array<i64: 1, 1, 5120>}]} {
    %get3A = arith.constant 0 : index
    %get3A_0 = arith.constant 0 : index
    %get3A_1 = arith.constant 0 : index
    %get3A_2 = vector.load %arg1[%get3A, %get3A_0, %get3A_1] : memref<1x5120x1xf32, #tpu.memory_space<vmem>>, vector<1x5120x1xf32>
    %get3A_3 = vector.shape_cast %get3A_2 : vector<1x5120x1xf32> to vector<5120x1xf32>
    %iota3A = tpu.iota {dimensions = array<i32: 0>} : vector<5120x1xi32>
    %lt3A = arith.constant 5000 : i32
    %lt3A_4 = vector.broadcast %lt3A : i32 to vector<5120x1xi32>
    %lt3A_5 = arith.cmpi slt, %iota3A, %lt3A_4 : vector<5120x1xi32>
    %jit3A = arith.constant 0x7F800000 : f32
    %broadcast_in_dim3A = vector.broadcast %jit3A : f32 to vector<5120x1xf32>
    %select_n3A = arith.select %lt3A_5, %get3A_3, %broadcast_in_dim3A : vector<5120x1xi1>, vector<5120x1xf32>
    %reduce_min3A = vector.shape_cast %select_n3A : vector<5120x1xf32> to vector<1x5120x1xf32>
    %reduce_min3A_6 = arith.constant dense<0x7F800000> : vector<1xf32>
    %reduce_min3A_7 = vector.multi_reduction <minimumf>, %reduce_min3A, %reduce_min3A_6 [1, 2] : vector<1x5120x1xf32> to vector<1xf32>
    %reduce_min3A_8 = vector.shape_cast %reduce_min3A_7 : vector<1xf32> to vector<1x1x1xf32>
    %reduce_min3A_9 = vector.extract %reduce_min3A_8[0, 0, 0] : f32 from vector<1x1x1xf32>
    %jit3A_10 = arith.constant 0xFF800000 : f32
    %broadcast_in_dim3A_11 = vector.broadcast %jit3A_10 : f32 to vector<5120x1xf32>
    %select_n3A_12 = arith.select %lt3A_5, %get3A_3, %broadcast_in_dim3A_11 : vector<5120x1xi1>, vector<5120x1xf32>
    %reduce_max3A = vector.shape_cast %select_n3A_12 : vector<5120x1xf32> to vector<1x5120x1xf32>
    %reduce_max3A_13 = arith.constant dense<0xFF800000> : vector<1xf32>
    %reduce_max3A_14 = vector.multi_reduction <maximumf>, %reduce_max3A, %reduce_max3A_13 [1, 2] : vector<1x5120x1xf32> to vector<1xf32>
    %reduce_max3A_15 = vector.shape_cast %reduce_max3A_14 : vector<1xf32> to vector<1x1x1xf32>
    %reduce_max3A_16 = vector.extract %reduce_max3A_15[0, 0, 0] : f32 from vector<1x1x1xf32>
    %sub3A = arith.subf %reduce_max3A_16, %reduce_min3A_9 : f32
    %max3A = arith.constant 1.000000e-30 : f32
    %max3A_17 = arith.maximumf %sub3A, %max3A : f32
    %div3A = arith.constant 1.280000e+02 : f32
    %div3A_18 = arith.divf %div3A, %max3A_17 : f32
    %sub3A_19 = vector.broadcast %reduce_min3A_9 : f32 to vector<5120x1xf32>
    %sub3A_20 = arith.subf %get3A_3, %sub3A_19 : vector<5120x1xf32>
    %mul3A = vector.broadcast %div3A_18 : f32 to vector<5120x1xf32>
    %mul3A_21 = arith.mulf %sub3A_20, %mul3A : vector<5120x1xf32>
    %floor3A = math.floor %mul3A_21 : vector<5120x1xf32>
    %jit3A_22 = arith.constant 0.000000e+00 : f32
    %jit3A_23 = arith.constant 1.270000e+02 : f32
    %max3A_24 = vector.broadcast %jit3A_22 : f32 to vector<5120x1xf32>
    %max3A_25 = arith.maximumf %max3A_24, %floor3A : vector<5120x1xf32>
    %min3A = vector.broadcast %jit3A_23 : f32 to vector<5120x1xf32>
    %min3A_26 = arith.minimumf %min3A, %max3A_25 : vector<5120x1xf32>
    %convert_element_type3A = arith.fptosi %min3A_26 : vector<5120x1xf32> to vector<5120x1xi32>
    %jit3A_27 = arith.constant 127 : i32
    %broadcast_in_dim3A_28 = vector.broadcast %jit3A_27 : i32 to vector<5120x1xi32>
    %select_n3A_29 = arith.select %lt3A_5, %convert_element_type3A, %broadcast_in_dim3A_28 : vector<5120x1xi1>, vector<5120x1xi32>
    %iota3A_30 = tpu.iota {dimensions = array<i32: 1>} : vector<5120x128xi32>
    %eq3A = vector.broadcast %select_n3A_29 : vector<5120x1xi32> to vector<5120x128xi32>
    %eq3A_31 = arith.cmpi eq, %iota3A_30, %eq3A : vector<5120x128xi32>
    %jit3A_32 = arith.constant 1.000000e+00 : f32
    %jit3A_33 = arith.constant 0.000000e+00 : f32
    %broadcast_in_dim3A_34 = vector.broadcast %jit3A_32 : f32 to vector<5120x128xf32>
    %broadcast_in_dim3A_35 = vector.broadcast %jit3A_33 : f32 to vector<5120x128xf32>
    %select_n3A_36 = arith.select %eq3A_31, %broadcast_in_dim3A_34, %broadcast_in_dim3A_35 : vector<5120x128xi1>, vector<5120x128xf32>
    %broadcast_in_dim3A_37 = arith.constant 0.000000e+00 : f32
    %broadcast_in_dim3A_38 = vector.broadcast %broadcast_in_dim3A_37 : f32 to vector<1x128xf32>
    %slice3A = vector.extract_strided_slice %select_n3A_36 {offsets = [0, 0], sizes = [5119, 128], strides = [1, 1]} : vector<5120x128xf32> to vector<5119x128xf32>
    %concatenate3A = tpu.concatenate %broadcast_in_dim3A_38, %slice3A in 0 : vector<1x128xf32>, vector<5119x128xf32> -> vector<5120x128xf32>
    %add3A = arith.addf %select_n3A_36, %concatenate3A : vector<5120x128xf32>
    %broadcast_in_dim3A_39 = arith.constant 0.000000e+00 : f32
    %broadcast_in_dim3A_40 = vector.broadcast %broadcast_in_dim3A_39 : f32 to vector<2x128xf32>
    %slice3A_41 = vector.extract_strided_slice %add3A {offsets = [0, 0], sizes = [5118, 128], strides = [1, 1]} : vector<5120x128xf32> to vector<5118x128xf32>
    %concatenate3A_42 = tpu.concatenate %broadcast_in_dim3A_40, %slice3A_41 in 0 : vector<2x128xf32>, vector<5118x128xf32> -> vector<5120x128xf32>
    %add3A_43 = arith.addf %add3A, %concatenate3A_42 : vector<5120x128xf32>
    %broadcast_in_dim3A_44 = arith.constant 0.000000e+00 : f32
    %broadcast_in_dim3A_45 = vector.broadcast %broadcast_in_dim3A_44 : f32 to vector<4x128xf32>
    %slice3A_46 = vector.extract_strided_slice %add3A_43 {offsets = [0, 0], sizes = [5116, 128], strides = [1, 1]} : vector<5120x128xf32> to vector<5116x128xf32>
    %concatenate3A_47 = tpu.concatenate %broadcast_in_dim3A_45, %slice3A_46 in 0 : vector<4x128xf32>, vector<5116x128xf32> -> vector<5120x128xf32>
    %add3A_48 = arith.addf %add3A_43, %concatenate3A_47 : vector<5120x128xf32>
    %broadcast_in_dim3A_49 = arith.constant 0.000000e+00 : f32
    %broadcast_in_dim3A_50 = vector.broadcast %broadcast_in_dim3A_49 : f32 to vector<8x128xf32>
    %slice3A_51 = vector.extract_strided_slice %add3A_48 {offsets = [0, 0], sizes = [5112, 128], strides = [1, 1]} : vector<5120x128xf32> to vector<5112x128xf32>
    %concatenate3A_52 = tpu.concatenate %broadcast_in_dim3A_50, %slice3A_51 in 0 : vector<8x128xf32>, vector<5112x128xf32> -> vector<5120x128xf32>
    %add3A_53 = arith.addf %add3A_48, %concatenate3A_52 : vector<5120x128xf32>
    %broadcast_in_dim3A_54 = arith.constant 0.000000e+00 : f32
    %broadcast_in_dim3A_55 = vector.broadcast %broadcast_in_dim3A_54 : f32 to vector<16x128xf32>
    %slice3A_56 = vector.extract_strided_slice %add3A_53 {offsets = [0, 0], sizes = [5104, 128], strides = [1, 1]} : vector<5120x128xf32> to vector<5104x128xf32>
    %concatenate3A_57 = tpu.concatenate %broadcast_in_dim3A_55, %slice3A_56 in 0 : vector<16x128xf32>, vector<5104x128xf32> -> vector<5120x128xf32>
    %add3A_58 = arith.addf %add3A_53, %concatenate3A_57 : vector<5120x128xf32>
    %broadcast_in_dim3A_59 = arith.constant 0.000000e+00 : f32
    %broadcast_in_dim3A_60 = vector.broadcast %broadcast_in_dim3A_59 : f32 to vector<32x128xf32>
    %slice3A_61 = vector.extract_strided_slice %add3A_58 {offsets = [0, 0], sizes = [5088, 128], strides = [1, 1]} : vector<5120x128xf32> to vector<5088x128xf32>
    %concatenate3A_62 = tpu.concatenate %broadcast_in_dim3A_60, %slice3A_61 in 0 : vector<32x128xf32>, vector<5088x128xf32> -> vector<5120x128xf32>
    %add3A_63 = arith.addf %add3A_58, %concatenate3A_62 : vector<5120x128xf32>
    %broadcast_in_dim3A_64 = arith.constant 0.000000e+00 : f32
    %broadcast_in_dim3A_65 = vector.broadcast %broadcast_in_dim3A_64 : f32 to vector<64x128xf32>
    %slice3A_66 = vector.extract_strided_slice %add3A_63 {offsets = [0, 0], sizes = [5056, 128], strides = [1, 1]} : vector<5120x128xf32> to vector<5056x128xf32>
    %concatenate3A_67 = tpu.concatenate %broadcast_in_dim3A_65, %slice3A_66 in 0 : vector<64x128xf32>, vector<5056x128xf32> -> vector<5120x128xf32>
    %add3A_68 = arith.addf %add3A_63, %concatenate3A_67 : vector<5120x128xf32>
    %broadcast_in_dim3A_69 = arith.constant 0.000000e+00 : f32
    %broadcast_in_dim3A_70 = vector.broadcast %broadcast_in_dim3A_69 : f32 to vector<128x128xf32>
    %slice3A_71 = vector.extract_strided_slice %add3A_68 {offsets = [0, 0], sizes = [4992, 128], strides = [1, 1]} : vector<5120x128xf32> to vector<4992x128xf32>
    %concatenate3A_72 = tpu.concatenate %broadcast_in_dim3A_70, %slice3A_71 in 0 : vector<128x128xf32>, vector<4992x128xf32> -> vector<5120x128xf32>
    %add3A_73 = arith.addf %add3A_68, %concatenate3A_72 : vector<5120x128xf32>
    %broadcast_in_dim3A_74 = arith.constant 0.000000e+00 : f32
    %broadcast_in_dim3A_75 = vector.broadcast %broadcast_in_dim3A_74 : f32 to vector<256x128xf32>
    %slice3A_76 = vector.extract_strided_slice %add3A_73 {offsets = [0, 0], sizes = [4864, 128], strides = [1, 1]} : vector<5120x128xf32> to vector<4864x128xf32>
    %concatenate3A_77 = tpu.concatenate %broadcast_in_dim3A_75, %slice3A_76 in 0 : vector<256x128xf32>, vector<4864x128xf32> -> vector<5120x128xf32>
    %add3A_78 = arith.addf %add3A_73, %concatenate3A_77 : vector<5120x128xf32>
    %broadcast_in_dim3A_79 = arith.constant 0.000000e+00 : f32
    %broadcast_in_dim3A_80 = vector.broadcast %broadcast_in_dim3A_79 : f32 to vector<512x128xf32>
    %slice3A_81 = vector.extract_strided_slice %add3A_78 {offsets = [0, 0], sizes = [4608, 128], strides = [1, 1]} : vector<5120x128xf32> to vector<4608x128xf32>
    %concatenate3A_82 = tpu.concatenate %broadcast_in_dim3A_80, %slice3A_81 in 0 : vector<512x128xf32>, vector<4608x128xf32> -> vector<5120x128xf32>
    %add3A_83 = arith.addf %add3A_78, %concatenate3A_82 : vector<5120x128xf32>
    %broadcast_in_dim3A_84 = arith.constant 0.000000e+00 : f32
    %broadcast_in_dim3A_85 = vector.broadcast %broadcast_in_dim3A_84 : f32 to vector<1024x128xf32>
    %slice3A_86 = vector.extract_strided_slice %add3A_83 {offsets = [0, 0], sizes = [4096, 128], strides = [1, 1]} : vector<5120x128xf32> to vector<4096x128xf32>
    %concatenate3A_87 = tpu.concatenate %broadcast_in_dim3A_85, %slice3A_86 in 0 : vector<1024x128xf32>, vector<4096x128xf32> -> vector<5120x128xf32>
    %add3A_88 = arith.addf %add3A_83, %concatenate3A_87 : vector<5120x128xf32>
    %broadcast_in_dim3A_89 = arith.constant 0.000000e+00 : f32
    %broadcast_in_dim3A_90 = vector.broadcast %broadcast_in_dim3A_89 : f32 to vector<2048x128xf32>
    %slice3A_91 = vector.extract_strided_slice %add3A_88 {offsets = [0, 0], sizes = [3072, 128], strides = [1, 1]} : vector<5120x128xf32> to vector<3072x128xf32>
    %concatenate3A_92 = tpu.concatenate %broadcast_in_dim3A_90, %slice3A_91 in 0 : vector<2048x128xf32>, vector<3072x128xf32> -> vector<5120x128xf32>
    %add3A_93 = arith.addf %add3A_88, %concatenate3A_92 : vector<5120x128xf32>
    %broadcast_in_dim3A_94 = arith.constant 0.000000e+00 : f32
    %broadcast_in_dim3A_95 = vector.broadcast %broadcast_in_dim3A_94 : f32 to vector<4096x128xf32>
    %slice3A_96 = vector.extract_strided_slice %add3A_93 {offsets = [0, 0], sizes = [1024, 128], strides = [1, 1]} : vector<5120x128xf32> to vector<1024x128xf32>
    %concatenate3A_97 = tpu.concatenate %broadcast_in_dim3A_95, %slice3A_96 in 0 : vector<4096x128xf32>, vector<1024x128xf32> -> vector<5120x128xf32>
    %add3A_98 = arith.addf %add3A_93, %concatenate3A_97 : vector<5120x128xf32>
    %slice3A_99 = vector.extract_strided_slice %add3A_98 {offsets = [5119, 0], sizes = [1, 128], strides = [1, 1]} : vector<5120x128xf32> to vector<1x128xf32>
    %broadcast_in_dim3A_100 = arith.constant 0.000000e+00 : f32
    %broadcast_in_dim3A_101 = vector.broadcast %broadcast_in_dim3A_100 : f32 to vector<1x1xf32>
    %slice3A_102 = vector.extract_strided_slice %slice3A_99 {offsets = [0, 0], sizes = [1, 127], strides = [1, 1]} : vector<1x128xf32> to vector<1x127xf32>
    %concatenate3A_103 = tpu.concatenate %broadcast_in_dim3A_101, %slice3A_102 in 1 : vector<1x1xf32>, vector<1x127xf32> -> vector<1x128xf32>
    %add3A_104 = arith.addf %slice3A_99, %concatenate3A_103 : vector<1x128xf32>
    %broadcast_in_dim3A_105 = arith.constant 0.000000e+00 : f32
    %broadcast_in_dim3A_106 = vector.broadcast %broadcast_in_dim3A_105 : f32 to vector<1x2xf32>
    %slice3A_107 = vector.extract_strided_slice %add3A_104 {offsets = [0, 0], sizes = [1, 126], strides = [1, 1]} : vector<1x128xf32> to vector<1x126xf32>
    %concatenate3A_108 = tpu.concatenate %broadcast_in_dim3A_106, %slice3A_107 in 1 : vector<1x2xf32>, vector<1x126xf32> -> vector<1x128xf32>
    %add3A_109 = arith.addf %add3A_104, %concatenate3A_108 : vector<1x128xf32>
    %broadcast_in_dim3A_110 = arith.constant 0.000000e+00 : f32
    %broadcast_in_dim3A_111 = vector.broadcast %broadcast_in_dim3A_110 : f32 to vector<1x4xf32>
    %slice3A_112 = vector.extract_strided_slice %add3A_109 {offsets = [0, 0], sizes = [1, 124], strides = [1, 1]} : vector<1x128xf32> to vector<1x124xf32>
    %concatenate3A_113 = tpu.concatenate %broadcast_in_dim3A_111, %slice3A_112 in 1 : vector<1x4xf32>, vector<1x124xf32> -> vector<1x128xf32>
    %add3A_114 = arith.addf %add3A_109, %concatenate3A_113 : vector<1x128xf32>
    %broadcast_in_dim3A_115 = arith.constant 0.000000e+00 : f32
    %broadcast_in_dim3A_116 = vector.broadcast %broadcast_in_dim3A_115 : f32 to vector<1x8xf32>
    %slice3A_117 = vector.extract_strided_slice %add3A_114 {offsets = [0, 0], sizes = [1, 120], strides = [1, 1]} : vector<1x128xf32> to vector<1x120xf32>
    %concatenate3A_118 = tpu.concatenate %broadcast_in_dim3A_116, %slice3A_117 in 1 : vector<1x8xf32>, vector<1x120xf32> -> vector<1x128xf32>
    %add3A_119 = arith.addf %add3A_114, %concatenate3A_118 : vector<1x128xf32>
    %broadcast_in_dim3A_120 = arith.constant 0.000000e+00 : f32
    %broadcast_in_dim3A_121 = vector.broadcast %broadcast_in_dim3A_120 : f32 to vector<1x16xf32>
    %slice3A_122 = vector.extract_strided_slice %add3A_119 {offsets = [0, 0], sizes = [1, 112], strides = [1, 1]} : vector<1x128xf32> to vector<1x112xf32>
    %concatenate3A_123 = tpu.concatenate %broadcast_in_dim3A_121, %slice3A_122 in 1 : vector<1x16xf32>, vector<1x112xf32> -> vector<1x128xf32>
    %add3A_124 = arith.addf %add3A_119, %concatenate3A_123 : vector<1x128xf32>
    %broadcast_in_dim3A_125 = arith.constant 0.000000e+00 : f32
    %broadcast_in_dim3A_126 = vector.broadcast %broadcast_in_dim3A_125 : f32 to vector<1x32xf32>
    %slice3A_127 = vector.extract_strided_slice %add3A_124 {offsets = [0, 0], sizes = [1, 96], strides = [1, 1]} : vector<1x128xf32> to vector<1x96xf32>
    %concatenate3A_128 = tpu.concatenate %broadcast_in_dim3A_126, %slice3A_127 in 1 : vector<1x32xf32>, vector<1x96xf32> -> vector<1x128xf32>
    %add3A_129 = arith.addf %add3A_124, %concatenate3A_128 : vector<1x128xf32>
    %broadcast_in_dim3A_130 = arith.constant 0.000000e+00 : f32
    %broadcast_in_dim3A_131 = vector.broadcast %broadcast_in_dim3A_130 : f32 to vector<1x64xf32>
    %slice3A_132 = vector.extract_strided_slice %add3A_129 {offsets = [0, 0], sizes = [1, 64], strides = [1, 1]} : vector<1x128xf32> to vector<1x64xf32>
    %concatenate3A_133 = tpu.concatenate %broadcast_in_dim3A_131, %slice3A_132 in 1 : vector<1x64xf32>, vector<1x64xf32> -> vector<1x128xf32>
    %add3A_134 = arith.addf %add3A_129, %concatenate3A_133 : vector<1x128xf32>
    %sub3A_135 = arith.subf %add3A_134, %slice3A_99 : vector<1x128xf32>
    %add3A_136 = vector.broadcast %sub3A_135 : vector<1x128xf32> to vector<5120x128xf32>
    %add3A_137 = arith.addf %add3A_98, %add3A_136 : vector<5120x128xf32>
    %sub3A_138 = arith.constant 1.000000e+00 : f32
    %sub3A_139 = vector.broadcast %sub3A_138 : f32 to vector<5120x128xf32>
    %sub3A_140 = arith.subf %add3A_137, %sub3A_139 : vector<5120x128xf32>
    %mul3A_141 = arith.mulf %select_n3A_36, %sub3A_140 : vector<5120x128xf32>
    %reduce_sum3A = arith.constant dense<0.000000e+00> : vector<5120xf32>
    %reduce_sum3A_142 = vector.multi_reduction <add>, %mul3A_141, %reduce_sum3A [1] : vector<5120x128xf32> to vector<5120xf32>
    %broadcast_in_dim3A_143 = vector.shape_cast %reduce_sum3A_142 : vector<5120xf32> to vector<5120x1xf32>
    %convert_element_type3A_144 = arith.fptosi %broadcast_in_dim3A_143 : vector<5120x1xf32> to vector<5120x1xi32>
    %swap3A = arith.constant 0 : index
    %swap3A_145 = arith.constant 0 : index
    %swap3A_146 = arith.constant 0 : index
    %swap3A_147 = vector.load %arg2[%swap3A, %swap3A_145, %swap3A_146] : memref<1x5120x1xi32, #tpu.memory_space<vmem>>, vector<1x5120x1xi32>
    %swap3A_148 = vector.shape_cast %swap3A_147 : vector<1x5120x1xi32> to vector<5120x1xi32>
    %swap3A_149 = vector.shape_cast %convert_element_type3A_144 : vector<5120x1xi32> to vector<1x5120x1xi32>
    tpu.vector_store %arg2[%swap3A, %swap3A_145, %swap3A_146], %swap3A_149 {strides = array<i32>} : memref<1x5120x1xi32, #tpu.memory_space<vmem>>, vector<1x5120x1xi32>,
    %convert_element_type3A_150 = arith.sitofp %iota3A_30 : vector<5120x128xi32> to vector<5120x128xf32>
    %convert_element_type3A_151 = arith.sitofp %iota3A : vector<5120x1xi32> to vector<5120x1xf32>
    %mul3A_152 = arith.constant 7.812500e-03 : f32
    %mul3A_153 = vector.broadcast %mul3A_152 : f32 to vector<5120x1xf32>
    %mul3A_154 = arith.mulf %broadcast_in_dim3A_143, %mul3A_153 : vector<5120x1xf32>
    %floor3A_155 = math.floor %mul3A_154 : vector<5120x1xf32>
    %mul3A_156 = arith.constant 1.280000e+02 : f32
    %mul3A_157 = vector.broadcast %mul3A_156 : f32 to vector<5120x1xf32>
    %mul3A_158 = arith.mulf %floor3A_155, %mul3A_157 : vector<5120x1xf32>
    %sub3A_159 = arith.subf %broadcast_in_dim3A_143, %mul3A_158 : vector<5120x1xf32>
    %eq3A_160 = vector.broadcast %floor3A_155 : vector<5120x1xf32> to vector<5120x128xf32>
    %eq3A_161 = arith.cmpf oeq, %convert_element_type3A_150, %eq3A_160 : vector<5120x128xf32>
    %jit3A_162 = arith.constant 1.000000e+00 : f32
    %jit3A_163 = arith.constant 0.000000e+00 : f32
    %broadcast_in_dim3A_164 = vector.broadcast %jit3A_162 : f32 to vector<5120x128xf32>
    %broadcast_in_dim3A_165 = vector.broadcast %jit3A_163 : f32 to vector<5120x128xf32>
    %select_n3A_166 = arith.select %eq3A_161, %broadcast_in_dim3A_164, %broadcast_in_dim3A_165 : vector<5120x128xi1>, vector<5120x128xf32>
    %eq3A_167 = vector.broadcast %sub3A_159 : vector<5120x1xf32> to vector<5120x128xf32>
    %eq3A_168 = arith.cmpf oeq, %convert_element_type3A_150, %eq3A_167 : vector<5120x128xf32>
    %jit3A_169 = arith.constant 1.000000e+00 : f32
    %jit3A_170 = arith.constant 0.000000e+00 : f32
    %broadcast_in_dim3A_171 = vector.broadcast %jit3A_169 : f32 to vector<5120x128xf32>
    %broadcast_in_dim3A_172 = vector.broadcast %jit3A_170 : f32 to vector<5120x128xf32>
    %select_n3A_173 = arith.select %eq3A_168, %broadcast_in_dim3A_171, %broadcast_in_dim3A_172 : vector<5120x128xi1>, vector<5120x128xf32>
    %mul3A_174 = arith.constant 1.562500e-02 : f32
    %mul3A_175 = vector.broadcast %mul3A_174 : f32 to vector<5120x1xf32>
    %mul3A_176 = arith.mulf %convert_element_type3A_151, %mul3A_175 : vector<5120x1xf32>
    %floor3A_177 = math.floor %mul3A_176 : vector<5120x1xf32>
    %mul3A_178 = arith.constant 6.400000e+01 : f32
    %mul3A_179 = vector.broadcast %mul3A_178 : f32 to vector<5120x1xf32>
    %mul3A_180 = arith.mulf %floor3A_177, %mul3A_179 : vector<5120x1xf32>
    %sub3A_181 = arith.subf %convert_element_type3A_151, %mul3A_180 : vector<5120x1xf32>
    %mul3A_182 = vector.broadcast %floor3A_177 : vector<5120x1xf32> to vector<5120x128xf32>
    %mul3A_183 = arith.mulf %select_n3A_173, %mul3A_182 : vector<5120x128xf32>
    %dot_general3A = arith.constant dense<0.000000e+00> : vector<128x128xf32>
    %dot_general3A_184 = tpu.matmul %select_n3A_166, %mul3A_183, %dot_general3A {dimension_numbers = #tpu.dot_dimension_numbers<[0], [0], [1], [1], [0, 1, 1, 1], [], []>, transpose_lhs_hint = false} : vector<5120x128xf32>, vector<5120x128xf32>, vector<128x128xf32> -> vector<128x128xf32>
    %mul3A_185 = vector.broadcast %sub3A_181 : vector<5120x1xf32> to vector<5120x128xf32>
    %mul3A_186 = arith.mulf %select_n3A_173, %mul3A_185 : vector<5120x128xf32>
    %dot_general3A_187 = arith.constant dense<0.000000e+00> : vector<128x128xf32>
    %dot_general3A_188 = tpu.matmul %select_n3A_166, %mul3A_186, %dot_general3A_187 {dimension_numbers = #tpu.dot_dimension_numbers<[0], [0], [1], [1], [0, 1, 1, 1], [], []>, transpose_lhs_hint = false} : vector<5120x128xf32>, vector<5120x128xf32>, vector<128x128xf32> -> vector<128x128xf32>
    %mul3A_189 = arith.constant 6.400000e+01 : f32
    %mul3A_190 = vector.broadcast %mul3A_189 : f32 to vector<128x128xf32>
    %mul3A_191 = arith.mulf %dot_general3A_184, %mul3A_190 : vector<128x128xf32>
    %add3A_192 = arith.addf %mul3A_191, %dot_general3A_188 : vector<128x128xf32>
    %slice3A_193 = vector.extract_strided_slice %add3A_192 {offsets = [0, 0], sizes = [40, 128], strides = [1, 1]} : vector<128x128xf32> to vector<40x128xf32>
    %reshape3A = vector.shape_cast %slice3A_193 : vector<40x128xf32> to vector<1x5120xf32>
    %convert_element_type3A_194 = arith.fptosi %reshape3A : vector<1x5120xf32> to vector<1x5120xi32>
    %swap3A_195 = arith.constant 0 : index
    %swap3A_196 = arith.constant 0 : index
    %swap3A_197 = arith.constant 0 : index
    %swap3A_198 = vector.load %arg3[%swap3A_195, %swap3A_196, %swap3A_197] : memref<1x1x5120xi32, #tpu.memory_space<vmem>>, vector<1x1x5120xi32>
    %swap3A_199 = vector.shape_cast %swap3A_198 : vector<1x1x5120xi32> to vector<1x5120xi32>
    %swap3A_200 = vector.shape_cast %convert_element_type3A_194 : vector<1x5120xi32> to vector<1x1x5120xi32>
    tpu.vector_store %arg3[%swap3A_195, %swap3A_196, %swap3A_197], %swap3A_200 {strides = array<i32>} : memref<1x1x5120xi32, #tpu.memory_space<vmem>>, vector<1x1x5120xi32>,
    return
  }
  func.func @transform_0(%arg0: i32) -> (i32, i32, i32) {
    %c0_i32 = arith.constant 0 : i32
    %c0_i32_0 = arith.constant 0 : i32
    %c0_i32_1 = arith.constant 0 : i32
    return %arg0, %c0_i32, %c0_i32_0 : i32, i32, i32
  }
  func.func @transform_1(%arg0: i32) -> (i32, i32, i32) {
    %c0_i32 = arith.constant 0 : i32
    %c0_i32_0 = arith.constant 0 : i32
    %c0_i32_1 = arith.constant 0 : i32
    return %arg0, %c0_i32, %c0_i32_0 : i32, i32, i32
  }
  func.func @transform_2(%arg0: i32) -> (i32, i32, i32) {
    %c0_i32 = arith.constant 0 : i32
    %c0_i32_0 = arith.constant 0 : i32
    %c0_i32_1 = arith.constant 0 : i32
    return %arg0, %c0_i32, %c0_i32_0 : i32, i32, i32
  }
}

module attributes {stable_mosaic.version = 14 : i64} {
  func.func @_prep_kernel(%arg0: i32, %arg1: memref<1x2x5120xf32, #tpu.memory_space<vmem>>, %arg2: memref<1x11x5120xf32, #tpu.memory_space<vmem>>, %arg3: memref<1x2x5120xf32, #tpu.memory_space<vmem>>, %arg4: memref<1x2x5120xf32, #tpu.memory_space<vmem>>, %arg5: memref<1x16x5120xf32, #tpu.memory_space<vmem>>) attributes {dimension_semantics = [#tpu.dimension_semantics<arbitrary>], iteration_bounds = array<i64: 4>, scalar_prefetch = 0 : i64, scratch_operands = 0 : i64, tpu.core_type = #tpu.core_type<tc>, window_params = [{transform_indices = @transform_0, window_bounds = array<i64: 1, 2, 5120>}, {transform_indices = @transform_1, window_bounds = array<i64: 1, 11, 5120>}, {transform_indices = @transform_2, window_bounds = array<i64: 1, 2, 5120>}, {transform_indices = @transform_3, window_bounds = array<i64: 1, 2, 5120>}, {transform_indices = @transform_4, window_bounds = array<i64: 1, 16, 5120>}]} {
    %get3A = arith.constant 0 : index
    %get3A_0 = arith.constant 0 : index
    %get3A_1 = arith.constant 0 : index
    %get3A_2 = vector.load %arg3[%get3A, %get3A_0, %get3A_1] : memref<1x2x5120xf32, #tpu.memory_space<vmem>>, vector<1x1x5120xf32>
    %get3A_3 = vector.shape_cast %get3A_2 : vector<1x1x5120xf32> to vector<1x5120xf32>
    %get3A_4 = arith.constant 0 : index
    %get3A_5 = arith.constant 1 : index
    %get3A_6 = arith.constant 0 : index
    %get3A_7 = vector.load %arg3[%get3A_4, %get3A_5, %get3A_6] : memref<1x2x5120xf32, #tpu.memory_space<vmem>>, vector<1x1x5120xf32>
    %get3A_8 = vector.shape_cast %get3A_7 : vector<1x1x5120xf32> to vector<1x5120xf32>
    %get3A_9 = arith.constant 0 : index
    %get3A_10 = arith.constant 0 : index
    %get3A_11 = arith.constant 0 : index
    %get3A_12 = vector.load %arg1[%get3A_9, %get3A_10, %get3A_11] : memref<1x2x5120xf32, #tpu.memory_space<vmem>>, vector<1x1x5120xf32>
    %get3A_13 = vector.shape_cast %get3A_12 : vector<1x1x5120xf32> to vector<1x5120xf32>
    %mul3A = arith.constant 1.000000e-01 : f32
    %mul3A_14 = vector.broadcast %mul3A : f32 to vector<1x5120xf32>
    %mul3A_15 = arith.mulf %get3A_13, %mul3A_14 : vector<1x5120xf32>
    %mul3A_16 = arith.mulf %mul3A_15, %get3A_8 : vector<1x5120xf32>
    %add3A = arith.addf %get3A_3, %mul3A_16 : vector<1x5120xf32>
    %get3A_17 = arith.constant 0 : index
    %get3A_18 = arith.constant 1 : index
    %get3A_19 = arith.constant 0 : index
    %get3A_20 = vector.load %arg1[%get3A_17, %get3A_18, %get3A_19] : memref<1x2x5120xf32, #tpu.memory_space<vmem>>, vector<1x1x5120xf32>
    %get3A_21 = vector.shape_cast %get3A_20 : vector<1x1x5120xf32> to vector<1x5120xf32>
    %mul3A_22 = arith.constant 2.000000e-01 : f32
    %mul3A_23 = vector.broadcast %mul3A_22 : f32 to vector<1x5120xf32>
    %mul3A_24 = arith.mulf %get3A_21, %mul3A_23 : vector<1x5120xf32>
    %exp3A = math.exp %mul3A_24 : vector<1x5120xf32>
    %mul3A_25 = arith.mulf %get3A_8, %exp3A : vector<1x5120xf32>
    %div3A = arith.constant 2.000000e+00 : f32
    %div3A_26 = vector.broadcast %div3A : f32 to vector<1x5120xf32>
    %div3A_27 = arith.divf %mul3A_25, %div3A_26 : vector<1x5120xf32>
    %sub3A = arith.subf %add3A, %div3A_27 : vector<1x5120xf32>
    %div3A_28 = arith.constant 2.000000e+00 : f32
    %div3A_29 = vector.broadcast %div3A_28 : f32 to vector<1x5120xf32>
    %div3A_30 = arith.divf %mul3A_25, %div3A_29 : vector<1x5120xf32>
    %add3A_31 = arith.addf %add3A, %div3A_30 : vector<1x5120xf32>
    %concatenate3A = tpu.concatenate %sub3A, %add3A_31 in 0 : vector<1x5120xf32>, vector<1x5120xf32> -> vector<2x5120xf32>
    %iota3A = tpu.iota {dimensions = array<i32: 1>} : vector<2x5120xi32>
    %lt3A = arith.constant 5000 : i32
    %lt3A_32 = vector.broadcast %lt3A : i32 to vector<2x5120xi32>
    %lt3A_33 = arith.cmpi slt, %iota3A, %lt3A_32 : vector<2x5120xi32>
    %jit3A = arith.constant 1.000000e+06 : f32
    %broadcast_in_dim3A = vector.broadcast %jit3A : f32 to vector<2x5120xf32>
    %select_n3A = arith.select %lt3A_33, %concatenate3A, %broadcast_in_dim3A : vector<2x5120xi1>, vector<2x5120xf32>
    %swap3A = arith.constant 0 : index
    %swap3A_34 = arith.constant 0 : index
    %swap3A_35 = arith.constant 0 : index
    %swap3A_36 = vector.load %arg4[%swap3A, %swap3A_34, %swap3A_35] : memref<1x2x5120xf32, #tpu.memory_space<vmem>>, vector<1x2x5120xf32>
    %swap3A_37 = vector.shape_cast %swap3A_36 : vector<1x2x5120xf32> to vector<2x5120xf32>
    %swap3A_38 = vector.shape_cast %select_n3A : vector<2x5120xf32> to vector<1x2x5120xf32>
    tpu.vector_store %arg4[%swap3A, %swap3A_34, %swap3A_35], %swap3A_38 {strides = array<i32>} : memref<1x2x5120xf32, #tpu.memory_space<vmem>>, vector<1x2x5120xf32>,
    %get3A_39 = arith.constant 0 : index
    %get3A_40 = arith.constant 0 : index
    %get3A_41 = arith.constant 0 : index
    %get3A_42 = vector.load %arg2[%get3A_39, %get3A_40, %get3A_41] : memref<1x11x5120xf32, #tpu.memory_space<vmem>>, vector<1x11x5120xf32>
    %get3A_43 = vector.shape_cast %get3A_42 : vector<1x11x5120xf32> to vector<11x5120xf32>
    %reduce_max3A = arith.constant dense<0xFF800000> : vector<5120xf32>
    %reduce_max3A_44 = vector.multi_reduction <maximumf>, %get3A_43, %reduce_max3A [0] : vector<11x5120xf32> to vector<5120xf32>
    %broadcast_in_dim3A_45 = vector.shape_cast %reduce_max3A_44 : vector<5120xf32> to vector<1x5120xf32>
    %sub3A_46 = vector.broadcast %broadcast_in_dim3A_45 : vector<1x5120xf32> to vector<11x5120xf32>
    %sub3A_47 = arith.subf %get3A_43, %sub3A_46 : vector<11x5120xf32>
    %exp3A_48 = math.exp %sub3A_47 : vector<11x5120xf32>
    %reduce_sum3A = arith.constant dense<0.000000e+00> : vector<5120xf32>
    %reduce_sum3A_49 = vector.multi_reduction <add>, %exp3A_48, %reduce_sum3A [0] : vector<11x5120xf32> to vector<5120xf32>
    %broadcast_in_dim3A_50 = vector.shape_cast %reduce_sum3A_49 : vector<5120xf32> to vector<1x5120xf32>
    %div3A_51 = vector.broadcast %broadcast_in_dim3A_50 : vector<1x5120xf32> to vector<11x5120xf32>
    %div3A_52 = arith.divf %exp3A_48, %div3A_51 : vector<11x5120xf32>
    %slice3A = vector.extract_strided_slice %div3A_52 {offsets = [1, 0], sizes = [10, 5120], strides = [1, 1]} : vector<11x5120xf32> to vector<10x5120xf32>
    %gt3A = arith.constant 0.00999999977 : f32
    %gt3A_53 = vector.broadcast %gt3A : f32 to vector<10x5120xf32>
    %gt3A_54 = arith.cmpf ogt, %slice3A, %gt3A_53 : vector<10x5120xf32>
    %jit3A_55 = arith.constant 0.000000e+00 : f32
    %broadcast_in_dim3A_56 = vector.broadcast %jit3A_55 : f32 to vector<10x5120xf32>
    %select_n3A_57 = arith.select %gt3A_54, %slice3A, %broadcast_in_dim3A_56 : vector<10x5120xi1>, vector<10x5120xf32>
    %iota3A_58 = tpu.iota {dimensions = array<i32: 1>} : vector<10x5120xi32>
    %lt3A_59 = arith.constant 5000 : i32
    %lt3A_60 = vector.broadcast %lt3A_59 : i32 to vector<10x5120xi32>
    %lt3A_61 = arith.cmpi slt, %iota3A_58, %lt3A_60 : vector<10x5120xi32>
    %jit3A_62 = arith.constant 0.000000e+00 : f32
    %broadcast_in_dim3A_63 = vector.broadcast %jit3A_62 : f32 to vector<10x5120xf32>
    %select_n3A_64 = arith.select %lt3A_61, %select_n3A_57, %broadcast_in_dim3A_63 : vector<10x5120xi1>, vector<10x5120xf32>
    %broadcast_in_dim3A_65 = arith.constant 0.000000e+00 : f32
    %broadcast_in_dim3A_66 = vector.broadcast %broadcast_in_dim3A_65 : f32 to vector<6x5120xf32>
    %concatenate3A_67 = tpu.concatenate %select_n3A_64, %broadcast_in_dim3A_66 in 0 : vector<10x5120xf32>, vector<6x5120xf32> -> vector<16x5120xf32>
    %swap3A_68 = arith.constant 0 : index
    %swap3A_69 = arith.constant 0 : index
    %swap3A_70 = arith.constant 0 : index
    %swap3A_71 = vector.load %arg5[%swap3A_68, %swap3A_69, %swap3A_70] : memref<1x16x5120xf32, #tpu.memory_space<vmem>>, vector<1x16x5120xf32>
    %swap3A_72 = vector.shape_cast %swap3A_71 : vector<1x16x5120xf32> to vector<16x5120xf32>
    %swap3A_73 = vector.shape_cast %concatenate3A_67 : vector<16x5120xf32> to vector<1x16x5120xf32>
    tpu.vector_store %arg5[%swap3A_68, %swap3A_69, %swap3A_70], %swap3A_73 {strides = array<i32>} : memref<1x16x5120xf32, #tpu.memory_space<vmem>>, vector<1x16x5120xf32>,
    return
  }
  func.func @transform_0(%arg0: i32) -> (i32, i32, i32) {
    %c0_i32 = arith.constant 0 : i32
    %c0_i32_0 = arith.constant 0 : i32
    %c0_i32_1 = arith.constant 0 : i32
    return %arg0, %c0_i32, %c0_i32_0 : i32, i32, i32
  }
  func.func @transform_1(%arg0: i32) -> (i32, i32, i32) {
    %c0_i32 = arith.constant 0 : i32
    %c0_i32_0 = arith.constant 0 : i32
    %c0_i32_1 = arith.constant 0 : i32
    return %arg0, %c0_i32, %c0_i32_0 : i32, i32, i32
  }
  func.func @transform_2(%arg0: i32) -> (i32, i32, i32) {
    %c0_i32 = arith.constant 0 : i32
    %c0_i32_0 = arith.constant 0 : i32
    %c0_i32_1 = arith.constant 0 : i32
    return %arg0, %c0_i32, %c0_i32_0 : i32, i32, i32
  }
  func.func @transform_3(%arg0: i32) -> (i32, i32, i32) {
    %c0_i32 = arith.constant 0 : i32
    %c0_i32_0 = arith.constant 0 : i32
    %c0_i32_1 = arith.constant 0 : i32
    return %arg0, %c0_i32, %c0_i32_0 : i32, i32, i32
  }
  func.func @transform_4(%arg0: i32) -> (i32, i32, i32) {
    %c0_i32 = arith.constant 0 : i32
    %c0_i32_0 = arith.constant 0 : i32
    %c0_i32_1 = arith.constant 0 : i32
    return %arg0, %c0_i32, %c0_i32_0 : i32, i32, i32
  }
}

module attributes {stable_mosaic.version = 14 : i64} {
  func.func @_nms_kernel(%arg0: i32, %arg1: i32, %arg2: memref<1x40x2x128xf32, #tpu.memory_space<vmem>>, %arg3: memref<1x40x16x128xf32, #tpu.memory_space<vmem>>, %arg4: memref<1x1024x2xf32, #tpu.memory_space<vmem>>, %arg5: memref<1x1024x16xf32, #tpu.memory_space<vmem>>, %arg6: memref<1x40x8x128xf32, #tpu.memory_space<vmem>>, %arg7: memref<1024x128xf32, #tpu.memory_space<vmem>>, %arg8: memref<1024x128xf32, #tpu.memory_space<vmem>>, %arg9: memref<1024x128xf32, #tpu.memory_space<vmem>>, %arg10: memref<10x1024x128xf32, #tpu.memory_space<vmem>>, %arg11: memref<40x16x128xf32, #tpu.memory_space<vmem>>, %arg12: memref<96xf32, #tpu.memory_space<smem>>) attributes {dimension_semantics = [#tpu.dimension_semantics<arbitrary>, #tpu.dimension_semantics<arbitrary>], iteration_bounds = array<i64: 4, 5>, scalar_prefetch = 0 : i64, scratch_operands = 6 : i64, tpu.core_type = #tpu.core_type<tc>, window_params = [{transform_indices = @transform_0, window_bounds = array<i64: 1, 40, 2, 128>}, {transform_indices = @transform_1, window_bounds = array<i64: 1, 40, 16, 128>}, {transform_indices = @transform_2, window_bounds = array<i64: 1, 1024, 2>}, {transform_indices = @transform_3, window_bounds = array<i64: 1, 1024, 16>}, {transform_indices = @transform_4, window_bounds = array<i64: 1, 40, 8, 128>}]} {
    %get3A = arith.constant 0 : index
    %get3A_0 = arith.constant 0 : index
    %get3A_1 = arith.constant 0 : index
    %get3A_2 = vector.load %arg4[%get3A, %get3A_0, %get3A_1] : memref<1x1024x2xf32, #tpu.memory_space<vmem>>, vector<1x1024x1xf32>
    %get3A_3 = vector.shape_cast %get3A_2 : vector<1x1024x1xf32> to vector<1024x1xf32>
    %get3A_4 = arith.constant 0 : index
    %get3A_5 = arith.constant 0 : index
    %get3A_6 = arith.constant 1 : index
    %get3A_7 = vector.load %arg4[%get3A_4, %get3A_5, %get3A_6] : memref<1x1024x2xf32, #tpu.memory_space<vmem>>, vector<1x1024x1xf32>
    %get3A_8 = vector.shape_cast %get3A_7 : vector<1x1024x1xf32> to vector<1024x1xf32>
    %broadcast_in_dim3A = vector.shape_cast %get3A_3 : vector<1024x1xf32> to vector<1024x1xf32>
    %broadcast_in_dim3A_9 = vector.broadcast %broadcast_in_dim3A : vector<1024x1xf32> to vector<1024x128xf32>
    %swap3A = arith.constant 0 : index
    %swap3A_10 = arith.constant 0 : index
    %swap3A_11 = vector.load %arg7[%swap3A, %swap3A_10] : memref<1024x128xf32, #tpu.memory_space<vmem>>, vector<1024x128xf32>
    tpu.vector_store %arg7[%swap3A, %swap3A_10], %broadcast_in_dim3A_9 {strides = array<i32>} : memref<1024x128xf32, #tpu.memory_space<vmem>>, vector<1024x128xf32>,
    %broadcast_in_dim3A_12 = vector.shape_cast %get3A_8 : vector<1024x1xf32> to vector<1024x1xf32>
    %broadcast_in_dim3A_13 = vector.broadcast %broadcast_in_dim3A_12 : vector<1024x1xf32> to vector<1024x128xf32>
    %swap3A_14 = arith.constant 0 : index
    %swap3A_15 = arith.constant 0 : index
    %swap3A_16 = vector.load %arg8[%swap3A_14, %swap3A_15] : memref<1024x128xf32, #tpu.memory_space<vmem>>, vector<1024x128xf32>
    tpu.vector_store %arg8[%swap3A_14, %swap3A_15], %broadcast_in_dim3A_13 {strides = array<i32>} : memref<1024x128xf32, #tpu.memory_space<vmem>>, vector<1024x128xf32>,
    %sub3A = arith.subf %get3A_8, %get3A_3 : vector<1024x1xf32>
    %mul3A = arith.constant 0.310344815 : f32
    %mul3A_17 = vector.broadcast %mul3A : f32 to vector<1024x1xf32>
    %mul3A_18 = arith.mulf %sub3A, %mul3A_17 : vector<1024x1xf32>
    %broadcast_in_dim3A_19 = vector.shape_cast %mul3A_18 : vector<1024x1xf32> to vector<1024x1xf32>
    %broadcast_in_dim3A_20 = vector.broadcast %broadcast_in_dim3A_19 : vector<1024x1xf32> to vector<1024x128xf32>
    %swap3A_21 = arith.constant 0 : index
    %swap3A_22 = arith.constant 0 : index
    %swap3A_23 = vector.load %arg9[%swap3A_21, %swap3A_22] : memref<1024x128xf32, #tpu.memory_space<vmem>>, vector<1024x128xf32>
    tpu.vector_store %arg9[%swap3A_21, %swap3A_22], %broadcast_in_dim3A_20 {strides = array<i32>} : memref<1024x128xf32, #tpu.memory_space<vmem>>, vector<1024x128xf32>,
    %get3A_24 = arith.constant 0 : index
    %get3A_25 = arith.constant 0 : index
    %get3A_26 = arith.constant 0 : index
    %get3A_27 = vector.load %arg5[%get3A_24, %get3A_25, %get3A_26] : memref<1x1024x16xf32, #tpu.memory_space<vmem>>, vector<1x1024x1xf32>
    %get3A_28 = vector.shape_cast %get3A_27 : vector<1x1024x1xf32> to vector<1024x1xf32>
    %broadcast_in_dim3A_29 = vector.shape_cast %get3A_28 : vector<1024x1xf32> to vector<1024x1xf32>
    %broadcast_in_dim3A_30 = vector.broadcast %broadcast_in_dim3A_29 : vector<1024x1xf32> to vector<1024x128xf32>
    %swap3A_31 = arith.constant 0 : index
    %swap3A_32 = arith.constant 0 : index
    %swap3A_33 = arith.constant 0 : index
    %swap3A_34 = vector.load %arg10[%swap3A_31, %swap3A_32, %swap3A_33] : memref<10x1024x128xf32, #tpu.memory_space<vmem>>, vector<1x1024x128xf32>
    %swap3A_35 = vector.shape_cast %swap3A_34 : vector<1x1024x128xf32> to vector<1024x128xf32>
    %swap3A_36 = vector.shape_cast %broadcast_in_dim3A_30 : vector<1024x128xf32> to vector<1x1024x128xf32>
    tpu.vector_store %arg10[%swap3A_31, %swap3A_32, %swap3A_33], %swap3A_36 {strides = array<i32>} : memref<10x1024x128xf32, #tpu.memory_space<vmem>>, vector<1x1024x128xf32>,
    %get3A_37 = arith.constant 0 : index
    %get3A_38 = arith.constant 0 : index
    %get3A_39 = arith.constant 1 : index
    %get3A_40 = vector.load %arg5[%get3A_37, %get3A_38, %get3A_39] : memref<1x1024x16xf32, #tpu.memory_space<vmem>>, vector<1x1024x1xf32>
    %get3A_41 = vector.shape_cast %get3A_40 : vector<1x1024x1xf32> to vector<1024x1xf32>
    %broadcast_in_dim3A_42 = vector.shape_cast %get3A_41 : vector<1024x1xf32> to vector<1024x1xf32>
    %broadcast_in_dim3A_43 = vector.broadcast %broadcast_in_dim3A_42 : vector<1024x1xf32> to vector<1024x128xf32>
    %swap3A_44 = arith.constant 1 : index
    %swap3A_45 = arith.constant 0 : index
    %swap3A_46 = arith.constant 0 : index
    %swap3A_47 = vector.load %arg10[%swap3A_44, %swap3A_45, %swap3A_46] : memref<10x1024x128xf32, #tpu.memory_space<vmem>>, vector<1x1024x128xf32>
    %swap3A_48 = vector.shape_cast %swap3A_47 : vector<1x1024x128xf32> to vector<1024x128xf32>
    %swap3A_49 = vector.shape_cast %broadcast_in_dim3A_43 : vector<1024x128xf32> to vector<1x1024x128xf32>
    tpu.vector_store %arg10[%swap3A_44, %swap3A_45, %swap3A_46], %swap3A_49 {strides = array<i32>} : memref<10x1024x128xf32, #tpu.memory_space<vmem>>, vector<1x1024x128xf32>,
    %get3A_50 = arith.constant 0 : index
    %get3A_51 = arith.constant 0 : index
    %get3A_52 = arith.constant 2 : index
    %get3A_53 = vector.load %arg5[%get3A_50, %get3A_51, %get3A_52] : memref<1x1024x16xf32, #tpu.memory_space<vmem>>, vector<1x1024x1xf32>
    %get3A_54 = vector.shape_cast %get3A_53 : vector<1x1024x1xf32> to vector<1024x1xf32>
    %broadcast_in_dim3A_55 = vector.shape_cast %get3A_54 : vector<1024x1xf32> to vector<1024x1xf32>
    %broadcast_in_dim3A_56 = vector.broadcast %broadcast_in_dim3A_55 : vector<1024x1xf32> to vector<1024x128xf32>
    %swap3A_57 = arith.constant 2 : index
    %swap3A_58 = arith.constant 0 : index
    %swap3A_59 = arith.constant 0 : index
    %swap3A_60 = vector.load %arg10[%swap3A_57, %swap3A_58, %swap3A_59] : memref<10x1024x128xf32, #tpu.memory_space<vmem>>, vector<1x1024x128xf32>
    %swap3A_61 = vector.shape_cast %swap3A_60 : vector<1x1024x128xf32> to vector<1024x128xf32>
    %swap3A_62 = vector.shape_cast %broadcast_in_dim3A_56 : vector<1024x128xf32> to vector<1x1024x128xf32>
    tpu.vector_store %arg10[%swap3A_57, %swap3A_58, %swap3A_59], %swap3A_62 {strides = array<i32>} : memref<10x1024x128xf32, #tpu.memory_space<vmem>>, vector<1x1024x128xf32>,
    %get3A_63 = arith.constant 0 : index
    %get3A_64 = arith.constant 0 : index
    %get3A_65 = arith.constant 3 : index
    %get3A_66 = vector.load %arg5[%get3A_63, %get3A_64, %get3A_65] : memref<1x1024x16xf32, #tpu.memory_space<vmem>>, vector<1x1024x1xf32>
    %get3A_67 = vector.shape_cast %get3A_66 : vector<1x1024x1xf32> to vector<1024x1xf32>
    %broadcast_in_dim3A_68 = vector.shape_cast %get3A_67 : vector<1024x1xf32> to vector<1024x1xf32>
    %broadcast_in_dim3A_69 = vector.broadcast %broadcast_in_dim3A_68 : vector<1024x1xf32> to vector<1024x128xf32>
    %swap3A_70 = arith.constant 3 : index
    %swap3A_71 = arith.constant 0 : index
    %swap3A_72 = arith.constant 0 : index
    %swap3A_73 = vector.load %arg10[%swap3A_70, %swap3A_71, %swap3A_72] : memref<10x1024x128xf32, #tpu.memory_space<vmem>>, vector<1x1024x128xf32>
    %swap3A_74 = vector.shape_cast %swap3A_73 : vector<1x1024x128xf32> to vector<1024x128xf32>
    %swap3A_75 = vector.shape_cast %broadcast_in_dim3A_69 : vector<1024x128xf32> to vector<1x1024x128xf32>
    tpu.vector_store %arg10[%swap3A_70, %swap3A_71, %swap3A_72], %swap3A_75 {strides = array<i32>} : memref<10x1024x128xf32, #tpu.memory_space<vmem>>, vector<1x1024x128xf32>,
    %get3A_76 = arith.constant 0 : index
    %get3A_77 = arith.constant 0 : index
    %get3A_78 = arith.constant 4 : index
    %get3A_79 = vector.load %arg5[%get3A_76, %get3A_77, %get3A_78] : memref<1x1024x16xf32, #tpu.memory_space<vmem>>, vector<1x1024x1xf32>
    %get3A_80 = vector.shape_cast %get3A_79 : vector<1x1024x1xf32> to vector<1024x1xf32>
    %broadcast_in_dim3A_81 = vector.shape_cast %get3A_80 : vector<1024x1xf32> to vector<1024x1xf32>
    %broadcast_in_dim3A_82 = vector.broadcast %broadcast_in_dim3A_81 : vector<1024x1xf32> to vector<1024x128xf32>
    %swap3A_83 = arith.constant 4 : index
    %swap3A_84 = arith.constant 0 : index
    %swap3A_85 = arith.constant 0 : index
    %swap3A_86 = vector.load %arg10[%swap3A_83, %swap3A_84, %swap3A_85] : memref<10x1024x128xf32, #tpu.memory_space<vmem>>, vector<1x1024x128xf32>
    %swap3A_87 = vector.shape_cast %swap3A_86 : vector<1x1024x128xf32> to vector<1024x128xf32>
    %swap3A_88 = vector.shape_cast %broadcast_in_dim3A_82 : vector<1024x128xf32> to vector<1x1024x128xf32>
    tpu.vector_store %arg10[%swap3A_83, %swap3A_84, %swap3A_85], %swap3A_88 {strides = array<i32>} : memref<10x1024x128xf32, #tpu.memory_space<vmem>>, vector<1x1024x128xf32>,
    %get3A_89 = arith.constant 0 : index
    %get3A_90 = arith.constant 0 : index
    %get3A_91 = arith.constant 5 : index
    %get3A_92 = vector.load %arg5[%get3A_89, %get3A_90, %get3A_91] : memref<1x1024x16xf32, #tpu.memory_space<vmem>>, vector<1x1024x1xf32>
    %get3A_93 = vector.shape_cast %get3A_92 : vector<1x1024x1xf32> to vector<1024x1xf32>
    %broadcast_in_dim3A_94 = vector.shape_cast %get3A_93 : vector<1024x1xf32> to vector<1024x1xf32>
    %broadcast_in_dim3A_95 = vector.broadcast %broadcast_in_dim3A_94 : vector<1024x1xf32> to vector<1024x128xf32>
    %swap3A_96 = arith.constant 5 : index
    %swap3A_97 = arith.constant 0 : index
    %swap3A_98 = arith.constant 0 : index
    %swap3A_99 = vector.load %arg10[%swap3A_96, %swap3A_97, %swap3A_98] : memref<10x1024x128xf32, #tpu.memory_space<vmem>>, vector<1x1024x128xf32>
    %swap3A_100 = vector.shape_cast %swap3A_99 : vector<1x1024x128xf32> to vector<1024x128xf32>
    %swap3A_101 = vector.shape_cast %broadcast_in_dim3A_95 : vector<1024x128xf32> to vector<1x1024x128xf32>
    tpu.vector_store %arg10[%swap3A_96, %swap3A_97, %swap3A_98], %swap3A_101 {strides = array<i32>} : memref<10x1024x128xf32, #tpu.memory_space<vmem>>, vector<1x1024x128xf32>,
    %get3A_102 = arith.constant 0 : index
    %get3A_103 = arith.constant 0 : index
    %get3A_104 = arith.constant 6 : index
    %get3A_105 = vector.load %arg5[%get3A_102, %get3A_103, %get3A_104] : memref<1x1024x16xf32, #tpu.memory_space<vmem>>, vector<1x1024x1xf32>
    %get3A_106 = vector.shape_cast %get3A_105 : vector<1x1024x1xf32> to vector<1024x1xf32>
    %broadcast_in_dim3A_107 = vector.shape_cast %get3A_106 : vector<1024x1xf32> to vector<1024x1xf32>
    %broadcast_in_dim3A_108 = vector.broadcast %broadcast_in_dim3A_107 : vector<1024x1xf32> to vector<1024x128xf32>
    %swap3A_109 = arith.constant 6 : index
    %swap3A_110 = arith.constant 0 : index
    %swap3A_111 = arith.constant 0 : index
    %swap3A_112 = vector.load %arg10[%swap3A_109, %swap3A_110, %swap3A_111] : memref<10x1024x128xf32, #tpu.memory_space<vmem>>, vector<1x1024x128xf32>
    %swap3A_113 = vector.shape_cast %swap3A_112 : vector<1x1024x128xf32> to vector<1024x128xf32>
    %swap3A_114 = vector.shape_cast %broadcast_in_dim3A_108 : vector<1024x128xf32> to vector<1x1024x128xf32>
    tpu.vector_store %arg10[%swap3A_109, %swap3A_110, %swap3A_111], %swap3A_114 {strides = array<i32>} : memref<10x1024x128xf32, #tpu.memory_space<vmem>>, vector<1x1024x128xf32>,
    %get3A_115 = arith.constant 0 : index
    %get3A_116 = arith.constant 0 : index
    %get3A_117 = arith.constant 7 : index
    %get3A_118 = vector.load %arg5[%get3A_115, %get3A_116, %get3A_117] : memref<1x1024x16xf32, #tpu.memory_space<vmem>>, vector<1x1024x1xf32>
    %get3A_119 = vector.shape_cast %get3A_118 : vector<1x1024x1xf32> to vector<1024x1xf32>
    %broadcast_in_dim3A_120 = vector.shape_cast %get3A_119 : vector<1024x1xf32> to vector<1024x1xf32>
    %broadcast_in_dim3A_121 = vector.broadcast %broadcast_in_dim3A_120 : vector<1024x1xf32> to vector<1024x128xf32>
    %swap3A_122 = arith.constant 7 : index
    %swap3A_123 = arith.constant 0 : index
    %swap3A_124 = arith.constant 0 : index
    %swap3A_125 = vector.load %arg10[%swap3A_122, %swap3A_123, %swap3A_124] : memref<10x1024x128xf32, #tpu.memory_space<vmem>>, vector<1x1024x128xf32>
    %swap3A_126 = vector.shape_cast %swap3A_125 : vector<1x1024x128xf32> to vector<1024x128xf32>
    %swap3A_127 = vector.shape_cast %broadcast_in_dim3A_121 : vector<1024x128xf32> to vector<1x1024x128xf32>
    tpu.vector_store %arg10[%swap3A_122, %swap3A_123, %swap3A_124], %swap3A_127 {strides = array<i32>} : memref<10x1024x128xf32, #tpu.memory_space<vmem>>, vector<1x1024x128xf32>,
    %get3A_128 = arith.constant 0 : index
    %get3A_129 = arith.constant 0 : index
    %get3A_130 = arith.constant 8 : index
    %get3A_131 = vector.load %arg5[%get3A_128, %get3A_129, %get3A_130] : memref<1x1024x16xf32, #tpu.memory_space<vmem>>, vector<1x1024x1xf32>
    %get3A_132 = vector.shape_cast %get3A_131 : vector<1x1024x1xf32> to vector<1024x1xf32>
    %broadcast_in_dim3A_133 = vector.shape_cast %get3A_132 : vector<1024x1xf32> to vector<1024x1xf32>
    %broadcast_in_dim3A_134 = vector.broadcast %broadcast_in_dim3A_133 : vector<1024x1xf32> to vector<1024x128xf32>
    %swap3A_135 = arith.constant 8 : index
    %swap3A_136 = arith.constant 0 : index
    %swap3A_137 = arith.constant 0 : index
    %swap3A_138 = vector.load %arg10[%swap3A_135, %swap3A_136, %swap3A_137] : memref<10x1024x128xf32, #tpu.memory_space<vmem>>, vector<1x1024x128xf32>
    %swap3A_139 = vector.shape_cast %swap3A_138 : vector<1x1024x128xf32> to vector<1024x128xf32>
    %swap3A_140 = vector.shape_cast %broadcast_in_dim3A_134 : vector<1024x128xf32> to vector<1x1024x128xf32>
    tpu.vector_store %arg10[%swap3A_135, %swap3A_136, %swap3A_137], %swap3A_140 {strides = array<i32>} : memref<10x1024x128xf32, #tpu.memory_space<vmem>>, vector<1x1024x128xf32>,
    %get3A_141 = arith.constant 0 : index
    %get3A_142 = arith.constant 0 : index
    %get3A_143 = arith.constant 9 : index
    %get3A_144 = vector.load %arg5[%get3A_141, %get3A_142, %get3A_143] : memref<1x1024x16xf32, #tpu.memory_space<vmem>>, vector<1x1024x1xf32>
    %get3A_145 = vector.shape_cast %get3A_144 : vector<1x1024x1xf32> to vector<1024x1xf32>
    %broadcast_in_dim3A_146 = vector.shape_cast %get3A_145 : vector<1024x1xf32> to vector<1024x1xf32>
    %broadcast_in_dim3A_147 = vector.broadcast %broadcast_in_dim3A_146 : vector<1024x1xf32> to vector<1024x128xf32>
    %swap3A_148 = arith.constant 9 : index
    %swap3A_149 = arith.constant 0 : index
    %swap3A_150 = arith.constant 0 : index
    %swap3A_151 = vector.load %arg10[%swap3A_148, %swap3A_149, %swap3A_150] : memref<10x1024x128xf32, #tpu.memory_space<vmem>>, vector<1x1024x128xf32>
    %swap3A_152 = vector.shape_cast %swap3A_151 : vector<1x1024x128xf32> to vector<1024x128xf32>
    %swap3A_153 = vector.shape_cast %broadcast_in_dim3A_147 : vector<1024x128xf32> to vector<1x1024x128xf32>
    tpu.vector_store %arg10[%swap3A_148, %swap3A_149, %swap3A_150], %swap3A_153 {strides = array<i32>} : memref<10x1024x128xf32, #tpu.memory_space<vmem>>, vector<1x1024x128xf32>,
    %lt3A = arith.constant 1.000000e+06 : f32
    %lt3A_154 = vector.broadcast %lt3A : f32 to vector<1024x1xf32>
    %lt3A_155 = arith.cmpf olt, %get3A_3, %lt3A_154 : vector<1024x1xf32>
    %jit3A = arith.constant -1.000000e+06 : f32
    %broadcast_in_dim3A_156 = vector.broadcast %jit3A : f32 to vector<1024x1xf32>
    %select_n3A = arith.select %lt3A_155, %get3A_8, %broadcast_in_dim3A_156 : vector<1024x1xi1>, vector<1024x1xf32>
    %reduce_min3A = vector.shape_cast %get3A_3 : vector<1024x1xf32> to vector<1x1024x1xf32>
    %reduce_min3A_157 = arith.constant dense<0x7F800000> : vector<1xf32>
    %reduce_min3A_158 = vector.multi_reduction <minimumf>, %reduce_min3A, %reduce_min3A_157 [1, 2] : vector<1x1024x1xf32> to vector<1xf32>
    %reduce_min3A_159 = vector.shape_cast %reduce_min3A_158 : vector<1xf32> to vector<1x1x1xf32>
    %reduce_min3A_160 = vector.extract %reduce_min3A_159[0, 0, 0] : f32 from vector<1x1x1xf32>
    %reduce_max3A = vector.shape_cast %select_n3A : vector<1024x1xf32> to vector<1x1024x1xf32>
    %reduce_max3A_161 = arith.constant dense<0xFF800000> : vector<1xf32>
    %reduce_max3A_162 = vector.multi_reduction <maximumf>, %reduce_max3A, %reduce_max3A_161 [1, 2] : vector<1x1024x1xf32> to vector<1xf32>
    %reduce_max3A_163 = vector.shape_cast %reduce_max3A_162 : vector<1xf32> to vector<1x1x1xf32>
    %reduce_max3A_164 = vector.extract %reduce_max3A_163[0, 0, 0] : f32 from vector<1x1x1xf32>
    %slice3A = vector.extract_strided_slice %get3A_3 {offsets = [0, 0], sizes = [128, 1], strides = [1, 1]} : vector<1024x1xf32> to vector<128x1xf32>
    %reduce_min3A_165 = vector.shape_cast %slice3A : vector<128x1xf32> to vector<1x128x1xf32>
    %reduce_min3A_166 = arith.constant dense<0x7F800000> : vector<1xf32>
    %reduce_min3A_167 = vector.multi_reduction <minimumf>, %reduce_min3A_165, %reduce_min3A_166 [1, 2] : vector<1x128x1xf32> to vector<1xf32>
    %reduce_min3A_168 = vector.shape_cast %reduce_min3A_167 : vector<1xf32> to vector<1x1x1xf32>
    %reduce_min3A_169 = vector.extract %reduce_min3A_168[0, 0, 0] : f32 from vector<1x1x1xf32>
    %swap3A_170 = arith.constant 80 : index
    %swap3A_171 = memref.load %arg12[%swap3A_170] : memref<96xf32, #tpu.memory_space<smem>>
    memref.store %reduce_min3A_169, %arg12[%swap3A_170] : memref<96xf32, #tpu.memory_space<smem>>
    %slice3A_172 = vector.extract_strided_slice %select_n3A {offsets = [0, 0], sizes = [128, 1], strides = [1, 1]} : vector<1024x1xf32> to vector<128x1xf32>
    %reduce_max3A_173 = vector.shape_cast %slice3A_172 : vector<128x1xf32> to vector<1x128x1xf32>
    %reduce_max3A_174 = arith.constant dense<0xFF800000> : vector<1xf32>
    %reduce_max3A_175 = vector.multi_reduction <maximumf>, %reduce_max3A_173, %reduce_max3A_174 [1, 2] : vector<1x128x1xf32> to vector<1xf32>
    %reduce_max3A_176 = vector.shape_cast %reduce_max3A_175 : vector<1xf32> to vector<1x1x1xf32>
    %reduce_max3A_177 = vector.extract %reduce_max3A_176[0, 0, 0] : f32 from vector<1x1x1xf32>
    %swap3A_178 = arith.constant 81 : index
    %swap3A_179 = memref.load %arg12[%swap3A_178] : memref<96xf32, #tpu.memory_space<smem>>
    memref.store %reduce_max3A_177, %arg12[%swap3A_178] : memref<96xf32, #tpu.memory_space<smem>>
    %slice3A_180 = vector.extract_strided_slice %get3A_3 {offsets = [128, 0], sizes = [128, 1], strides = [1, 1]} : vector<1024x1xf32> to vector<128x1xf32>
    %reduce_min3A_181 = vector.shape_cast %slice3A_180 : vector<128x1xf32> to vector<1x128x1xf32>
    %reduce_min3A_182 = arith.constant dense<0x7F800000> : vector<1xf32>
    %reduce_min3A_183 = vector.multi_reduction <minimumf>, %reduce_min3A_181, %reduce_min3A_182 [1, 2] : vector<1x128x1xf32> to vector<1xf32>
    %reduce_min3A_184 = vector.shape_cast %reduce_min3A_183 : vector<1xf32> to vector<1x1x1xf32>
    %reduce_min3A_185 = vector.extract %reduce_min3A_184[0, 0, 0] : f32 from vector<1x1x1xf32>
    %swap3A_186 = arith.constant 82 : index
    %swap3A_187 = memref.load %arg12[%swap3A_186] : memref<96xf32, #tpu.memory_space<smem>>
    memref.store %reduce_min3A_185, %arg12[%swap3A_186] : memref<96xf32, #tpu.memory_space<smem>>
    %slice3A_188 = vector.extract_strided_slice %select_n3A {offsets = [128, 0], sizes = [128, 1], strides = [1, 1]} : vector<1024x1xf32> to vector<128x1xf32>
    %reduce_max3A_189 = vector.shape_cast %slice3A_188 : vector<128x1xf32> to vector<1x128x1xf32>
    %reduce_max3A_190 = arith.constant dense<0xFF800000> : vector<1xf32>
    %reduce_max3A_191 = vector.multi_reduction <maximumf>, %reduce_max3A_189, %reduce_max3A_190 [1, 2] : vector<1x128x1xf32> to vector<1xf32>
    %reduce_max3A_192 = vector.shape_cast %reduce_max3A_191 : vector<1xf32> to vector<1x1x1xf32>
    %reduce_max3A_193 = vector.extract %reduce_max3A_192[0, 0, 0] : f32 from vector<1x1x1xf32>
    %swap3A_194 = arith.constant 83 : index
    %swap3A_195 = memref.load %arg12[%swap3A_194] : memref<96xf32, #tpu.memory_space<smem>>
    memref.store %reduce_max3A_193, %arg12[%swap3A_194] : memref<96xf32, #tpu.memory_space<smem>>
    %slice3A_196 = vector.extract_strided_slice %get3A_3 {offsets = [256, 0], sizes = [128, 1], strides = [1, 1]} : vector<1024x1xf32> to vector<128x1xf32>
    %reduce_min3A_197 = vector.shape_cast %slice3A_196 : vector<128x1xf32> to vector<1x128x1xf32>
    %reduce_min3A_198 = arith.constant dense<0x7F800000> : vector<1xf32>
    %reduce_min3A_199 = vector.multi_reduction <minimumf>, %reduce_min3A_197, %reduce_min3A_198 [1, 2] : vector<1x128x1xf32> to vector<1xf32>
    %reduce_min3A_200 = vector.shape_cast %reduce_min3A_199 : vector<1xf32> to vector<1x1x1xf32>
    %reduce_min3A_201 = vector.extract %reduce_min3A_200[0, 0, 0] : f32 from vector<1x1x1xf32>
    %swap3A_202 = arith.constant 84 : index
    %swap3A_203 = memref.load %arg12[%swap3A_202] : memref<96xf32, #tpu.memory_space<smem>>
    memref.store %reduce_min3A_201, %arg12[%swap3A_202] : memref<96xf32, #tpu.memory_space<smem>>
    %slice3A_204 = vector.extract_strided_slice %select_n3A {offsets = [256, 0], sizes = [128, 1], strides = [1, 1]} : vector<1024x1xf32> to vector<128x1xf32>
    %reduce_max3A_205 = vector.shape_cast %slice3A_204 : vector<128x1xf32> to vector<1x128x1xf32>
    %reduce_max3A_206 = arith.constant dense<0xFF800000> : vector<1xf32>
    %reduce_max3A_207 = vector.multi_reduction <maximumf>, %reduce_max3A_205, %reduce_max3A_206 [1, 2] : vector<1x128x1xf32> to vector<1xf32>
    %reduce_max3A_208 = vector.shape_cast %reduce_max3A_207 : vector<1xf32> to vector<1x1x1xf32>
    %reduce_max3A_209 = vector.extract %reduce_max3A_208[0, 0, 0] : f32 from vector<1x1x1xf32>
    %swap3A_210 = arith.constant 85 : index
    %swap3A_211 = memref.load %arg12[%swap3A_210] : memref<96xf32, #tpu.memory_space<smem>>
    memref.store %reduce_max3A_209, %arg12[%swap3A_210] : memref<96xf32, #tpu.memory_space<smem>>
    %slice3A_212 = vector.extract_strided_slice %get3A_3 {offsets = [384, 0], sizes = [128, 1], strides = [1, 1]} : vector<1024x1xf32> to vector<128x1xf32>
    %reduce_min3A_213 = vector.shape_cast %slice3A_212 : vector<128x1xf32> to vector<1x128x1xf32>
    %reduce_min3A_214 = arith.constant dense<0x7F800000> : vector<1xf32>
    %reduce_min3A_215 = vector.multi_reduction <minimumf>, %reduce_min3A_213, %reduce_min3A_214 [1, 2] : vector<1x128x1xf32> to vector<1xf32>
    %reduce_min3A_216 = vector.shape_cast %reduce_min3A_215 : vector<1xf32> to vector<1x1x1xf32>
    %reduce_min3A_217 = vector.extract %reduce_min3A_216[0, 0, 0] : f32 from vector<1x1x1xf32>
    %swap3A_218 = arith.constant 86 : index
    %swap3A_219 = memref.load %arg12[%swap3A_218] : memref<96xf32, #tpu.memory_space<smem>>
    memref.store %reduce_min3A_217, %arg12[%swap3A_218] : memref<96xf32, #tpu.memory_space<smem>>
    %slice3A_220 = vector.extract_strided_slice %select_n3A {offsets = [384, 0], sizes = [128, 1], strides = [1, 1]} : vector<1024x1xf32> to vector<128x1xf32>
    %reduce_max3A_221 = vector.shape_cast %slice3A_220 : vector<128x1xf32> to vector<1x128x1xf32>
    %reduce_max3A_222 = arith.constant dense<0xFF800000> : vector<1xf32>
    %reduce_max3A_223 = vector.multi_reduction <maximumf>, %reduce_max3A_221, %reduce_max3A_222 [1, 2] : vector<1x128x1xf32> to vector<1xf32>
    %reduce_max3A_224 = vector.shape_cast %reduce_max3A_223 : vector<1xf32> to vector<1x1x1xf32>
    %reduce_max3A_225 = vector.extract %reduce_max3A_224[0, 0, 0] : f32 from vector<1x1x1xf32>
    %swap3A_226 = arith.constant 87 : index
    %swap3A_227 = memref.load %arg12[%swap3A_226] : memref<96xf32, #tpu.memory_space<smem>>
    memref.store %reduce_max3A_225, %arg12[%swap3A_226] : memref<96xf32, #tpu.memory_space<smem>>
    %slice3A_228 = vector.extract_strided_slice %get3A_3 {offsets = [512, 0], sizes = [128, 1], strides = [1, 1]} : vector<1024x1xf32> to vector<128x1xf32>
    %reduce_min3A_229 = vector.shape_cast %slice3A_228 : vector<128x1xf32> to vector<1x128x1xf32>
    %reduce_min3A_230 = arith.constant dense<0x7F800000> : vector<1xf32>
    %reduce_min3A_231 = vector.multi_reduction <minimumf>, %reduce_min3A_229, %reduce_min3A_230 [1, 2] : vector<1x128x1xf32> to vector<1xf32>
    %reduce_min3A_232 = vector.shape_cast %reduce_min3A_231 : vector<1xf32> to vector<1x1x1xf32>
    %reduce_min3A_233 = vector.extract %reduce_min3A_232[0, 0, 0] : f32 from vector<1x1x1xf32>
    %swap3A_234 = arith.constant 88 : index
    %swap3A_235 = memref.load %arg12[%swap3A_234] : memref<96xf32, #tpu.memory_space<smem>>
    memref.store %reduce_min3A_233, %arg12[%swap3A_234] : memref<96xf32, #tpu.memory_space<smem>>
    %slice3A_236 = vector.extract_strided_slice %select_n3A {offsets = [512, 0], sizes = [128, 1], strides = [1, 1]} : vector<1024x1xf32> to vector<128x1xf32>
    %reduce_max3A_237 = vector.shape_cast %slice3A_236 : vector<128x1xf32> to vector<1x128x1xf32>
    %reduce_max3A_238 = arith.constant dense<0xFF800000> : vector<1xf32>
    %reduce_max3A_239 = vector.multi_reduction <maximumf>, %reduce_max3A_237, %reduce_max3A_238 [1, 2] : vector<1x128x1xf32> to vector<1xf32>
    %reduce_max3A_240 = vector.shape_cast %reduce_max3A_239 : vector<1xf32> to vector<1x1x1xf32>
    %reduce_max3A_241 = vector.extract %reduce_max3A_240[0, 0, 0] : f32 from vector<1x1x1xf32>
    %swap3A_242 = arith.constant 89 : index
    %swap3A_243 = memref.load %arg12[%swap3A_242] : memref<96xf32, #tpu.memory_space<smem>>
    memref.store %reduce_max3A_241, %arg12[%swap3A_242] : memref<96xf32, #tpu.memory_space<smem>>
    %slice3A_244 = vector.extract_strided_slice %get3A_3 {offsets = [640, 0], sizes = [128, 1], strides = [1, 1]} : vector<1024x1xf32> to vector<128x1xf32>
    %reduce_min3A_245 = vector.shape_cast %slice3A_244 : vector<128x1xf32> to vector<1x128x1xf32>
    %reduce_min3A_246 = arith.constant dense<0x7F800000> : vector<1xf32>
    %reduce_min3A_247 = vector.multi_reduction <minimumf>, %reduce_min3A_245, %reduce_min3A_246 [1, 2] : vector<1x128x1xf32> to vector<1xf32>
    %reduce_min3A_248 = vector.shape_cast %reduce_min3A_247 : vector<1xf32> to vector<1x1x1xf32>
    %reduce_min3A_249 = vector.extract %reduce_min3A_248[0, 0, 0] : f32 from vector<1x1x1xf32>
    %swap3A_250 = arith.constant 90 : index
    %swap3A_251 = memref.load %arg12[%swap3A_250] : memref<96xf32, #tpu.memory_space<smem>>
    memref.store %reduce_min3A_249, %arg12[%swap3A_250] : memref<96xf32, #tpu.memory_space<smem>>
    %slice3A_252 = vector.extract_strided_slice %select_n3A {offsets = [640, 0], sizes = [128, 1], strides = [1, 1]} : vector<1024x1xf32> to vector<128x1xf32>
    %reduce_max3A_253 = vector.shape_cast %slice3A_252 : vector<128x1xf32> to vector<1x128x1xf32>
    %reduce_max3A_254 = arith.constant dense<0xFF800000> : vector<1xf32>
    %reduce_max3A_255 = vector.multi_reduction <maximumf>, %reduce_max3A_253, %reduce_max3A_254 [1, 2] : vector<1x128x1xf32> to vector<1xf32>
    %reduce_max3A_256 = vector.shape_cast %reduce_max3A_255 : vector<1xf32> to vector<1x1x1xf32>
    %reduce_max3A_257 = vector.extract %reduce_max3A_256[0, 0, 0] : f32 from vector<1x1x1xf32>
    %swap3A_258 = arith.constant 91 : index
    %swap3A_259 = memref.load %arg12[%swap3A_258] : memref<96xf32, #tpu.memory_space<smem>>
    memref.store %reduce_max3A_257, %arg12[%swap3A_258] : memref<96xf32, #tpu.memory_space<smem>>
    %slice3A_260 = vector.extract_strided_slice %get3A_3 {offsets = [768, 0], sizes = [128, 1], strides = [1, 1]} : vector<1024x1xf32> to vector<128x1xf32>
    %reduce_min3A_261 = vector.shape_cast %slice3A_260 : vector<128x1xf32> to vector<1x128x1xf32>
    %reduce_min3A_262 = arith.constant dense<0x7F800000> : vector<1xf32>
    %reduce_min3A_263 = vector.multi_reduction <minimumf>, %reduce_min3A_261, %reduce_min3A_262 [1, 2] : vector<1x128x1xf32> to vector<1xf32>
    %reduce_min3A_264 = vector.shape_cast %reduce_min3A_263 : vector<1xf32> to vector<1x1x1xf32>
    %reduce_min3A_265 = vector.extract %reduce_min3A_264[0, 0, 0] : f32 from vector<1x1x1xf32>
    %swap3A_266 = arith.constant 92 : index
    %swap3A_267 = memref.load %arg12[%swap3A_266] : memref<96xf32, #tpu.memory_space<smem>>
    memref.store %reduce_min3A_265, %arg12[%swap3A_266] : memref<96xf32, #tpu.memory_space<smem>>
    %slice3A_268 = vector.extract_strided_slice %select_n3A {offsets = [768, 0], sizes = [128, 1], strides = [1, 1]} : vector<1024x1xf32> to vector<128x1xf32>
    %reduce_max3A_269 = vector.shape_cast %slice3A_268 : vector<128x1xf32> to vector<1x128x1xf32>
    %reduce_max3A_270 = arith.constant dense<0xFF800000> : vector<1xf32>
    %reduce_max3A_271 = vector.multi_reduction <maximumf>, %reduce_max3A_269, %reduce_max3A_270 [1, 2] : vector<1x128x1xf32> to vector<1xf32>
    %reduce_max3A_272 = vector.shape_cast %reduce_max3A_271 : vector<1xf32> to vector<1x1x1xf32>
    %reduce_max3A_273 = vector.extract %reduce_max3A_272[0, 0, 0] : f32 from vector<1x1x1xf32>
    %swap3A_274 = arith.constant 93 : index
    %swap3A_275 = memref.load %arg12[%swap3A_274] : memref<96xf32, #tpu.memory_space<smem>>
    memref.store %reduce_max3A_273, %arg12[%swap3A_274] : memref<96xf32, #tpu.memory_space<smem>>
    %slice3A_276 = vector.extract_strided_slice %get3A_3 {offsets = [896, 0], sizes = [128, 1], strides = [1, 1]} : vector<1024x1xf32> to vector<128x1xf32>
    %reduce_min3A_277 = vector.shape_cast %slice3A_276 : vector<128x1xf32> to vector<1x128x1xf32>
    %reduce_min3A_278 = arith.constant dense<0x7F800000> : vector<1xf32>
    %reduce_min3A_279 = vector.multi_reduction <minimumf>, %reduce_min3A_277, %reduce_min3A_278 [1, 2] : vector<1x128x1xf32> to vector<1xf32>
    %reduce_min3A_280 = vector.shape_cast %reduce_min3A_279 : vector<1xf32> to vector<1x1x1xf32>
    %reduce_min3A_281 = vector.extract %reduce_min3A_280[0, 0, 0] : f32 from vector<1x1x1xf32>
    %swap3A_282 = arith.constant 94 : index
    %swap3A_283 = memref.load %arg12[%swap3A_282] : memref<96xf32, #tpu.memory_space<smem>>
    memref.store %reduce_min3A_281, %arg12[%swap3A_282] : memref<96xf32, #tpu.memory_space<smem>>
    %slice3A_284 = vector.extract_strided_slice %select_n3A {offsets = [896, 0], sizes = [128, 1], strides = [1, 1]} : vector<1024x1xf32> to vector<128x1xf32>
    %reduce_max3A_285 = vector.shape_cast %slice3A_284 : vector<128x1xf32> to vector<1x128x1xf32>
    %reduce_max3A_286 = arith.constant dense<0xFF800000> : vector<1xf32>
    %reduce_max3A_287 = vector.multi_reduction <maximumf>, %reduce_max3A_285, %reduce_max3A_286 [1, 2] : vector<1x128x1xf32> to vector<1xf32>
    %reduce_max3A_288 = vector.shape_cast %reduce_max3A_287 : vector<1xf32> to vector<1x1x1xf32>
    %reduce_max3A_289 = vector.extract %reduce_max3A_288[0, 0, 0] : f32 from vector<1x1x1xf32>
    %swap3A_290 = arith.constant 95 : index
    %swap3A_291 = memref.load %arg12[%swap3A_290] : memref<96xf32, #tpu.memory_space<smem>>
    memref.store %reduce_max3A_289, %arg12[%swap3A_290] : memref<96xf32, #tpu.memory_space<smem>>
    %eq3A = arith.constant 0 : i32
    %eq3A_292 = arith.cmpi eq, %arg1, %eq3A : i32
    %convert_element_type3A = arith.extui %eq3A_292 : i1 to i32
    %cond3A = arith.constant 0 : i32
    %cond3A_293 = arith.cmpi ne, %convert_element_type3A, %cond3A : i32
    scf.if %cond3A_293 {
      %get3A_303 = arith.constant 0 : index
      %get3A_304 = arith.constant 0 : index
      %get3A_305 = arith.constant 0 : index
      %get3A_306 = arith.constant 0 : index
      %get3A_307 = vector.load %arg2[%get3A_303, %get3A_304, %get3A_305, %get3A_306] : memref<1x40x2x128xf32, #tpu.memory_space<vmem>>, vector<1x1x1x128xf32>
      %get3A_308 = vector.shape_cast %get3A_307 : vector<1x1x1x128xf32> to vector<1x128xf32>
      %get3A_309 = arith.constant 0 : index
      %get3A_310 = arith.constant 0 : index
      %get3A_311 = arith.constant 1 : index
      %get3A_312 = arith.constant 0 : index
      %get3A_313 = vector.load %arg2[%get3A_309, %get3A_310, %get3A_311, %get3A_312] : memref<1x40x2x128xf32, #tpu.memory_space<vmem>>, vector<1x1x1x128xf32>
      %get3A_314 = vector.shape_cast %get3A_313 : vector<1x1x1x128xf32> to vector<1x128xf32>
      %reduce_min3A_315 = vector.shape_cast %get3A_308 : vector<1x128xf32> to vector<1x1x128xf32>
      %reduce_min3A_316 = arith.constant dense<0x7F800000> : vector<1xf32>
      %reduce_min3A_317 = vector.multi_reduction <minimumf>, %reduce_min3A_315, %reduce_min3A_316 [1, 2] : vector<1x1x128xf32> to vector<1xf32>
      %reduce_min3A_318 = vector.shape_cast %reduce_min3A_317 : vector<1xf32> to vector<1x1x1xf32>
      %reduce_min3A_319 = vector.extract %reduce_min3A_318[0, 0, 0] : f32 from vector<1x1x1xf32>
      %swap3A_320 = arith.constant 0 : index
      %swap3A_321 = memref.load %arg12[%swap3A_320] : memref<96xf32, #tpu.memory_space<smem>>
      memref.store %reduce_min3A_319, %arg12[%swap3A_320] : memref<96xf32, #tpu.memory_space<smem>>
      %lt3A_322 = arith.constant 1.000000e+06 : f32
      %lt3A_323 = vector.broadcast %lt3A_322 : f32 to vector<1x128xf32>
      %lt3A_324 = arith.cmpf olt, %get3A_308, %lt3A_323 : vector<1x128xf32>
      %jit3A_325 = arith.constant -1.000000e+06 : f32
      %broadcast_in_dim3A_326 = vector.broadcast %jit3A_325 : f32 to vector<1x128xf32>
      %select_n3A_327 = arith.select %lt3A_324, %get3A_314, %broadcast_in_dim3A_326 : vector<1x128xi1>, vector<1x128xf32>
      %reduce_max3A_328 = vector.shape_cast %select_n3A_327 : vector<1x128xf32> to vector<1x1x128xf32>
      %reduce_max3A_329 = arith.constant dense<0xFF800000> : vector<1xf32>
      %reduce_max3A_330 = vector.multi_reduction <maximumf>, %reduce_max3A_328, %reduce_max3A_329 [1, 2] : vector<1x1x128xf32> to vector<1xf32>
      %reduce_max3A_331 = vector.shape_cast %reduce_max3A_330 : vector<1xf32> to vector<1x1x1xf32>
      %reduce_max3A_332 = vector.extract %reduce_max3A_331[0, 0, 0] : f32 from vector<1x1x1xf32>
      %swap3A_333 = arith.constant 1 : index
      %swap3A_334 = memref.load %arg12[%swap3A_333] : memref<96xf32, #tpu.memory_space<smem>>
      memref.store %reduce_max3A_332, %arg12[%swap3A_333] : memref<96xf32, #tpu.memory_space<smem>>
      %get3A_335 = arith.constant 0 : index
      %get3A_336 = arith.constant 1 : index
      %get3A_337 = arith.constant 0 : index
      %get3A_338 = arith.constant 0 : index
      %get3A_339 = vector.load %arg2[%get3A_335, %get3A_336, %get3A_337, %get3A_338] : memref<1x40x2x128xf32, #tpu.memory_space<vmem>>, vector<1x1x1x128xf32>
      %get3A_340 = vector.shape_cast %get3A_339 : vector<1x1x1x128xf32> to vector<1x128xf32>
      %get3A_341 = arith.constant 0 : index
      %get3A_342 = arith.constant 1 : index
      %get3A_343 = arith.constant 1 : index
      %get3A_344 = arith.constant 0 : index
      %get3A_345 = vector.load %arg2[%get3A_341, %get3A_342, %get3A_343, %get3A_344] : memref<1x40x2x128xf32, #tpu.memory_space<vmem>>, vector<1x1x1x128xf32>
      %get3A_346 = vector.shape_cast %get3A_345 : vector<1x1x1x128xf32> to vector<1x128xf32>
      %reduce_min3A_347 = vector.shape_cast %get3A_340 : vector<1x128xf32> to vector<1x1x128xf32>
      %reduce_min3A_348 = arith.constant dense<0x7F800000> : vector<1xf32>
      %reduce_min3A_349 = vector.multi_reduction <minimumf>, %reduce_min3A_347, %reduce_min3A_348 [1, 2] : vector<1x1x128xf32> to vector<1xf32>
      %reduce_min3A_350 = vector.shape_cast %reduce_min3A_349 : vector<1xf32> to vector<1x1x1xf32>
      %reduce_min3A_351 = vector.extract %reduce_min3A_350[0, 0, 0] : f32 from vector<1x1x1xf32>
      %swap3A_352 = arith.constant 2 : index
      %swap3A_353 = memref.load %arg12[%swap3A_352] : memref<96xf32, #tpu.memory_space<smem>>
      memref.store %reduce_min3A_351, %arg12[%swap3A_352] : memref<96xf32, #tpu.memory_space<smem>>
      %lt3A_354 = arith.constant 1.000000e+06 : f32
      %lt3A_355 = vector.broadcast %lt3A_354 : f32 to vector<1x128xf32>
      %lt3A_356 = arith.cmpf olt, %get3A_340, %lt3A_355 : vector<1x128xf32>
      %jit3A_357 = arith.constant -1.000000e+06 : f32
      %broadcast_in_dim3A_358 = vector.broadcast %jit3A_357 : f32 to vector<1x128xf32>
      %select_n3A_359 = arith.select %lt3A_356, %get3A_346, %broadcast_in_dim3A_358 : vector<1x128xi1>, vector<1x128xf32>
      %reduce_max3A_360 = vector.shape_cast %select_n3A_359 : vector<1x128xf32> to vector<1x1x128xf32>
      %reduce_max3A_361 = arith.constant dense<0xFF800000> : vector<1xf32>
      %reduce_max3A_362 = vector.multi_reduction <maximumf>, %reduce_max3A_360, %reduce_max3A_361 [1, 2] : vector<1x1x128xf32> to vector<1xf32>
      %reduce_max3A_363 = vector.shape_cast %reduce_max3A_362 : vector<1xf32> to vector<1x1x1xf32>
      %reduce_max3A_364 = vector.extract %reduce_max3A_363[0, 0, 0] : f32 from vector<1x1x1xf32>
      %swap3A_365 = arith.constant 3 : index
      %swap3A_366 = memref.load %arg12[%swap3A_365] : memref<96xf32, #tpu.memory_space<smem>>
      memref.store %reduce_max3A_364, %arg12[%swap3A_365] : memref<96xf32, #tpu.memory_space<smem>>
      %get3A_367 = arith.constant 0 : index
      %get3A_368 = arith.constant 2 : index
      %get3A_369 = arith.constant 0 : index
      %get3A_370 = arith.constant 0 : index
      %get3A_371 = vector.load %arg2[%get3A_367, %get3A_368, %get3A_369, %get3A_370] : memref<1x40x2x128xf32, #tpu.memory_space<vmem>>, vector<1x1x1x128xf32>
      %get3A_372 = vector.shape_cast %get3A_371 : vector<1x1x1x128xf32> to vector<1x128xf32>
      %get3A_373 = arith.constant 0 : index
      %get3A_374 = arith.constant 2 : index
      %get3A_375 = arith.constant 1 : index
      %get3A_376 = arith.constant 0 : index
      %get3A_377 = vector.load %arg2[%get3A_373, %get3A_374, %get3A_375, %get3A_376] : memref<1x40x2x128xf32, #tpu.memory_space<vmem>>, vector<1x1x1x128xf32>
      %get3A_378 = vector.shape_cast %get3A_377 : vector<1x1x1x128xf32> to vector<1x128xf32>
      %reduce_min3A_379 = vector.shape_cast %get3A_372 : vector<1x128xf32> to vector<1x1x128xf32>
      %reduce_min3A_380 = arith.constant dense<0x7F800000> : vector<1xf32>
      %reduce_min3A_381 = vector.multi_reduction <minimumf>, %reduce_min3A_379, %reduce_min3A_380 [1, 2] : vector<1x1x128xf32> to vector<1xf32>
      %reduce_min3A_382 = vector.shape_cast %reduce_min3A_381 : vector<1xf32> to vector<1x1x1xf32>
      %reduce_min3A_383 = vector.extract %reduce_min3A_382[0, 0, 0] : f32 from vector<1x1x1xf32>
      %swap3A_384 = arith.constant 4 : index
      %swap3A_385 = memref.load %arg12[%swap3A_384] : memref<96xf32, #tpu.memory_space<smem>>
      memref.store %reduce_min3A_383, %arg12[%swap3A_384] : memref<96xf32, #tpu.memory_space<smem>>
      %lt3A_386 = arith.constant 1.000000e+06 : f32
      %lt3A_387 = vector.broadcast %lt3A_386 : f32 to vector<1x128xf32>
      %lt3A_388 = arith.cmpf olt, %get3A_372, %lt3A_387 : vector<1x128xf32>
      %jit3A_389 = arith.constant -1.000000e+06 : f32
      %broadcast_in_dim3A_390 = vector.broadcast %jit3A_389 : f32 to vector<1x128xf32>
      %select_n3A_391 = arith.select %lt3A_388, %get3A_378, %broadcast_in_dim3A_390 : vector<1x128xi1>, vector<1x128xf32>
      %reduce_max3A_392 = vector.shape_cast %select_n3A_391 : vector<1x128xf32> to vector<1x1x128xf32>
      %reduce_max3A_393 = arith.constant dense<0xFF800000> : vector<1xf32>
      %reduce_max3A_394 = vector.multi_reduction <maximumf>, %reduce_max3A_392, %reduce_max3A_393 [1, 2] : vector<1x1x128xf32> to vector<1xf32>
      %reduce_max3A_395 = vector.shape_cast %reduce_max3A_394 : vector<1xf32> to vector<1x1x1xf32>
      %reduce_max3A_396 = vector.extract %reduce_max3A_395[0, 0, 0] : f32 from vector<1x1x1xf32>
      %swap3A_397 = arith.constant 5 : index
      %swap3A_398 = memref.load %arg12[%swap3A_397] : memref<96xf32, #tpu.memory_space<smem>>
      memref.store %reduce_max3A_396, %arg12[%swap3A_397] : memref<96xf32, #tpu.memory_space<smem>>
      %get3A_399 = arith.constant 0 : index
      %get3A_400 = arith.constant 3 : index
      %get3A_401 = arith.constant 0 : index
      %get3A_402 = arith.constant 0 : index
      %get3A_403 = vector.load %arg2[%get3A_399, %get3A_400, %get3A_401, %get3A_402] : memref<1x40x2x128xf32, #tpu.memory_space<vmem>>, vector<1x1x1x128xf32>
      %get3A_404 = vector.shape_cast %get3A_403 : vector<1x1x1x128xf32> to vector<1x128xf32>
      %get3A_405 = arith.constant 0 : index
      %get3A_406 = arith.constant 3 : index
      %get3A_407 = arith.constant 1 : index
      %get3A_408 = arith.constant 0 : index
      %get3A_409 = vector.load %arg2[%get3A_405, %get3A_406, %get3A_407, %get3A_408] : memref<1x40x2x128xf32, #tpu.memory_space<vmem>>, vector<1x1x1x128xf32>
      %get3A_410 = vector.shape_cast %get3A_409 : vector<1x1x1x128xf32> to vector<1x128xf32>
      %reduce_min3A_411 = vector.shape_cast %get3A_404 : vector<1x128xf32> to vector<1x1x128xf32>
      %reduce_min3A_412 = arith.constant dense<0x7F800000> : vector<1xf32>
      %reduce_min3A_413 = vector.multi_reduction <minimumf>, %reduce_min3A_411, %reduce_min3A_412 [1, 2] : vector<1x1x128xf32> to vector<1xf32>
      %reduce_min3A_414 = vector.shape_cast %reduce_min3A_413 : vector<1xf32> to vector<1x1x1xf32>
      %reduce_min3A_415 = vector.extract %reduce_min3A_414[0, 0, 0] : f32 from vector<1x1x1xf32>
      %swap3A_416 = arith.constant 6 : index
      %swap3A_417 = memref.load %arg12[%swap3A_416] : memref<96xf32, #tpu.memory_space<smem>>
      memref.store %reduce_min3A_415, %arg12[%swap3A_416] : memref<96xf32, #tpu.memory_space<smem>>
      %lt3A_418 = arith.constant 1.000000e+06 : f32
      %lt3A_419 = vector.broadcast %lt3A_418 : f32 to vector<1x128xf32>
      %lt3A_420 = arith.cmpf olt, %get3A_404, %lt3A_419 : vector<1x128xf32>
      %jit3A_421 = arith.constant -1.000000e+06 : f32
      %broadcast_in_dim3A_422 = vector.broadcast %jit3A_421 : f32 to vector<1x128xf32>
      %select_n3A_423 = arith.select %lt3A_420, %get3A_410, %broadcast_in_dim3A_422 : vector<1x128xi1>, vector<1x128xf32>
      %reduce_max3A_424 = vector.shape_cast %select_n3A_423 : vector<1x128xf32> to vector<1x1x128xf32>
      %reduce_max3A_425 = arith.constant dense<0xFF800000> : vector<1xf32>
      %reduce_max3A_426 = vector.multi_reduction <maximumf>, %reduce_max3A_424, %reduce_max3A_425 [1, 2] : vector<1x1x128xf32> to vector<1xf32>
      %reduce_max3A_427 = vector.shape_cast %reduce_max3A_426 : vector<1xf32> to vector<1x1x1xf32>
      %reduce_max3A_428 = vector.extract %reduce_max3A_427[0, 0, 0] : f32 from vector<1x1x1xf32>
      %swap3A_429 = arith.constant 7 : index
      %swap3A_430 = memref.load %arg12[%swap3A_429] : memref<96xf32, #tpu.memory_space<smem>>
      memref.store %reduce_max3A_428, %arg12[%swap3A_429] : memref<96xf32, #tpu.memory_space<smem>>
      %get3A_431 = arith.constant 0 : index
      %get3A_432 = arith.constant 4 : index
      %get3A_433 = arith.constant 0 : index
      %get3A_434 = arith.constant 0 : index
      %get3A_435 = vector.load %arg2[%get3A_431, %get3A_432, %get3A_433, %get3A_434] : memref<1x40x2x128xf32, #tpu.memory_space<vmem>>, vector<1x1x1x128xf32>
      %get3A_436 = vector.shape_cast %get3A_435 : vector<1x1x1x128xf32> to vector<1x128xf32>
      %get3A_437 = arith.constant 0 : index
      %get3A_438 = arith.constant 4 : index
      %get3A_439 = arith.constant 1 : index
      %get3A_440 = arith.constant 0 : index
      %get3A_441 = vector.load %arg2[%get3A_437, %get3A_438, %get3A_439, %get3A_440] : memref<1x40x2x128xf32, #tpu.memory_space<vmem>>, vector<1x1x1x128xf32>
      %get3A_442 = vector.shape_cast %get3A_441 : vector<1x1x1x128xf32> to vector<1x128xf32>
      %reduce_min3A_443 = vector.shape_cast %get3A_436 : vector<1x128xf32> to vector<1x1x128xf32>
      %reduce_min3A_444 = arith.constant dense<0x7F800000> : vector<1xf32>
      %reduce_min3A_445 = vector.multi_reduction <minimumf>, %reduce_min3A_443, %reduce_min3A_444 [1, 2] : vector<1x1x128xf32> to vector<1xf32>
      %reduce_min3A_446 = vector.shape_cast %reduce_min3A_445 : vector<1xf32> to vector<1x1x1xf32>
      %reduce_min3A_447 = vector.extract %reduce_min3A_446[0, 0, 0] : f32 from vector<1x1x1xf32>
      %swap3A_448 = arith.constant 8 : index
      %swap3A_449 = memref.load %arg12[%swap3A_448] : memref<96xf32, #tpu.memory_space<smem>>
      memref.store %reduce_min3A_447, %arg12[%swap3A_448] : memref<96xf32, #tpu.memory_space<smem>>
      %lt3A_450 = arith.constant 1.000000e+06 : f32
      %lt3A_451 = vector.broadcast %lt3A_450 : f32 to vector<1x128xf32>
      %lt3A_452 = arith.cmpf olt, %get3A_436, %lt3A_451 : vector<1x128xf32>
      %jit3A_453 = arith.constant -1.000000e+06 : f32
      %broadcast_in_dim3A_454 = vector.broadcast %jit3A_453 : f32 to vector<1x128xf32>
      %select_n3A_455 = arith.select %lt3A_452, %get3A_442, %broadcast_in_dim3A_454 : vector<1x128xi1>, vector<1x128xf32>
      %reduce_max3A_456 = vector.shape_cast %select_n3A_455 : vector<1x128xf32> to vector<1x1x128xf32>
      %reduce_max3A_457 = arith.constant dense<0xFF800000> : vector<1xf32>
      %reduce_max3A_458 = vector.multi_reduction <maximumf>, %reduce_max3A_456, %reduce_max3A_457 [1, 2] : vector<1x1x128xf32> to vector<1xf32>
      %reduce_max3A_459 = vector.shape_cast %reduce_max3A_458 : vector<1xf32> to vector<1x1x1xf32>
      %reduce_max3A_460 = vector.extract %reduce_max3A_459[0, 0, 0] : f32 from vector<1x1x1xf32>
      %swap3A_461 = arith.constant 9 : index
      %swap3A_462 = memref.load %arg12[%swap3A_461] : memref<96xf32, #tpu.memory_space<smem>>
      memref.store %reduce_max3A_460, %arg12[%swap3A_461] : memref<96xf32, #tpu.memory_space<smem>>
      %get3A_463 = arith.constant 0 : index
      %get3A_464 = arith.constant 5 : index
      %get3A_465 = arith.constant 0 : index
      %get3A_466 = arith.constant 0 : index
      %get3A_467 = vector.load %arg2[%get3A_463, %get3A_464, %get3A_465, %get3A_466] : memref<1x40x2x128xf32, #tpu.memory_space<vmem>>, vector<1x1x1x128xf32>
      %get3A_468 = vector.shape_cast %get3A_467 : vector<1x1x1x128xf32> to vector<1x128xf32>
      %get3A_469 = arith.constant 0 : index
      %get3A_470 = arith.constant 5 : index
      %get3A_471 = arith.constant 1 : index
      %get3A_472 = arith.constant 0 : index
      %get3A_473 = vector.load %arg2[%get3A_469, %get3A_470, %get3A_471, %get3A_472] : memref<1x40x2x128xf32, #tpu.memory_space<vmem>>, vector<1x1x1x128xf32>
      %get3A_474 = vector.shape_cast %get3A_473 : vector<1x1x1x128xf32> to vector<1x128xf32>
      %reduce_min3A_475 = vector.shape_cast %get3A_468 : vector<1x128xf32> to vector<1x1x128xf32>
      %reduce_min3A_476 = arith.constant dense<0x7F800000> : vector<1xf32>
      %reduce_min3A_477 = vector.multi_reduction <minimumf>, %reduce_min3A_475, %reduce_min3A_476 [1, 2] : vector<1x1x128xf32> to vector<1xf32>
      %reduce_min3A_478 = vector.shape_cast %reduce_min3A_477 : vector<1xf32> to vector<1x1x1xf32>
      %reduce_min3A_479 = vector.extract %reduce_min3A_478[0, 0, 0] : f32 from vector<1x1x1xf32>
      %swap3A_480 = arith.constant 10 : index
      %swap3A_481 = memref.load %arg12[%swap3A_480] : memref<96xf32, #tpu.memory_space<smem>>
      memref.store %reduce_min3A_479, %arg12[%swap3A_480] : memref<96xf32, #tpu.memory_space<smem>>
      %lt3A_482 = arith.constant 1.000000e+06 : f32
      %lt3A_483 = vector.broadcast %lt3A_482 : f32 to vector<1x128xf32>
      %lt3A_484 = arith.cmpf olt, %get3A_468, %lt3A_483 : vector<1x128xf32>
      %jit3A_485 = arith.constant -1.000000e+06 : f32
      %broadcast_in_dim3A_486 = vector.broadcast %jit3A_485 : f32 to vector<1x128xf32>
      %select_n3A_487 = arith.select %lt3A_484, %get3A_474, %broadcast_in_dim3A_486 : vector<1x128xi1>, vector<1x128xf32>
      %reduce_max3A_488 = vector.shape_cast %select_n3A_487 : vector<1x128xf32> to vector<1x1x128xf32>
      %reduce_max3A_489 = arith.constant dense<0xFF800000> : vector<1xf32>
      %reduce_max3A_490 = vector.multi_reduction <maximumf>, %reduce_max3A_488, %reduce_max3A_489 [1, 2] : vector<1x1x128xf32> to vector<1xf32>
      %reduce_max3A_491 = vector.shape_cast %reduce_max3A_490 : vector<1xf32> to vector<1x1x1xf32>
      %reduce_max3A_492 = vector.extract %reduce_max3A_491[0, 0, 0] : f32 from vector<1x1x1xf32>
      %swap3A_493 = arith.constant 11 : index
      %swap3A_494 = memref.load %arg12[%swap3A_493] : memref<96xf32, #tpu.memory_space<smem>>
      memref.store %reduce_max3A_492, %arg12[%swap3A_493] : memref<96xf32, #tpu.memory_space<smem>>
      %get3A_495 = arith.constant 0 : index
      %get3A_496 = arith.constant 6 : index
      %get3A_497 = arith.constant 0 : index
      %get3A_498 = arith.constant 0 : index
      %get3A_499 = vector.load %arg2[%get3A_495, %get3A_496, %get3A_497, %get3A_498] : memref<1x40x2x128xf32, #tpu.memory_space<vmem>>, vector<1x1x1x128xf32>
      %get3A_500 = vector.shape_cast %get3A_499 : vector<1x1x1x128xf32> to vector<1x128xf32>
      %get3A_501 = arith.constant 0 : index
      %get3A_502 = arith.constant 6 : index
      %get3A_503 = arith.constant 1 : index
      %get3A_504 = arith.constant 0 : index
      %get3A_505 = vector.load %arg2[%get3A_501, %get3A_502, %get3A_503, %get3A_504] : memref<1x40x2x128xf32, #tpu.memory_space<vmem>>, vector<1x1x1x128xf32>
      %get3A_506 = vector.shape_cast %get3A_505 : vector<1x1x1x128xf32> to vector<1x128xf32>
      %reduce_min3A_507 = vector.shape_cast %get3A_500 : vector<1x128xf32> to vector<1x1x128xf32>
      %reduce_min3A_508 = arith.constant dense<0x7F800000> : vector<1xf32>
      %reduce_min3A_509 = vector.multi_reduction <minimumf>, %reduce_min3A_507, %reduce_min3A_508 [1, 2] : vector<1x1x128xf32> to vector<1xf32>
      %reduce_min3A_510 = vector.shape_cast %reduce_min3A_509 : vector<1xf32> to vector<1x1x1xf32>
      %reduce_min3A_511 = vector.extract %reduce_min3A_510[0, 0, 0] : f32 from vector<1x1x1xf32>
      %swap3A_512 = arith.constant 12 : index
      %swap3A_513 = memref.load %arg12[%swap3A_512] : memref<96xf32, #tpu.memory_space<smem>>
      memref.store %reduce_min3A_511, %arg12[%swap3A_512] : memref<96xf32, #tpu.memory_space<smem>>
      %lt3A_514 = arith.constant 1.000000e+06 : f32
      %lt3A_515 = vector.broadcast %lt3A_514 : f32 to vector<1x128xf32>
      %lt3A_516 = arith.cmpf olt, %get3A_500, %lt3A_515 : vector<1x128xf32>
      %jit3A_517 = arith.constant -1.000000e+06 : f32
      %broadcast_in_dim3A_518 = vector.broadcast %jit3A_517 : f32 to vector<1x128xf32>
      %select_n3A_519 = arith.select %lt3A_516, %get3A_506, %broadcast_in_dim3A_518 : vector<1x128xi1>, vector<1x128xf32>
      %reduce_max3A_520 = vector.shape_cast %select_n3A_519 : vector<1x128xf32> to vector<1x1x128xf32>
      %reduce_max3A_521 = arith.constant dense<0xFF800000> : vector<1xf32>
      %reduce_max3A_522 = vector.multi_reduction <maximumf>, %reduce_max3A_520, %reduce_max3A_521 [1, 2] : vector<1x1x128xf32> to vector<1xf32>
      %reduce_max3A_523 = vector.shape_cast %reduce_max3A_522 : vector<1xf32> to vector<1x1x1xf32>
      %reduce_max3A_524 = vector.extract %reduce_max3A_523[0, 0, 0] : f32 from vector<1x1x1xf32>
      %swap3A_525 = arith.constant 13 : index
      %swap3A_526 = memref.load %arg12[%swap3A_525] : memref<96xf32, #tpu.memory_space<smem>>
      memref.store %reduce_max3A_524, %arg12[%swap3A_525] : memref<96xf32, #tpu.memory_space<smem>>
      %get3A_527 = arith.constant 0 : index
      %get3A_528 = arith.constant 7 : index
      %get3A_529 = arith.constant 0 : index
      %get3A_530 = arith.constant 0 : index
      %get3A_531 = vector.load %arg2[%get3A_527, %get3A_528, %get3A_529, %get3A_530] : memref<1x40x2x128xf32, #tpu.memory_space<vmem>>, vector<1x1x1x128xf32>
      %get3A_532 = vector.shape_cast %get3A_531 : vector<1x1x1x128xf32> to vector<1x128xf32>
      %get3A_533 = arith.constant 0 : index
      %get3A_534 = arith.constant 7 : index
      %get3A_535 = arith.constant 1 : index
      %get3A_536 = arith.constant 0 : index
      %get3A_537 = vector.load %arg2[%get3A_533, %get3A_534, %get3A_535, %get3A_536] : memref<1x40x2x128xf32, #tpu.memory_space<vmem>>, vector<1x1x1x128xf32>
      %get3A_538 = vector.shape_cast %get3A_537 : vector<1x1x1x128xf32> to vector<1x128xf32>
      %reduce_min3A_539 = vector.shape_cast %get3A_532 : vector<1x128xf32> to vector<1x1x128xf32>
      %reduce_min3A_540 = arith.constant dense<0x7F800000> : vector<1xf32>
      %reduce_min3A_541 = vector.multi_reduction <minimumf>, %reduce_min3A_539, %reduce_min3A_540 [1, 2] : vector<1x1x128xf32> to vector<1xf32>
      %reduce_min3A_542 = vector.shape_cast %reduce_min3A_541 : vector<1xf32> to vector<1x1x1xf32>
      %reduce_min3A_543 = vector.extract %reduce_min3A_542[0, 0, 0] : f32 from vector<1x1x1xf32>
      %swap3A_544 = arith.constant 14 : index
      %swap3A_545 = memref.load %arg12[%swap3A_544] : memref<96xf32, #tpu.memory_space<smem>>
      memref.store %reduce_min3A_543, %arg12[%swap3A_544] : memref<96xf32, #tpu.memory_space<smem>>
      %lt3A_546 = arith.constant 1.000000e+06 : f32
      %lt3A_547 = vector.broadcast %lt3A_546 : f32 to vector<1x128xf32>
      %lt3A_548 = arith.cmpf olt, %get3A_532, %lt3A_547 : vector<1x128xf32>
      %jit3A_549 = arith.constant -1.000000e+06 : f32
      %broadcast_in_dim3A_550 = vector.broadcast %jit3A_549 : f32 to vector<1x128xf32>
      %select_n3A_551 = arith.select %lt3A_548, %get3A_538, %broadcast_in_dim3A_550 : vector<1x128xi1>, vector<1x128xf32>
      %reduce_max3A_552 = vector.shape_cast %select_n3A_551 : vector<1x128xf32> to vector<1x1x128xf32>
      %reduce_max3A_553 = arith.constant dense<0xFF800000> : vector<1xf32>
      %reduce_max3A_554 = vector.multi_reduction <maximumf>, %reduce_max3A_552, %reduce_max3A_553 [1, 2] : vector<1x1x128xf32> to vector<1xf32>
      %reduce_max3A_555 = vector.shape_cast %reduce_max3A_554 : vector<1xf32> to vector<1x1x1xf32>
      %reduce_max3A_556 = vector.extract %reduce_max3A_555[0, 0, 0] : f32 from vector<1x1x1xf32>
      %swap3A_557 = arith.constant 15 : index
      %swap3A_558 = memref.load %arg12[%swap3A_557] : memref<96xf32, #tpu.memory_space<smem>>
      memref.store %reduce_max3A_556, %arg12[%swap3A_557] : memref<96xf32, #tpu.memory_space<smem>>
      %get3A_559 = arith.constant 0 : index
      %get3A_560 = arith.constant 8 : index
      %get3A_561 = arith.constant 0 : index
      %get3A_562 = arith.constant 0 : index
      %get3A_563 = vector.load %arg2[%get3A_559, %get3A_560, %get3A_561, %get3A_562] : memref<1x40x2x128xf32, #tpu.memory_space<vmem>>, vector<1x1x1x128xf32>
      %get3A_564 = vector.shape_cast %get3A_563 : vector<1x1x1x128xf32> to vector<1x128xf32>
      %get3A_565 = arith.constant 0 : index
      %get3A_566 = arith.constant 8 : index
      %get3A_567 = arith.constant 1 : index
      %get3A_568 = arith.constant 0 : index
      %get3A_569 = vector.load %arg2[%get3A_565, %get3A_566, %get3A_567, %get3A_568] : memref<1x40x2x128xf32, #tpu.memory_space<vmem>>, vector<1x1x1x128xf32>
      %get3A_570 = vector.shape_cast %get3A_569 : vector<1x1x1x128xf32> to vector<1x128xf32>
      %reduce_min3A_571 = vector.shape_cast %get3A_564 : vector<1x128xf32> to vector<1x1x128xf32>
      %reduce_min3A_572 = arith.constant dense<0x7F800000> : vector<1xf32>
      %reduce_min3A_573 = vector.multi_reduction <minimumf>, %reduce_min3A_571, %reduce_min3A_572 [1, 2] : vector<1x1x128xf32> to vector<1xf32>
      %reduce_min3A_574 = vector.shape_cast %reduce_min3A_573 : vector<1xf32> to vector<1x1x1xf32>
      %reduce_min3A_575 = vector.extract %reduce_min3A_574[0, 0, 0] : f32 from vector<1x1x1xf32>
      %swap3A_576 = arith.constant 16 : index
      %swap3A_577 = memref.load %arg12[%swap3A_576] : memref<96xf32, #tpu.memory_space<smem>>
      memref.store %reduce_min3A_575, %arg12[%swap3A_576] : memref<96xf32, #tpu.memory_space<smem>>
      %lt3A_578 = arith.constant 1.000000e+06 : f32
      %lt3A_579 = vector.broadcast %lt3A_578 : f32 to vector<1x128xf32>
      %lt3A_580 = arith.cmpf olt, %get3A_564, %lt3A_579 : vector<1x128xf32>
      %jit3A_581 = arith.constant -1.000000e+06 : f32
      %broadcast_in_dim3A_582 = vector.broadcast %jit3A_581 : f32 to vector<1x128xf32>
      %select_n3A_583 = arith.select %lt3A_580, %get3A_570, %broadcast_in_dim3A_582 : vector<1x128xi1>, vector<1x128xf32>
      %reduce_max3A_584 = vector.shape_cast %select_n3A_583 : vector<1x128xf32> to vector<1x1x128xf32>
      %reduce_max3A_585 = arith.constant dense<0xFF800000> : vector<1xf32>
      %reduce_max3A_586 = vector.multi_reduction <maximumf>, %reduce_max3A_584, %reduce_max3A_585 [1, 2] : vector<1x1x128xf32> to vector<1xf32>
      %reduce_max3A_587 = vector.shape_cast %reduce_max3A_586 : vector<1xf32> to vector<1x1x1xf32>
      %reduce_max3A_588 = vector.extract %reduce_max3A_587[0, 0, 0] : f32 from vector<1x1x1xf32>
      %swap3A_589 = arith.constant 17 : index
      %swap3A_590 = memref.load %arg12[%swap3A_589] : memref<96xf32, #tpu.memory_space<smem>>
      memref.store %reduce_max3A_588, %arg12[%swap3A_589] : memref<96xf32, #tpu.memory_space<smem>>
      %get3A_591 = arith.constant 0 : index
      %get3A_592 = arith.constant 9 : index
      %get3A_593 = arith.constant 0 : index
      %get3A_594 = arith.constant 0 : index
      %get3A_595 = vector.load %arg2[%get3A_591, %get3A_592, %get3A_593, %get3A_594] : memref<1x40x2x128xf32, #tpu.memory_space<vmem>>, vector<1x1x1x128xf32>
      %get3A_596 = vector.shape_cast %get3A_595 : vector<1x1x1x128xf32> to vector<1x128xf32>
      %get3A_597 = arith.constant 0 : index
      %get3A_598 = arith.constant 9 : index
      %get3A_599 = arith.constant 1 : index
      %get3A_600 = arith.constant 0 : index
      %get3A_601 = vector.load %arg2[%get3A_597, %get3A_598, %get3A_599, %get3A_600] : memref<1x40x2x128xf32, #tpu.memory_space<vmem>>, vector<1x1x1x128xf32>
      %get3A_602 = vector.shape_cast %get3A_601 : vector<1x1x1x128xf32> to vector<1x128xf32>
      %reduce_min3A_603 = vector.shape_cast %get3A_596 : vector<1x128xf32> to vector<1x1x128xf32>
      %reduce_min3A_604 = arith.constant dense<0x7F800000> : vector<1xf32>
      %reduce_min3A_605 = vector.multi_reduction <minimumf>, %reduce_min3A_603, %reduce_min3A_604 [1, 2] : vector<1x1x128xf32> to vector<1xf32>
      %reduce_min3A_606 = vector.shape_cast %reduce_min3A_605 : vector<1xf32> to vector<1x1x1xf32>
      %reduce_min3A_607 = vector.extract %reduce_min3A_606[0, 0, 0] : f32 from vector<1x1x1xf32>
      %swap3A_608 = arith.constant 18 : index
      %swap3A_609 = memref.load %arg12[%swap3A_608] : memref<96xf32, #tpu.memory_space<smem>>
      memref.store %reduce_min3A_607, %arg12[%swap3A_608] : memref<96xf32, #tpu.memory_space<smem>>
      %lt3A_610 = arith.constant 1.000000e+06 : f32
      %lt3A_611 = vector.broadcast %lt3A_610 : f32 to vector<1x128xf32>
      %lt3A_612 = arith.cmpf olt, %get3A_596, %lt3A_611 : vector<1x128xf32>
      %jit3A_613 = arith.constant -1.000000e+06 : f32
      %broadcast_in_dim3A_614 = vector.broadcast %jit3A_613 : f32 to vector<1x128xf32>
      %select_n3A_615 = arith.select %lt3A_612, %get3A_602, %broadcast_in_dim3A_614 : vector<1x128xi1>, vector<1x128xf32>
      %reduce_max3A_616 = vector.shape_cast %select_n3A_615 : vector<1x128xf32> to vector<1x1x128xf32>
      %reduce_max3A_617 = arith.constant dense<0xFF800000> : vector<1xf32>
      %reduce_max3A_618 = vector.multi_reduction <maximumf>, %reduce_max3A_616, %reduce_max3A_617 [1, 2] : vector<1x1x128xf32> to vector<1xf32>
      %reduce_max3A_619 = vector.shape_cast %reduce_max3A_618 : vector<1xf32> to vector<1x1x1xf32>
      %reduce_max3A_620 = vector.extract %reduce_max3A_619[0, 0, 0] : f32 from vector<1x1x1xf32>
      %swap3A_621 = arith.constant 19 : index
      %swap3A_622 = memref.load %arg12[%swap3A_621] : memref<96xf32, #tpu.memory_space<smem>>
      memref.store %reduce_max3A_620, %arg12[%swap3A_621] : memref<96xf32, #tpu.memory_space<smem>>
      %get3A_623 = arith.constant 0 : index
      %get3A_624 = arith.constant 10 : index
      %get3A_625 = arith.constant 0 : index
      %get3A_626 = arith.constant 0 : index
      %get3A_627 = vector.load %arg2[%get3A_623, %get3A_624, %get3A_625, %get3A_626] : memref<1x40x2x128xf32, #tpu.memory_space<vmem>>, vector<1x1x1x128xf32>
      %get3A_628 = vector.shape_cast %get3A_627 : vector<1x1x1x128xf32> to vector<1x128xf32>
      %get3A_629 = arith.constant 0 : index
      %get3A_630 = arith.constant 10 : index
      %get3A_631 = arith.constant 1 : index
      %get3A_632 = arith.constant 0 : index
      %get3A_633 = vector.load %arg2[%get3A_629, %get3A_630, %get3A_631, %get3A_632] : memref<1x40x2x128xf32, #tpu.memory_space<vmem>>, vector<1x1x1x128xf32>
      %get3A_634 = vector.shape_cast %get3A_633 : vector<1x1x1x128xf32> to vector<1x128xf32>
      %reduce_min3A_635 = vector.shape_cast %get3A_628 : vector<1x128xf32> to vector<1x1x128xf32>
      %reduce_min3A_636 = arith.constant dense<0x7F800000> : vector<1xf32>
      %reduce_min3A_637 = vector.multi_reduction <minimumf>, %reduce_min3A_635, %reduce_min3A_636 [1, 2] : vector<1x1x128xf32> to vector<1xf32>
      %reduce_min3A_638 = vector.shape_cast %reduce_min3A_637 : vector<1xf32> to vector<1x1x1xf32>
      %reduce_min3A_639 = vector.extract %reduce_min3A_638[0, 0, 0] : f32 from vector<1x1x1xf32>
      %swap3A_640 = arith.constant 20 : index
      %swap3A_641 = memref.load %arg12[%swap3A_640] : memref<96xf32, #tpu.memory_space<smem>>
      memref.store %reduce_min3A_639, %arg12[%swap3A_640] : memref<96xf32, #tpu.memory_space<smem>>
      %lt3A_642 = arith.constant 1.000000e+06 : f32
      %lt3A_643 = vector.broadcast %lt3A_642 : f32 to vector<1x128xf32>
      %lt3A_644 = arith.cmpf olt, %get3A_628, %lt3A_643 : vector<1x128xf32>
      %jit3A_645 = arith.constant -1.000000e+06 : f32
      %broadcast_in_dim3A_646 = vector.broadcast %jit3A_645 : f32 to vector<1x128xf32>
      %select_n3A_647 = arith.select %lt3A_644, %get3A_634, %broadcast_in_dim3A_646 : vector<1x128xi1>, vector<1x128xf32>
      %reduce_max3A_648 = vector.shape_cast %select_n3A_647 : vector<1x128xf32> to vector<1x1x128xf32>
      %reduce_max3A_649 = arith.constant dense<0xFF800000> : vector<1xf32>
      %reduce_max3A_650 = vector.multi_reduction <maximumf>, %reduce_max3A_648, %reduce_max3A_649 [1, 2] : vector<1x1x128xf32> to vector<1xf32>
      %reduce_max3A_651 = vector.shape_cast %reduce_max3A_650 : vector<1xf32> to vector<1x1x1xf32>
      %reduce_max3A_652 = vector.extract %reduce_max3A_651[0, 0, 0] : f32 from vector<1x1x1xf32>
      %swap3A_653 = arith.constant 21 : index
      %swap3A_654 = memref.load %arg12[%swap3A_653] : memref<96xf32, #tpu.memory_space<smem>>
      memref.store %reduce_max3A_652, %arg12[%swap3A_653] : memref<96xf32, #tpu.memory_space<smem>>
      %get3A_655 = arith.constant 0 : index
      %get3A_656 = arith.constant 11 : index
      %get3A_657 = arith.constant 0 : index
      %get3A_658 = arith.constant 0 : index
      %get3A_659 = vector.load %arg2[%get3A_655, %get3A_656, %get3A_657, %get3A_658] : memref<1x40x2x128xf32, #tpu.memory_space<vmem>>, vector<1x1x1x128xf32>
      %get3A_660 = vector.shape_cast %get3A_659 : vector<1x1x1x128xf32> to vector<1x128xf32>
      %get3A_661 = arith.constant 0 : index
      %get3A_662 = arith.constant 11 : index
      %get3A_663 = arith.constant 1 : index
      %get3A_664 = arith.constant 0 : index
      %get3A_665 = vector.load %arg2[%get3A_661, %get3A_662, %get3A_663, %get3A_664] : memref<1x40x2x128xf32, #tpu.memory_space<vmem>>, vector<1x1x1x128xf32>
      %get3A_666 = vector.shape_cast %get3A_665 : vector<1x1x1x128xf32> to vector<1x128xf32>
      %reduce_min3A_667 = vector.shape_cast %get3A_660 : vector<1x128xf32> to vector<1x1x128xf32>
      %reduce_min3A_668 = arith.constant dense<0x7F800000> : vector<1xf32>
      %reduce_min3A_669 = vector.multi_reduction <minimumf>, %reduce_min3A_667, %reduce_min3A_668 [1, 2] : vector<1x1x128xf32> to vector<1xf32>
      %reduce_min3A_670 = vector.shape_cast %reduce_min3A_669 : vector<1xf32> to vector<1x1x1xf32>
      %reduce_min3A_671 = vector.extract %reduce_min3A_670[0, 0, 0] : f32 from vector<1x1x1xf32>
      %swap3A_672 = arith.constant 22 : index
      %swap3A_673 = memref.load %arg12[%swap3A_672] : memref<96xf32, #tpu.memory_space<smem>>
      memref.store %reduce_min3A_671, %arg12[%swap3A_672] : memref<96xf32, #tpu.memory_space<smem>>
      %lt3A_674 = arith.constant 1.000000e+06 : f32
      %lt3A_675 = vector.broadcast %lt3A_674 : f32 to vector<1x128xf32>
      %lt3A_676 = arith.cmpf olt, %get3A_660, %lt3A_675 : vector<1x128xf32>
      %jit3A_677 = arith.constant -1.000000e+06 : f32
      %broadcast_in_dim3A_678 = vector.broadcast %jit3A_677 : f32 to vector<1x128xf32>
      %select_n3A_679 = arith.select %lt3A_676, %get3A_666, %broadcast_in_dim3A_678 : vector<1x128xi1>, vector<1x128xf32>
      %reduce_max3A_680 = vector.shape_cast %select_n3A_679 : vector<1x128xf32> to vector<1x1x128xf32>
      %reduce_max3A_681 = arith.constant dense<0xFF800000> : vector<1xf32>
      %reduce_max3A_682 = vector.multi_reduction <maximumf>, %reduce_max3A_680, %reduce_max3A_681 [1, 2] : vector<1x1x128xf32> to vector<1xf32>
      %reduce_max3A_683 = vector.shape_cast %reduce_max3A_682 : vector<1xf32> to vector<1x1x1xf32>
      %reduce_max3A_684 = vector.extract %reduce_max3A_683[0, 0, 0] : f32 from vector<1x1x1xf32>
      %swap3A_685 = arith.constant 23 : index
      %swap3A_686 = memref.load %arg12[%swap3A_685] : memref<96xf32, #tpu.memory_space<smem>>
      memref.store %reduce_max3A_684, %arg12[%swap3A_685] : memref<96xf32, #tpu.memory_space<smem>>
      %get3A_687 = arith.constant 0 : index
      %get3A_688 = arith.constant 12 : index
      %get3A_689 = arith.constant 0 : index
      %get3A_690 = arith.constant 0 : index
      %get3A_691 = vector.load %arg2[%get3A_687, %get3A_688, %get3A_689, %get3A_690] : memref<1x40x2x128xf32, #tpu.memory_space<vmem>>, vector<1x1x1x128xf32>
      %get3A_692 = vector.shape_cast %get3A_691 : vector<1x1x1x128xf32> to vector<1x128xf32>
      %get3A_693 = arith.constant 0 : index
      %get3A_694 = arith.constant 12 : index
      %get3A_695 = arith.constant 1 : index
      %get3A_696 = arith.constant 0 : index
      %get3A_697 = vector.load %arg2[%get3A_693, %get3A_694, %get3A_695, %get3A_696] : memref<1x40x2x128xf32, #tpu.memory_space<vmem>>, vector<1x1x1x128xf32>
      %get3A_698 = vector.shape_cast %get3A_697 : vector<1x1x1x128xf32> to vector<1x128xf32>
      %reduce_min3A_699 = vector.shape_cast %get3A_692 : vector<1x128xf32> to vector<1x1x128xf32>
      %reduce_min3A_700 = arith.constant dense<0x7F800000> : vector<1xf32>
      %reduce_min3A_701 = vector.multi_reduction <minimumf>, %reduce_min3A_699, %reduce_min3A_700 [1, 2] : vector<1x1x128xf32> to vector<1xf32>
      %reduce_min3A_702 = vector.shape_cast %reduce_min3A_701 : vector<1xf32> to vector<1x1x1xf32>
      %reduce_min3A_703 = vector.extract %reduce_min3A_702[0, 0, 0] : f32 from vector<1x1x1xf32>
      %swap3A_704 = arith.constant 24 : index
      %swap3A_705 = memref.load %arg12[%swap3A_704] : memref<96xf32, #tpu.memory_space<smem>>
      memref.store %reduce_min3A_703, %arg12[%swap3A_704] : memref<96xf32, #tpu.memory_space<smem>>
      %lt3A_706 = arith.constant 1.000000e+06 : f32
      %lt3A_707 = vector.broadcast %lt3A_706 : f32 to vector<1x128xf32>
      %lt3A_708 = arith.cmpf olt, %get3A_692, %lt3A_707 : vector<1x128xf32>
      %jit3A_709 = arith.constant -1.000000e+06 : f32
      %broadcast_in_dim3A_710 = vector.broadcast %jit3A_709 : f32 to vector<1x128xf32>
      %select_n3A_711 = arith.select %lt3A_708, %get3A_698, %broadcast_in_dim3A_710 : vector<1x128xi1>, vector<1x128xf32>
      %reduce_max3A_712 = vector.shape_cast %select_n3A_711 : vector<1x128xf32> to vector<1x1x128xf32>
      %reduce_max3A_713 = arith.constant dense<0xFF800000> : vector<1xf32>
      %reduce_max3A_714 = vector.multi_reduction <maximumf>, %reduce_max3A_712, %reduce_max3A_713 [1, 2] : vector<1x1x128xf32> to vector<1xf32>
      %reduce_max3A_715 = vector.shape_cast %reduce_max3A_714 : vector<1xf32> to vector<1x1x1xf32>
      %reduce_max3A_716 = vector.extract %reduce_max3A_715[0, 0, 0] : f32 from vector<1x1x1xf32>
      %swap3A_717 = arith.constant 25 : index
      %swap3A_718 = memref.load %arg12[%swap3A_717] : memref<96xf32, #tpu.memory_space<smem>>
      memref.store %reduce_max3A_716, %arg12[%swap3A_717] : memref<96xf32, #tpu.memory_space<smem>>
      %get3A_719 = arith.constant 0 : index
      %get3A_720 = arith.constant 13 : index
      %get3A_721 = arith.constant 0 : index
      %get3A_722 = arith.constant 0 : index
      %get3A_723 = vector.load %arg2[%get3A_719, %get3A_720, %get3A_721, %get3A_722] : memref<1x40x2x128xf32, #tpu.memory_space<vmem>>, vector<1x1x1x128xf32>
      %get3A_724 = vector.shape_cast %get3A_723 : vector<1x1x1x128xf32> to vector<1x128xf32>
      %get3A_725 = arith.constant 0 : index
      %get3A_726 = arith.constant 13 : index
      %get3A_727 = arith.constant 1 : index
      %get3A_728 = arith.constant 0 : index
      %get3A_729 = vector.load %arg2[%get3A_725, %get3A_726, %get3A_727, %get3A_728] : memref<1x40x2x128xf32, #tpu.memory_space<vmem>>, vector<1x1x1x128xf32>
      %get3A_730 = vector.shape_cast %get3A_729 : vector<1x1x1x128xf32> to vector<1x128xf32>
      %reduce_min3A_731 = vector.shape_cast %get3A_724 : vector<1x128xf32> to vector<1x1x128xf32>
      %reduce_min3A_732 = arith.constant dense<0x7F800000> : vector<1xf32>
      %reduce_min3A_733 = vector.multi_reduction <minimumf>, %reduce_min3A_731, %reduce_min3A_732 [1, 2] : vector<1x1x128xf32> to vector<1xf32>
      %reduce_min3A_734 = vector.shape_cast %reduce_min3A_733 : vector<1xf32> to vector<1x1x1xf32>
      %reduce_min3A_735 = vector.extract %reduce_min3A_734[0, 0, 0] : f32 from vector<1x1x1xf32>
      %swap3A_736 = arith.constant 26 : index
      %swap3A_737 = memref.load %arg12[%swap3A_736] : memref<96xf32, #tpu.memory_space<smem>>
      memref.store %reduce_min3A_735, %arg12[%swap3A_736] : memref<96xf32, #tpu.memory_space<smem>>
      %lt3A_738 = arith.constant 1.000000e+06 : f32
      %lt3A_739 = vector.broadcast %lt3A_738 : f32 to vector<1x128xf32>
      %lt3A_740 = arith.cmpf olt, %get3A_724, %lt3A_739 : vector<1x128xf32>
      %jit3A_741 = arith.constant -1.000000e+06 : f32
      %broadcast_in_dim3A_742 = vector.broadcast %jit3A_741 : f32 to vector<1x128xf32>
      %select_n3A_743 = arith.select %lt3A_740, %get3A_730, %broadcast_in_dim3A_742 : vector<1x128xi1>, vector<1x128xf32>
      %reduce_max3A_744 = vector.shape_cast %select_n3A_743 : vector<1x128xf32> to vector<1x1x128xf32>
      %reduce_max3A_745 = arith.constant dense<0xFF800000> : vector<1xf32>
      %reduce_max3A_746 = vector.multi_reduction <maximumf>, %reduce_max3A_744, %reduce_max3A_745 [1, 2] : vector<1x1x128xf32> to vector<1xf32>
      %reduce_max3A_747 = vector.shape_cast %reduce_max3A_746 : vector<1xf32> to vector<1x1x1xf32>
      %reduce_max3A_748 = vector.extract %reduce_max3A_747[0, 0, 0] : f32 from vector<1x1x1xf32>
      %swap3A_749 = arith.constant 27 : index
      %swap3A_750 = memref.load %arg12[%swap3A_749] : memref<96xf32, #tpu.memory_space<smem>>
      memref.store %reduce_max3A_748, %arg12[%swap3A_749] : memref<96xf32, #tpu.memory_space<smem>>
      %get3A_751 = arith.constant 0 : index
      %get3A_752 = arith.constant 14 : index
      %get3A_753 = arith.constant 0 : index
      %get3A_754 = arith.constant 0 : index
      %get3A_755 = vector.load %arg2[%get3A_751, %get3A_752, %get3A_753, %get3A_754] : memref<1x40x2x128xf32, #tpu.memory_space<vmem>>, vector<1x1x1x128xf32>
      %get3A_756 = vector.shape_cast %get3A_755 : vector<1x1x1x128xf32> to vector<1x128xf32>
      %get3A_757 = arith.constant 0 : index
      %get3A_758 = arith.constant 14 : index
      %get3A_759 = arith.constant 1 : index
      %get3A_760 = arith.constant 0 : index
      %get3A_761 = vector.load %arg2[%get3A_757, %get3A_758, %get3A_759, %get3A_760] : memref<1x40x2x128xf32, #tpu.memory_space<vmem>>, vector<1x1x1x128xf32>
      %get3A_762 = vector.shape_cast %get3A_761 : vector<1x1x1x128xf32> to vector<1x128xf32>
      %reduce_min3A_763 = vector.shape_cast %get3A_756 : vector<1x128xf32> to vector<1x1x128xf32>
      %reduce_min3A_764 = arith.constant dense<0x7F800000> : vector<1xf32>
      %reduce_min3A_765 = vector.multi_reduction <minimumf>, %reduce_min3A_763, %reduce_min3A_764 [1, 2] : vector<1x1x128xf32> to vector<1xf32>
      %reduce_min3A_766 = vector.shape_cast %reduce_min3A_765 : vector<1xf32> to vector<1x1x1xf32>
      %reduce_min3A_767 = vector.extract %reduce_min3A_766[0, 0, 0] : f32 from vector<1x1x1xf32>
      %swap3A_768 = arith.constant 28 : index
      %swap3A_769 = memref.load %arg12[%swap3A_768] : memref<96xf32, #tpu.memory_space<smem>>
      memref.store %reduce_min3A_767, %arg12[%swap3A_768] : memref<96xf32, #tpu.memory_space<smem>>
      %lt3A_770 = arith.constant 1.000000e+06 : f32
      %lt3A_771 = vector.broadcast %lt3A_770 : f32 to vector<1x128xf32>
      %lt3A_772 = arith.cmpf olt, %get3A_756, %lt3A_771 : vector<1x128xf32>
      %jit3A_773 = arith.constant -1.000000e+06 : f32
      %broadcast_in_dim3A_774 = vector.broadcast %jit3A_773 : f32 to vector<1x128xf32>
      %select_n3A_775 = arith.select %lt3A_772, %get3A_762, %broadcast_in_dim3A_774 : vector<1x128xi1>, vector<1x128xf32>
      %reduce_max3A_776 = vector.shape_cast %select_n3A_775 : vector<1x128xf32> to vector<1x1x128xf32>
      %reduce_max3A_777 = arith.constant dense<0xFF800000> : vector<1xf32>
      %reduce_max3A_778 = vector.multi_reduction <maximumf>, %reduce_max3A_776, %reduce_max3A_777 [1, 2] : vector<1x1x128xf32> to vector<1xf32>
      %reduce_max3A_779 = vector.shape_cast %reduce_max3A_778 : vector<1xf32> to vector<1x1x1xf32>
      %reduce_max3A_780 = vector.extract %reduce_max3A_779[0, 0, 0] : f32 from vector<1x1x1xf32>
      %swap3A_781 = arith.constant 29 : index
      %swap3A_782 = memref.load %arg12[%swap3A_781] : memref<96xf32, #tpu.memory_space<smem>>
      memref.store %reduce_max3A_780, %arg12[%swap3A_781] : memref<96xf32, #tpu.memory_space<smem>>
      %get3A_783 = arith.constant 0 : index
      %get3A_784 = arith.constant 15 : index
      %get3A_785 = arith.constant 0 : index
      %get3A_786 = arith.constant 0 : index
      %get3A_787 = vector.load %arg2[%get3A_783, %get3A_784, %get3A_785, %get3A_786] : memref<1x40x2x128xf32, #tpu.memory_space<vmem>>, vector<1x1x1x128xf32>
      %get3A_788 = vector.shape_cast %get3A_787 : vector<1x1x1x128xf32> to vector<1x128xf32>
      %get3A_789 = arith.constant 0 : index
      %get3A_790 = arith.constant 15 : index
      %get3A_791 = arith.constant 1 : index
      %get3A_792 = arith.constant 0 : index
      %get3A_793 = vector.load %arg2[%get3A_789, %get3A_790, %get3A_791, %get3A_792] : memref<1x40x2x128xf32, #tpu.memory_space<vmem>>, vector<1x1x1x128xf32>
      %get3A_794 = vector.shape_cast %get3A_793 : vector<1x1x1x128xf32> to vector<1x128xf32>
      %reduce_min3A_795 = vector.shape_cast %get3A_788 : vector<1x128xf32> to vector<1x1x128xf32>
      %reduce_min3A_796 = arith.constant dense<0x7F800000> : vector<1xf32>
      %reduce_min3A_797 = vector.multi_reduction <minimumf>, %reduce_min3A_795, %reduce_min3A_796 [1, 2] : vector<1x1x128xf32> to vector<1xf32>
      %reduce_min3A_798 = vector.shape_cast %reduce_min3A_797 : vector<1xf32> to vector<1x1x1xf32>
      %reduce_min3A_799 = vector.extract %reduce_min3A_798[0, 0, 0] : f32 from vector<1x1x1xf32>
      %swap3A_800 = arith.constant 30 : index
      %swap3A_801 = memref.load %arg12[%swap3A_800] : memref<96xf32, #tpu.memory_space<smem>>
      memref.store %reduce_min3A_799, %arg12[%swap3A_800] : memref<96xf32, #tpu.memory_space<smem>>
      %lt3A_802 = arith.constant 1.000000e+06 : f32
      %lt3A_803 = vector.broadcast %lt3A_802 : f32 to vector<1x128xf32>
      %lt3A_804 = arith.cmpf olt, %get3A_788, %lt3A_803 : vector<1x128xf32>
      %jit3A_805 = arith.constant -1.000000e+06 : f32
      %broadcast_in_dim3A_806 = vector.broadcast %jit3A_805 : f32 to vector<1x128xf32>
      %select_n3A_807 = arith.select %lt3A_804, %get3A_794, %broadcast_in_dim3A_806 : vector<1x128xi1>, vector<1x128xf32>
      %reduce_max3A_808 = vector.shape_cast %select_n3A_807 : vector<1x128xf32> to vector<1x1x128xf32>
      %reduce_max3A_809 = arith.constant dense<0xFF800000> : vector<1xf32>
      %reduce_max3A_810 = vector.multi_reduction <maximumf>, %reduce_max3A_808, %reduce_max3A_809 [1, 2] : vector<1x1x128xf32> to vector<1xf32>
      %reduce_max3A_811 = vector.shape_cast %reduce_max3A_810 : vector<1xf32> to vector<1x1x1xf32>
      %reduce_max3A_812 = vector.extract %reduce_max3A_811[0, 0, 0] : f32 from vector<1x1x1xf32>
      %swap3A_813 = arith.constant 31 : index
      %swap3A_814 = memref.load %arg12[%swap3A_813] : memref<96xf32, #tpu.memory_space<smem>>
      memref.store %reduce_max3A_812, %arg12[%swap3A_813] : memref<96xf32, #tpu.memory_space<smem>>
      %get3A_815 = arith.constant 0 : index
      %get3A_816 = arith.constant 16 : index
      %get3A_817 = arith.constant 0 : index
      %get3A_818 = arith.constant 0 : index
      %get3A_819 = vector.load %arg2[%get3A_815, %get3A_816, %get3A_817, %get3A_818] : memref<1x40x2x128xf32, #tpu.memory_space<vmem>>, vector<1x1x1x128xf32>
      %get3A_820 = vector.shape_cast %get3A_819 : vector<1x1x1x128xf32> to vector<1x128xf32>
      %get3A_821 = arith.constant 0 : index
      %get3A_822 = arith.constant 16 : index
      %get3A_823 = arith.constant 1 : index
      %get3A_824 = arith.constant 0 : index
      %get3A_825 = vector.load %arg2[%get3A_821, %get3A_822, %get3A_823, %get3A_824] : memref<1x40x2x128xf32, #tpu.memory_space<vmem>>, vector<1x1x1x128xf32>
      %get3A_826 = vector.shape_cast %get3A_825 : vector<1x1x1x128xf32> to vector<1x128xf32>
      %reduce_min3A_827 = vector.shape_cast %get3A_820 : vector<1x128xf32> to vector<1x1x128xf32>
      %reduce_min3A_828 = arith.constant dense<0x7F800000> : vector<1xf32>
      %reduce_min3A_829 = vector.multi_reduction <minimumf>, %reduce_min3A_827, %reduce_min3A_828 [1, 2] : vector<1x1x128xf32> to vector<1xf32>
      %reduce_min3A_830 = vector.shape_cast %reduce_min3A_829 : vector<1xf32> to vector<1x1x1xf32>
      %reduce_min3A_831 = vector.extract %reduce_min3A_830[0, 0, 0] : f32 from vector<1x1x1xf32>
      %swap3A_832 = arith.constant 32 : index
      %swap3A_833 = memref.load %arg12[%swap3A_832] : memref<96xf32, #tpu.memory_space<smem>>
      memref.store %reduce_min3A_831, %arg12[%swap3A_832] : memref<96xf32, #tpu.memory_space<smem>>
      %lt3A_834 = arith.constant 1.000000e+06 : f32
      %lt3A_835 = vector.broadcast %lt3A_834 : f32 to vector<1x128xf32>
      %lt3A_836 = arith.cmpf olt, %get3A_820, %lt3A_835 : vector<1x128xf32>
      %jit3A_837 = arith.constant -1.000000e+06 : f32
      %broadcast_in_dim3A_838 = vector.broadcast %jit3A_837 : f32 to vector<1x128xf32>
      %select_n3A_839 = arith.select %lt3A_836, %get3A_826, %broadcast_in_dim3A_838 : vector<1x128xi1>, vector<1x128xf32>
      %reduce_max3A_840 = vector.shape_cast %select_n3A_839 : vector<1x128xf32> to vector<1x1x128xf32>
      %reduce_max3A_841 = arith.constant dense<0xFF800000> : vector<1xf32>
      %reduce_max3A_842 = vector.multi_reduction <maximumf>, %reduce_max3A_840, %reduce_max3A_841 [1, 2] : vector<1x1x128xf32> to vector<1xf32>
      %reduce_max3A_843 = vector.shape_cast %reduce_max3A_842 : vector<1xf32> to vector<1x1x1xf32>
      %reduce_max3A_844 = vector.extract %reduce_max3A_843[0, 0, 0] : f32 from vector<1x1x1xf32>
      %swap3A_845 = arith.constant 33 : index
      %swap3A_846 = memref.load %arg12[%swap3A_845] : memref<96xf32, #tpu.memory_space<smem>>
      memref.store %reduce_max3A_844, %arg12[%swap3A_845] : memref<96xf32, #tpu.memory_space<smem>>
      %get3A_847 = arith.constant 0 : index
      %get3A_848 = arith.constant 17 : index
      %get3A_849 = arith.constant 0 : index
      %get3A_850 = arith.constant 0 : index
      %get3A_851 = vector.load %arg2[%get3A_847, %get3A_848, %get3A_849, %get3A_850] : memref<1x40x2x128xf32, #tpu.memory_space<vmem>>, vector<1x1x1x128xf32>
      %get3A_852 = vector.shape_cast %get3A_851 : vector<1x1x1x128xf32> to vector<1x128xf32>
      %get3A_853 = arith.constant 0 : index
      %get3A_854 = arith.constant 17 : index
      %get3A_855 = arith.constant 1 : index
      %get3A_856 = arith.constant 0 : index
      %get3A_857 = vector.load %arg2[%get3A_853, %get3A_854, %get3A_855, %get3A_856] : memref<1x40x2x128xf32, #tpu.memory_space<vmem>>, vector<1x1x1x128xf32>
      %get3A_858 = vector.shape_cast %get3A_857 : vector<1x1x1x128xf32> to vector<1x128xf32>
      %reduce_min3A_859 = vector.shape_cast %get3A_852 : vector<1x128xf32> to vector<1x1x128xf32>
      %reduce_min3A_860 = arith.constant dense<0x7F800000> : vector<1xf32>
      %reduce_min3A_861 = vector.multi_reduction <minimumf>, %reduce_min3A_859, %reduce_min3A_860 [1, 2] : vector<1x1x128xf32> to vector<1xf32>
      %reduce_min3A_862 = vector.shape_cast %reduce_min3A_861 : vector<1xf32> to vector<1x1x1xf32>
      %reduce_min3A_863 = vector.extract %reduce_min3A_862[0, 0, 0] : f32 from vector<1x1x1xf32>
      %swap3A_864 = arith.constant 34 : index
      %swap3A_865 = memref.load %arg12[%swap3A_864] : memref<96xf32, #tpu.memory_space<smem>>
      memref.store %reduce_min3A_863, %arg12[%swap3A_864] : memref<96xf32, #tpu.memory_space<smem>>
      %lt3A_866 = arith.constant 1.000000e+06 : f32
      %lt3A_867 = vector.broadcast %lt3A_866 : f32 to vector<1x128xf32>
      %lt3A_868 = arith.cmpf olt, %get3A_852, %lt3A_867 : vector<1x128xf32>
      %jit3A_869 = arith.constant -1.000000e+06 : f32
      %broadcast_in_dim3A_870 = vector.broadcast %jit3A_869 : f32 to vector<1x128xf32>
      %select_n3A_871 = arith.select %lt3A_868, %get3A_858, %broadcast_in_dim3A_870 : vector<1x128xi1>, vector<1x128xf32>
      %reduce_max3A_872 = vector.shape_cast %select_n3A_871 : vector<1x128xf32> to vector<1x1x128xf32>
      %reduce_max3A_873 = arith.constant dense<0xFF800000> : vector<1xf32>
      %reduce_max3A_874 = vector.multi_reduction <maximumf>, %reduce_max3A_872, %reduce_max3A_873 [1, 2] : vector<1x1x128xf32> to vector<1xf32>
      %reduce_max3A_875 = vector.shape_cast %reduce_max3A_874 : vector<1xf32> to vector<1x1x1xf32>
      %reduce_max3A_876 = vector.extract %reduce_max3A_875[0, 0, 0] : f32 from vector<1x1x1xf32>
      %swap3A_877 = arith.constant 35 : index
      %swap3A_878 = memref.load %arg12[%swap3A_877] : memref<96xf32, #tpu.memory_space<smem>>
      memref.store %reduce_max3A_876, %arg12[%swap3A_877] : memref<96xf32, #tpu.memory_space<smem>>
      %get3A_879 = arith.constant 0 : index
      %get3A_880 = arith.constant 18 : index
      %get3A_881 = arith.constant 0 : index
      %get3A_882 = arith.constant 0 : index
      %get3A_883 = vector.load %arg2[%get3A_879, %get3A_880, %get3A_881, %get3A_882] : memref<1x40x2x128xf32, #tpu.memory_space<vmem>>, vector<1x1x1x128xf32>
      %get3A_884 = vector.shape_cast %get3A_883 : vector<1x1x1x128xf32> to vector<1x128xf32>
      %get3A_885 = arith.constant 0 : index
      %get3A_886 = arith.constant 18 : index
      %get3A_887 = arith.constant 1 : index
      %get3A_888 = arith.constant 0 : index
      %get3A_889 = vector.load %arg2[%get3A_885, %get3A_886, %get3A_887, %get3A_888] : memref<1x40x2x128xf32, #tpu.memory_space<vmem>>, vector<1x1x1x128xf32>
      %get3A_890 = vector.shape_cast %get3A_889 : vector<1x1x1x128xf32> to vector<1x128xf32>
      %reduce_min3A_891 = vector.shape_cast %get3A_884 : vector<1x128xf32> to vector<1x1x128xf32>
      %reduce_min3A_892 = arith.constant dense<0x7F800000> : vector<1xf32>
      %reduce_min3A_893 = vector.multi_reduction <minimumf>, %reduce_min3A_891, %reduce_min3A_892 [1, 2] : vector<1x1x128xf32> to vector<1xf32>
      %reduce_min3A_894 = vector.shape_cast %reduce_min3A_893 : vector<1xf32> to vector<1x1x1xf32>
      %reduce_min3A_895 = vector.extract %reduce_min3A_894[0, 0, 0] : f32 from vector<1x1x1xf32>
      %swap3A_896 = arith.constant 36 : index
      %swap3A_897 = memref.load %arg12[%swap3A_896] : memref<96xf32, #tpu.memory_space<smem>>
      memref.store %reduce_min3A_895, %arg12[%swap3A_896] : memref<96xf32, #tpu.memory_space<smem>>
      %lt3A_898 = arith.constant 1.000000e+06 : f32
      %lt3A_899 = vector.broadcast %lt3A_898 : f32 to vector<1x128xf32>
      %lt3A_900 = arith.cmpf olt, %get3A_884, %lt3A_899 : vector<1x128xf32>
      %jit3A_901 = arith.constant -1.000000e+06 : f32
      %broadcast_in_dim3A_902 = vector.broadcast %jit3A_901 : f32 to vector<1x128xf32>
      %select_n3A_903 = arith.select %lt3A_900, %get3A_890, %broadcast_in_dim3A_902 : vector<1x128xi1>, vector<1x128xf32>
      %reduce_max3A_904 = vector.shape_cast %select_n3A_903 : vector<1x128xf32> to vector<1x1x128xf32>
      %reduce_max3A_905 = arith.constant dense<0xFF800000> : vector<1xf32>
      %reduce_max3A_906 = vector.multi_reduction <maximumf>, %reduce_max3A_904, %reduce_max3A_905 [1, 2] : vector<1x1x128xf32> to vector<1xf32>
      %reduce_max3A_907 = vector.shape_cast %reduce_max3A_906 : vector<1xf32> to vector<1x1x1xf32>
      %reduce_max3A_908 = vector.extract %reduce_max3A_907[0, 0, 0] : f32 from vector<1x1x1xf32>
      %swap3A_909 = arith.constant 37 : index
      %swap3A_910 = memref.load %arg12[%swap3A_909] : memref<96xf32, #tpu.memory_space<smem>>
      memref.store %reduce_max3A_908, %arg12[%swap3A_909] : memref<96xf32, #tpu.memory_space<smem>>
      %get3A_911 = arith.constant 0 : index
      %get3A_912 = arith.constant 19 : index
      %get3A_913 = arith.constant 0 : index
      %get3A_914 = arith.constant 0 : index
      %get3A_915 = vector.load %arg2[%get3A_911, %get3A_912, %get3A_913, %get3A_914] : memref<1x40x2x128xf32, #tpu.memory_space<vmem>>, vector<1x1x1x128xf32>
      %get3A_916 = vector.shape_cast %get3A_915 : vector<1x1x1x128xf32> to vector<1x128xf32>
      %get3A_917 = arith.constant 0 : index
      %get3A_918 = arith.constant 19 : index
      %get3A_919 = arith.constant 1 : index
      %get3A_920 = arith.constant 0 : index
      %get3A_921 = vector.load %arg2[%get3A_917, %get3A_918, %get3A_919, %get3A_920] : memref<1x40x2x128xf32, #tpu.memory_space<vmem>>, vector<1x1x1x128xf32>
      %get3A_922 = vector.shape_cast %get3A_921 : vector<1x1x1x128xf32> to vector<1x128xf32>
      %reduce_min3A_923 = vector.shape_cast %get3A_916 : vector<1x128xf32> to vector<1x1x128xf32>
      %reduce_min3A_924 = arith.constant dense<0x7F800000> : vector<1xf32>
      %reduce_min3A_925 = vector.multi_reduction <minimumf>, %reduce_min3A_923, %reduce_min3A_924 [1, 2] : vector<1x1x128xf32> to vector<1xf32>
      %reduce_min3A_926 = vector.shape_cast %reduce_min3A_925 : vector<1xf32> to vector<1x1x1xf32>
      %reduce_min3A_927 = vector.extract %reduce_min3A_926[0, 0, 0] : f32 from vector<1x1x1xf32>
      %swap3A_928 = arith.constant 38 : index
      %swap3A_929 = memref.load %arg12[%swap3A_928] : memref<96xf32, #tpu.memory_space<smem>>
      memref.store %reduce_min3A_927, %arg12[%swap3A_928] : memref<96xf32, #tpu.memory_space<smem>>
      %lt3A_930 = arith.constant 1.000000e+06 : f32
      %lt3A_931 = vector.broadcast %lt3A_930 : f32 to vector<1x128xf32>
      %lt3A_932 = arith.cmpf olt, %get3A_916, %lt3A_931 : vector<1x128xf32>
      %jit3A_933 = arith.constant -1.000000e+06 : f32
      %broadcast_in_dim3A_934 = vector.broadcast %jit3A_933 : f32 to vector<1x128xf32>
      %select_n3A_935 = arith.select %lt3A_932, %get3A_922, %broadcast_in_dim3A_934 : vector<1x128xi1>, vector<1x128xf32>
      %reduce_max3A_936 = vector.shape_cast %select_n3A_935 : vector<1x128xf32> to vector<1x1x128xf32>
      %reduce_max3A_937 = arith.constant dense<0xFF800000> : vector<1xf32>
      %reduce_max3A_938 = vector.multi_reduction <maximumf>, %reduce_max3A_936, %reduce_max3A_937 [1, 2] : vector<1x1x128xf32> to vector<1xf32>
      %reduce_max3A_939 = vector.shape_cast %reduce_max3A_938 : vector<1xf32> to vector<1x1x1xf32>
      %reduce_max3A_940 = vector.extract %reduce_max3A_939[0, 0, 0] : f32 from vector<1x1x1xf32>
      %swap3A_941 = arith.constant 39 : index
      %swap3A_942 = memref.load %arg12[%swap3A_941] : memref<96xf32, #tpu.memory_space<smem>>
      memref.store %reduce_max3A_940, %arg12[%swap3A_941] : memref<96xf32, #tpu.memory_space<smem>>
      %get3A_943 = arith.constant 0 : index
      %get3A_944 = arith.constant 20 : index
      %get3A_945 = arith.constant 0 : index
      %get3A_946 = arith.constant 0 : index
      %get3A_947 = vector.load %arg2[%get3A_943, %get3A_944, %get3A_945, %get3A_946] : memref<1x40x2x128xf32, #tpu.memory_space<vmem>>, vector<1x1x1x128xf32>
      %get3A_948 = vector.shape_cast %get3A_947 : vector<1x1x1x128xf32> to vector<1x128xf32>
      %get3A_949 = arith.constant 0 : index
      %get3A_950 = arith.constant 20 : index
      %get3A_951 = arith.constant 1 : index
      %get3A_952 = arith.constant 0 : index
      %get3A_953 = vector.load %arg2[%get3A_949, %get3A_950, %get3A_951, %get3A_952] : memref<1x40x2x128xf32, #tpu.memory_space<vmem>>, vector<1x1x1x128xf32>
      %get3A_954 = vector.shape_cast %get3A_953 : vector<1x1x1x128xf32> to vector<1x128xf32>
      %reduce_min3A_955 = vector.shape_cast %get3A_948 : vector<1x128xf32> to vector<1x1x128xf32>
      %reduce_min3A_956 = arith.constant dense<0x7F800000> : vector<1xf32>
      %reduce_min3A_957 = vector.multi_reduction <minimumf>, %reduce_min3A_955, %reduce_min3A_956 [1, 2] : vector<1x1x128xf32> to vector<1xf32>
      %reduce_min3A_958 = vector.shape_cast %reduce_min3A_957 : vector<1xf32> to vector<1x1x1xf32>
      %reduce_min3A_959 = vector.extract %reduce_min3A_958[0, 0, 0] : f32 from vector<1x1x1xf32>
      %swap3A_960 = arith.constant 40 : index
      %swap3A_961 = memref.load %arg12[%swap3A_960] : memref<96xf32, #tpu.memory_space<smem>>
      memref.store %reduce_min3A_959, %arg12[%swap3A_960] : memref<96xf32, #tpu.memory_space<smem>>
      %lt3A_962 = arith.constant 1.000000e+06 : f32
      %lt3A_963 = vector.broadcast %lt3A_962 : f32 to vector<1x128xf32>
      %lt3A_964 = arith.cmpf olt, %get3A_948, %lt3A_963 : vector<1x128xf32>
      %jit3A_965 = arith.constant -1.000000e+06 : f32
      %broadcast_in_dim3A_966 = vector.broadcast %jit3A_965 : f32 to vector<1x128xf32>
      %select_n3A_967 = arith.select %lt3A_964, %get3A_954, %broadcast_in_dim3A_966 : vector<1x128xi1>, vector<1x128xf32>
      %reduce_max3A_968 = vector.shape_cast %select_n3A_967 : vector<1x128xf32> to vector<1x1x128xf32>
      %reduce_max3A_969 = arith.constant dense<0xFF800000> : vector<1xf32>
      %reduce_max3A_970 = vector.multi_reduction <maximumf>, %reduce_max3A_968, %reduce_max3A_969 [1, 2] : vector<1x1x128xf32> to vector<1xf32>
      %reduce_max3A_971 = vector.shape_cast %reduce_max3A_970 : vector<1xf32> to vector<1x1x1xf32>
      %reduce_max3A_972 = vector.extract %reduce_max3A_971[0, 0, 0] : f32 from vector<1x1x1xf32>
      %swap3A_973 = arith.constant 41 : index
      %swap3A_974 = memref.load %arg12[%swap3A_973] : memref<96xf32, #tpu.memory_space<smem>>
      memref.store %reduce_max3A_972, %arg12[%swap3A_973] : memref<96xf32, #tpu.memory_space<smem>>
      %get3A_975 = arith.constant 0 : index
      %get3A_976 = arith.constant 21 : index
      %get3A_977 = arith.constant 0 : index
      %get3A_978 = arith.constant 0 : index
      %get3A_979 = vector.load %arg2[%get3A_975, %get3A_976, %get3A_977, %get3A_978] : memref<1x40x2x128xf32, #tpu.memory_space<vmem>>, vector<1x1x1x128xf32>
      %get3A_980 = vector.shape_cast %get3A_979 : vector<1x1x1x128xf32> to vector<1x128xf32>
      %get3A_981 = arith.constant 0 : index
      %get3A_982 = arith.constant 21 : index
      %get3A_983 = arith.constant 1 : index
      %get3A_984 = arith.constant 0 : index
      %get3A_985 = vector.load %arg2[%get3A_981, %get3A_982, %get3A_983, %get3A_984] : memref<1x40x2x128xf32, #tpu.memory_space<vmem>>, vector<1x1x1x128xf32>
      %get3A_986 = vector.shape_cast %get3A_985 : vector<1x1x1x128xf32> to vector<1x128xf32>
      %reduce_min3A_987 = vector.shape_cast %get3A_980 : vector<1x128xf32> to vector<1x1x128xf32>
      %reduce_min3A_988 = arith.constant dense<0x7F800000> : vector<1xf32>
      %reduce_min3A_989 = vector.multi_reduction <minimumf>, %reduce_min3A_987, %reduce_min3A_988 [1, 2] : vector<1x1x128xf32> to vector<1xf32>
      %reduce_min3A_990 = vector.shape_cast %reduce_min3A_989 : vector<1xf32> to vector<1x1x1xf32>
      %reduce_min3A_991 = vector.extract %reduce_min3A_990[0, 0, 0] : f32 from vector<1x1x1xf32>
      %swap3A_992 = arith.constant 42 : index
      %swap3A_993 = memref.load %arg12[%swap3A_992] : memref<96xf32, #tpu.memory_space<smem>>
      memref.store %reduce_min3A_991, %arg12[%swap3A_992] : memref<96xf32, #tpu.memory_space<smem>>
      %lt3A_994 = arith.constant 1.000000e+06 : f32
      %lt3A_995 = vector.broadcast %lt3A_994 : f32 to vector<1x128xf32>
      %lt3A_996 = arith.cmpf olt, %get3A_980, %lt3A_995 : vector<1x128xf32>
      %jit3A_997 = arith.constant -1.000000e+06 : f32
      %broadcast_in_dim3A_998 = vector.broadcast %jit3A_997 : f32 to vector<1x128xf32>
      %select_n3A_999 = arith.select %lt3A_996, %get3A_986, %broadcast_in_dim3A_998 : vector<1x128xi1>, vector<1x128xf32>
      %reduce_max3A_1000 = vector.shape_cast %select_n3A_999 : vector<1x128xf32> to vector<1x1x128xf32>
      %reduce_max3A_1001 = arith.constant dense<0xFF800000> : vector<1xf32>
      %reduce_max3A_1002 = vector.multi_reduction <maximumf>, %reduce_max3A_1000, %reduce_max3A_1001 [1, 2] : vector<1x1x128xf32> to vector<1xf32>
      %reduce_max3A_1003 = vector.shape_cast %reduce_max3A_1002 : vector<1xf32> to vector<1x1x1xf32>
      %reduce_max3A_1004 = vector.extract %reduce_max3A_1003[0, 0, 0] : f32 from vector<1x1x1xf32>
      %swap3A_1005 = arith.constant 43 : index
      %swap3A_1006 = memref.load %arg12[%swap3A_1005] : memref<96xf32, #tpu.memory_space<smem>>
      memref.store %reduce_max3A_1004, %arg12[%swap3A_1005] : memref<96xf32, #tpu.memory_space<smem>>
      %get3A_1007 = arith.constant 0 : index
      %get3A_1008 = arith.constant 22 : index
      %get3A_1009 = arith.constant 0 : index
      %get3A_1010 = arith.constant 0 : index
      %get3A_1011 = vector.load %arg2[%get3A_1007, %get3A_1008, %get3A_1009, %get3A_1010] : memref<1x40x2x128xf32, #tpu.memory_space<vmem>>, vector<1x1x1x128xf32>
      %get3A_1012 = vector.shape_cast %get3A_1011 : vector<1x1x1x128xf32> to vector<1x128xf32>
      %get3A_1013 = arith.constant 0 : index
      %get3A_1014 = arith.constant 22 : index
      %get3A_1015 = arith.constant 1 : index
      %get3A_1016 = arith.constant 0 : index
      %get3A_1017 = vector.load %arg2[%get3A_1013, %get3A_1014, %get3A_1015, %get3A_1016] : memref<1x40x2x128xf32, #tpu.memory_space<vmem>>, vector<1x1x1x128xf32>
      %get3A_1018 = vector.shape_cast %get3A_1017 : vector<1x1x1x128xf32> to vector<1x128xf32>
      %reduce_min3A_1019 = vector.shape_cast %get3A_1012 : vector<1x128xf32> to vector<1x1x128xf32>
      %reduce_min3A_1020 = arith.constant dense<0x7F800000> : vector<1xf32>
      %reduce_min3A_1021 = vector.multi_reduction <minimumf>, %reduce_min3A_1019, %reduce_min3A_1020 [1, 2] : vector<1x1x128xf32> to vector<1xf32>
      %reduce_min3A_1022 = vector.shape_cast %reduce_min3A_1021 : vector<1xf32> to vector<1x1x1xf32>
      %reduce_min3A_1023 = vector.extract %reduce_min3A_1022[0, 0, 0] : f32 from vector<1x1x1xf32>
      %swap3A_1024 = arith.constant 44 : index
      %swap3A_1025 = memref.load %arg12[%swap3A_1024] : memref<96xf32, #tpu.memory_space<smem>>
      memref.store %reduce_min3A_1023, %arg12[%swap3A_1024] : memref<96xf32, #tpu.memory_space<smem>>
      %lt3A_1026 = arith.constant 1.000000e+06 : f32
      %lt3A_1027 = vector.broadcast %lt3A_1026 : f32 to vector<1x128xf32>
      %lt3A_1028 = arith.cmpf olt, %get3A_1012, %lt3A_1027 : vector<1x128xf32>
      %jit3A_1029 = arith.constant -1.000000e+06 : f32
      %broadcast_in_dim3A_1030 = vector.broadcast %jit3A_1029 : f32 to vector<1x128xf32>
      %select_n3A_1031 = arith.select %lt3A_1028, %get3A_1018, %broadcast_in_dim3A_1030 : vector<1x128xi1>, vector<1x128xf32>
      %reduce_max3A_1032 = vector.shape_cast %select_n3A_1031 : vector<1x128xf32> to vector<1x1x128xf32>
      %reduce_max3A_1033 = arith.constant dense<0xFF800000> : vector<1xf32>
      %reduce_max3A_1034 = vector.multi_reduction <maximumf>, %reduce_max3A_1032, %reduce_max3A_1033 [1, 2] : vector<1x1x128xf32> to vector<1xf32>
      %reduce_max3A_1035 = vector.shape_cast %reduce_max3A_1034 : vector<1xf32> to vector<1x1x1xf32>
      %reduce_max3A_1036 = vector.extract %reduce_max3A_1035[0, 0, 0] : f32 from vector<1x1x1xf32>
      %swap3A_1037 = arith.constant 45 : index
      %swap3A_1038 = memref.load %arg12[%swap3A_1037] : memref<96xf32, #tpu.memory_space<smem>>
      memref.store %reduce_max3A_1036, %arg12[%swap3A_1037] : memref<96xf32, #tpu.memory_space<smem>>
      %get3A_1039 = arith.constant 0 : index
      %get3A_1040 = arith.constant 23 : index
      %get3A_1041 = arith.constant 0 : index
      %get3A_1042 = arith.constant 0 : index
      %get3A_1043 = vector.load %arg2[%get3A_1039, %get3A_1040, %get3A_1041, %get3A_1042] : memref<1x40x2x128xf32, #tpu.memory_space<vmem>>, vector<1x1x1x128xf32>
      %get3A_1044 = vector.shape_cast %get3A_1043 : vector<1x1x1x128xf32> to vector<1x128xf32>
      %get3A_1045 = arith.constant 0 : index
      %get3A_1046 = arith.constant 23 : index
      %get3A_1047 = arith.constant 1 : index
      %get3A_1048 = arith.constant 0 : index
      %get3A_1049 = vector.load %arg2[%get3A_1045, %get3A_1046, %get3A_1047, %get3A_1048] : memref<1x40x2x128xf32, #tpu.memory_space<vmem>>, vector<1x1x1x128xf32>
      %get3A_1050 = vector.shape_cast %get3A_1049 : vector<1x1x1x128xf32> to vector<1x128xf32>
      %reduce_min3A_1051 = vector.shape_cast %get3A_1044 : vector<1x128xf32> to vector<1x1x128xf32>
      %reduce_min3A_1052 = arith.constant dense<0x7F800000> : vector<1xf32>
      %reduce_min3A_1053 = vector.multi_reduction <minimumf>, %reduce_min3A_1051, %reduce_min3A_1052 [1, 2] : vector<1x1x128xf32> to vector<1xf32>
      %reduce_min3A_1054 = vector.shape_cast %reduce_min3A_1053 : vector<1xf32> to vector<1x1x1xf32>
      %reduce_min3A_1055 = vector.extract %reduce_min3A_1054[0, 0, 0] : f32 from vector<1x1x1xf32>
      %swap3A_1056 = arith.constant 46 : index
      %swap3A_1057 = memref.load %arg12[%swap3A_1056] : memref<96xf32, #tpu.memory_space<smem>>
      memref.store %reduce_min3A_1055, %arg12[%swap3A_1056] : memref<96xf32, #tpu.memory_space<smem>>
      %lt3A_1058 = arith.constant 1.000000e+06 : f32
      %lt3A_1059 = vector.broadcast %lt3A_1058 : f32 to vector<1x128xf32>
      %lt3A_1060 = arith.cmpf olt, %get3A_1044, %lt3A_1059 : vector<1x128xf32>
      %jit3A_1061 = arith.constant -1.000000e+06 : f32
      %broadcast_in_dim3A_1062 = vector.broadcast %jit3A_1061 : f32 to vector<1x128xf32>
      %select_n3A_1063 = arith.select %lt3A_1060, %get3A_1050, %broadcast_in_dim3A_1062 : vector<1x128xi1>, vector<1x128xf32>
      %reduce_max3A_1064 = vector.shape_cast %select_n3A_1063 : vector<1x128xf32> to vector<1x1x128xf32>
      %reduce_max3A_1065 = arith.constant dense<0xFF800000> : vector<1xf32>
      %reduce_max3A_1066 = vector.multi_reduction <maximumf>, %reduce_max3A_1064, %reduce_max3A_1065 [1, 2] : vector<1x1x128xf32> to vector<1xf32>
      %reduce_max3A_1067 = vector.shape_cast %reduce_max3A_1066 : vector<1xf32> to vector<1x1x1xf32>
      %reduce_max3A_1068 = vector.extract %reduce_max3A_1067[0, 0, 0] : f32 from vector<1x1x1xf32>
      %swap3A_1069 = arith.constant 47 : index
      %swap3A_1070 = memref.load %arg12[%swap3A_1069] : memref<96xf32, #tpu.memory_space<smem>>
      memref.store %reduce_max3A_1068, %arg12[%swap3A_1069] : memref<96xf32, #tpu.memory_space<smem>>
      %get3A_1071 = arith.constant 0 : index
      %get3A_1072 = arith.constant 24 : index
      %get3A_1073 = arith.constant 0 : index
      %get3A_1074 = arith.constant 0 : index
      %get3A_1075 = vector.load %arg2[%get3A_1071, %get3A_1072, %get3A_1073, %get3A_1074] : memref<1x40x2x128xf32, #tpu.memory_space<vmem>>, vector<1x1x1x128xf32>
      %get3A_1076 = vector.shape_cast %get3A_1075 : vector<1x1x1x128xf32> to vector<1x128xf32>
      %get3A_1077 = arith.constant 0 : index
      %get3A_1078 = arith.constant 24 : index
      %get3A_1079 = arith.constant 1 : index
      %get3A_1080 = arith.constant 0 : index
      %get3A_1081 = vector.load %arg2[%get3A_1077, %get3A_1078, %get3A_1079, %get3A_1080] : memref<1x40x2x128xf32, #tpu.memory_space<vmem>>, vector<1x1x1x128xf32>
      %get3A_1082 = vector.shape_cast %get3A_1081 : vector<1x1x1x128xf32> to vector<1x128xf32>
      %reduce_min3A_1083 = vector.shape_cast %get3A_1076 : vector<1x128xf32> to vector<1x1x128xf32>
      %reduce_min3A_1084 = arith.constant dense<0x7F800000> : vector<1xf32>
      %reduce_min3A_1085 = vector.multi_reduction <minimumf>, %reduce_min3A_1083, %reduce_min3A_1084 [1, 2] : vector<1x1x128xf32> to vector<1xf32>
      %reduce_min3A_1086 = vector.shape_cast %reduce_min3A_1085 : vector<1xf32> to vector<1x1x1xf32>
      %reduce_min3A_1087 = vector.extract %reduce_min3A_1086[0, 0, 0] : f32 from vector<1x1x1xf32>
      %swap3A_1088 = arith.constant 48 : index
      %swap3A_1089 = memref.load %arg12[%swap3A_1088] : memref<96xf32, #tpu.memory_space<smem>>
      memref.store %reduce_min3A_1087, %arg12[%swap3A_1088] : memref<96xf32, #tpu.memory_space<smem>>
      %lt3A_1090 = arith.constant 1.000000e+06 : f32
      %lt3A_1091 = vector.broadcast %lt3A_1090 : f32 to vector<1x128xf32>
      %lt3A_1092 = arith.cmpf olt, %get3A_1076, %lt3A_1091 : vector<1x128xf32>
      %jit3A_1093 = arith.constant -1.000000e+06 : f32
      %broadcast_in_dim3A_1094 = vector.broadcast %jit3A_1093 : f32 to vector<1x128xf32>
      %select_n3A_1095 = arith.select %lt3A_1092, %get3A_1082, %broadcast_in_dim3A_1094 : vector<1x128xi1>, vector<1x128xf32>
      %reduce_max3A_1096 = vector.shape_cast %select_n3A_1095 : vector<1x128xf32> to vector<1x1x128xf32>
      %reduce_max3A_1097 = arith.constant dense<0xFF800000> : vector<1xf32>
      %reduce_max3A_1098 = vector.multi_reduction <maximumf>, %reduce_max3A_1096, %reduce_max3A_1097 [1, 2] : vector<1x1x128xf32> to vector<1xf32>
      %reduce_max3A_1099 = vector.shape_cast %reduce_max3A_1098 : vector<1xf32> to vector<1x1x1xf32>
      %reduce_max3A_1100 = vector.extract %reduce_max3A_1099[0, 0, 0] : f32 from vector<1x1x1xf32>
      %swap3A_1101 = arith.constant 49 : index
      %swap3A_1102 = memref.load %arg12[%swap3A_1101] : memref<96xf32, #tpu.memory_space<smem>>
      memref.store %reduce_max3A_1100, %arg12[%swap3A_1101] : memref<96xf32, #tpu.memory_space<smem>>
      %get3A_1103 = arith.constant 0 : index
      %get3A_1104 = arith.constant 25 : index
      %get3A_1105 = arith.constant 0 : index
      %get3A_1106 = arith.constant 0 : index
      %get3A_1107 = vector.load %arg2[%get3A_1103, %get3A_1104, %get3A_1105, %get3A_1106] : memref<1x40x2x128xf32, #tpu.memory_space<vmem>>, vector<1x1x1x128xf32>
      %get3A_1108 = vector.shape_cast %get3A_1107 : vector<1x1x1x128xf32> to vector<1x128xf32>
      %get3A_1109 = arith.constant 0 : index
      %get3A_1110 = arith.constant 25 : index
      %get3A_1111 = arith.constant 1 : index
      %get3A_1112 = arith.constant 0 : index
      %get3A_1113 = vector.load %arg2[%get3A_1109, %get3A_1110, %get3A_1111, %get3A_1112] : memref<1x40x2x128xf32, #tpu.memory_space<vmem>>, vector<1x1x1x128xf32>
      %get3A_1114 = vector.shape_cast %get3A_1113 : vector<1x1x1x128xf32> to vector<1x128xf32>
      %reduce_min3A_1115 = vector.shape_cast %get3A_1108 : vector<1x128xf32> to vector<1x1x128xf32>
      %reduce_min3A_1116 = arith.constant dense<0x7F800000> : vector<1xf32>
      %reduce_min3A_1117 = vector.multi_reduction <minimumf>, %reduce_min3A_1115, %reduce_min3A_1116 [1, 2] : vector<1x1x128xf32> to vector<1xf32>
      %reduce_min3A_1118 = vector.shape_cast %reduce_min3A_1117 : vector<1xf32> to vector<1x1x1xf32>
      %reduce_min3A_1119 = vector.extract %reduce_min3A_1118[0, 0, 0] : f32 from vector<1x1x1xf32>
      %swap3A_1120 = arith.constant 50 : index
      %swap3A_1121 = memref.load %arg12[%swap3A_1120] : memref<96xf32, #tpu.memory_space<smem>>
      memref.store %reduce_min3A_1119, %arg12[%swap3A_1120] : memref<96xf32, #tpu.memory_space<smem>>
      %lt3A_1122 = arith.constant 1.000000e+06 : f32
      %lt3A_1123 = vector.broadcast %lt3A_1122 : f32 to vector<1x128xf32>
      %lt3A_1124 = arith.cmpf olt, %get3A_1108, %lt3A_1123 : vector<1x128xf32>
      %jit3A_1125 = arith.constant -1.000000e+06 : f32
      %broadcast_in_dim3A_1126 = vector.broadcast %jit3A_1125 : f32 to vector<1x128xf32>
      %select_n3A_1127 = arith.select %lt3A_1124, %get3A_1114, %broadcast_in_dim3A_1126 : vector<1x128xi1>, vector<1x128xf32>
      %reduce_max3A_1128 = vector.shape_cast %select_n3A_1127 : vector<1x128xf32> to vector<1x1x128xf32>
      %reduce_max3A_1129 = arith.constant dense<0xFF800000> : vector<1xf32>
      %reduce_max3A_1130 = vector.multi_reduction <maximumf>, %reduce_max3A_1128, %reduce_max3A_1129 [1, 2] : vector<1x1x128xf32> to vector<1xf32>
      %reduce_max3A_1131 = vector.shape_cast %reduce_max3A_1130 : vector<1xf32> to vector<1x1x1xf32>
      %reduce_max3A_1132 = vector.extract %reduce_max3A_1131[0, 0, 0] : f32 from vector<1x1x1xf32>
      %swap3A_1133 = arith.constant 51 : index
      %swap3A_1134 = memref.load %arg12[%swap3A_1133] : memref<96xf32, #tpu.memory_space<smem>>
      memref.store %reduce_max3A_1132, %arg12[%swap3A_1133] : memref<96xf32, #tpu.memory_space<smem>>
      %get3A_1135 = arith.constant 0 : index
      %get3A_1136 = arith.constant 26 : index
      %get3A_1137 = arith.constant 0 : index
      %get3A_1138 = arith.constant 0 : index
      %get3A_1139 = vector.load %arg2[%get3A_1135, %get3A_1136, %get3A_1137, %get3A_1138] : memref<1x40x2x128xf32, #tpu.memory_space<vmem>>, vector<1x1x1x128xf32>
      %get3A_1140 = vector.shape_cast %get3A_1139 : vector<1x1x1x128xf32> to vector<1x128xf32>
      %get3A_1141 = arith.constant 0 : index
      %get3A_1142 = arith.constant 26 : index
      %get3A_1143 = arith.constant 1 : index
      %get3A_1144 = arith.constant 0 : index
      %get3A_1145 = vector.load %arg2[%get3A_1141, %get3A_1142, %get3A_1143, %get3A_1144] : memref<1x40x2x128xf32, #tpu.memory_space<vmem>>, vector<1x1x1x128xf32>
      %get3A_1146 = vector.shape_cast %get3A_1145 : vector<1x1x1x128xf32> to vector<1x128xf32>
      %reduce_min3A_1147 = vector.shape_cast %get3A_1140 : vector<1x128xf32> to vector<1x1x128xf32>
      %reduce_min3A_1148 = arith.constant dense<0x7F800000> : vector<1xf32>
      %reduce_min3A_1149 = vector.multi_reduction <minimumf>, %reduce_min3A_1147, %reduce_min3A_1148 [1, 2] : vector<1x1x128xf32> to vector<1xf32>
      %reduce_min3A_1150 = vector.shape_cast %reduce_min3A_1149 : vector<1xf32> to vector<1x1x1xf32>
      %reduce_min3A_1151 = vector.extract %reduce_min3A_1150[0, 0, 0] : f32 from vector<1x1x1xf32>
      %swap3A_1152 = arith.constant 52 : index
      %swap3A_1153 = memref.load %arg12[%swap3A_1152] : memref<96xf32, #tpu.memory_space<smem>>
      memref.store %reduce_min3A_1151, %arg12[%swap3A_1152] : memref<96xf32, #tpu.memory_space<smem>>
      %lt3A_1154 = arith.constant 1.000000e+06 : f32
      %lt3A_1155 = vector.broadcast %lt3A_1154 : f32 to vector<1x128xf32>
      %lt3A_1156 = arith.cmpf olt, %get3A_1140, %lt3A_1155 : vector<1x128xf32>
      %jit3A_1157 = arith.constant -1.000000e+06 : f32
      %broadcast_in_dim3A_1158 = vector.broadcast %jit3A_1157 : f32 to vector<1x128xf32>
      %select_n3A_1159 = arith.select %lt3A_1156, %get3A_1146, %broadcast_in_dim3A_1158 : vector<1x128xi1>, vector<1x128xf32>
      %reduce_max3A_1160 = vector.shape_cast %select_n3A_1159 : vector<1x128xf32> to vector<1x1x128xf32>
      %reduce_max3A_1161 = arith.constant dense<0xFF800000> : vector<1xf32>
      %reduce_max3A_1162 = vector.multi_reduction <maximumf>, %reduce_max3A_1160, %reduce_max3A_1161 [1, 2] : vector<1x1x128xf32> to vector<1xf32>
      %reduce_max3A_1163 = vector.shape_cast %reduce_max3A_1162 : vector<1xf32> to vector<1x1x1xf32>
      %reduce_max3A_1164 = vector.extract %reduce_max3A_1163[0, 0, 0] : f32 from vector<1x1x1xf32>
      %swap3A_1165 = arith.constant 53 : index
      %swap3A_1166 = memref.load %arg12[%swap3A_1165] : memref<96xf32, #tpu.memory_space<smem>>
      memref.store %reduce_max3A_1164, %arg12[%swap3A_1165] : memref<96xf32, #tpu.memory_space<smem>>
      %get3A_1167 = arith.constant 0 : index
      %get3A_1168 = arith.constant 27 : index
      %get3A_1169 = arith.constant 0 : index
      %get3A_1170 = arith.constant 0 : index
      %get3A_1171 = vector.load %arg2[%get3A_1167, %get3A_1168, %get3A_1169, %get3A_1170] : memref<1x40x2x128xf32, #tpu.memory_space<vmem>>, vector<1x1x1x128xf32>
      %get3A_1172 = vector.shape_cast %get3A_1171 : vector<1x1x1x128xf32> to vector<1x128xf32>
      %get3A_1173 = arith.constant 0 : index
      %get3A_1174 = arith.constant 27 : index
      %get3A_1175 = arith.constant 1 : index
      %get3A_1176 = arith.constant 0 : index
      %get3A_1177 = vector.load %arg2[%get3A_1173, %get3A_1174, %get3A_1175, %get3A_1176] : memref<1x40x2x128xf32, #tpu.memory_space<vmem>>, vector<1x1x1x128xf32>
      %get3A_1178 = vector.shape_cast %get3A_1177 : vector<1x1x1x128xf32> to vector<1x128xf32>
      %reduce_min3A_1179 = vector.shape_cast %get3A_1172 : vector<1x128xf32> to vector<1x1x128xf32>
      %reduce_min3A_1180 = arith.constant dense<0x7F800000> : vector<1xf32>
      %reduce_min3A_1181 = vector.multi_reduction <minimumf>, %reduce_min3A_1179, %reduce_min3A_1180 [1, 2] : vector<1x1x128xf32> to vector<1xf32>
      %reduce_min3A_1182 = vector.shape_cast %reduce_min3A_1181 : vector<1xf32> to vector<1x1x1xf32>
      %reduce_min3A_1183 = vector.extract %reduce_min3A_1182[0, 0, 0] : f32 from vector<1x1x1xf32>
      %swap3A_1184 = arith.constant 54 : index
      %swap3A_1185 = memref.load %arg12[%swap3A_1184] : memref<96xf32, #tpu.memory_space<smem>>
      memref.store %reduce_min3A_1183, %arg12[%swap3A_1184] : memref<96xf32, #tpu.memory_space<smem>>
      %lt3A_1186 = arith.constant 1.000000e+06 : f32
      %lt3A_1187 = vector.broadcast %lt3A_1186 : f32 to vector<1x128xf32>
      %lt3A_1188 = arith.cmpf olt, %get3A_1172, %lt3A_1187 : vector<1x128xf32>
      %jit3A_1189 = arith.constant -1.000000e+06 : f32
      %broadcast_in_dim3A_1190 = vector.broadcast %jit3A_1189 : f32 to vector<1x128xf32>
      %select_n3A_1191 = arith.select %lt3A_1188, %get3A_1178, %broadcast_in_dim3A_1190 : vector<1x128xi1>, vector<1x128xf32>
      %reduce_max3A_1192 = vector.shape_cast %select_n3A_1191 : vector<1x128xf32> to vector<1x1x128xf32>
      %reduce_max3A_1193 = arith.constant dense<0xFF800000> : vector<1xf32>
      %reduce_max3A_1194 = vector.multi_reduction <maximumf>, %reduce_max3A_1192, %reduce_max3A_1193 [1, 2] : vector<1x1x128xf32> to vector<1xf32>
      %reduce_max3A_1195 = vector.shape_cast %reduce_max3A_1194 : vector<1xf32> to vector<1x1x1xf32>
      %reduce_max3A_1196 = vector.extract %reduce_max3A_1195[0, 0, 0] : f32 from vector<1x1x1xf32>
      %swap3A_1197 = arith.constant 55 : index
      %swap3A_1198 = memref.load %arg12[%swap3A_1197] : memref<96xf32, #tpu.memory_space<smem>>
      memref.store %reduce_max3A_1196, %arg12[%swap3A_1197] : memref<96xf32, #tpu.memory_space<smem>>
      %get3A_1199 = arith.constant 0 : index
      %get3A_1200 = arith.constant 28 : index
      %get3A_1201 = arith.constant 0 : index
      %get3A_1202 = arith.constant 0 : index
      %get3A_1203 = vector.load %arg2[%get3A_1199, %get3A_1200, %get3A_1201, %get3A_1202] : memref<1x40x2x128xf32, #tpu.memory_space<vmem>>, vector<1x1x1x128xf32>
      %get3A_1204 = vector.shape_cast %get3A_1203 : vector<1x1x1x128xf32> to vector<1x128xf32>
      %get3A_1205 = arith.constant 0 : index
      %get3A_1206 = arith.constant 28 : index
      %get3A_1207 = arith.constant 1 : index
      %get3A_1208 = arith.constant 0 : index
      %get3A_1209 = vector.load %arg2[%get3A_1205, %get3A_1206, %get3A_1207, %get3A_1208] : memref<1x40x2x128xf32, #tpu.memory_space<vmem>>, vector<1x1x1x128xf32>
      %get3A_1210 = vector.shape_cast %get3A_1209 : vector<1x1x1x128xf32> to vector<1x128xf32>
      %reduce_min3A_1211 = vector.shape_cast %get3A_1204 : vector<1x128xf32> to vector<1x1x128xf32>
      %reduce_min3A_1212 = arith.constant dense<0x7F800000> : vector<1xf32>
      %reduce_min3A_1213 = vector.multi_reduction <minimumf>, %reduce_min3A_1211, %reduce_min3A_1212 [1, 2] : vector<1x1x128xf32> to vector<1xf32>
      %reduce_min3A_1214 = vector.shape_cast %reduce_min3A_1213 : vector<1xf32> to vector<1x1x1xf32>
      %reduce_min3A_1215 = vector.extract %reduce_min3A_1214[0, 0, 0] : f32 from vector<1x1x1xf32>
      %swap3A_1216 = arith.constant 56 : index
      %swap3A_1217 = memref.load %arg12[%swap3A_1216] : memref<96xf32, #tpu.memory_space<smem>>
      memref.store %reduce_min3A_1215, %arg12[%swap3A_1216] : memref<96xf32, #tpu.memory_space<smem>>
      %lt3A_1218 = arith.constant 1.000000e+06 : f32
      %lt3A_1219 = vector.broadcast %lt3A_1218 : f32 to vector<1x128xf32>
      %lt3A_1220 = arith.cmpf olt, %get3A_1204, %lt3A_1219 : vector<1x128xf32>
      %jit3A_1221 = arith.constant -1.000000e+06 : f32
      %broadcast_in_dim3A_1222 = vector.broadcast %jit3A_1221 : f32 to vector<1x128xf32>
      %select_n3A_1223 = arith.select %lt3A_1220, %get3A_1210, %broadcast_in_dim3A_1222 : vector<1x128xi1>, vector<1x128xf32>
      %reduce_max3A_1224 = vector.shape_cast %select_n3A_1223 : vector<1x128xf32> to vector<1x1x128xf32>
      %reduce_max3A_1225 = arith.constant dense<0xFF800000> : vector<1xf32>
      %reduce_max3A_1226 = vector.multi_reduction <maximumf>, %reduce_max3A_1224, %reduce_max3A_1225 [1, 2] : vector<1x1x128xf32> to vector<1xf32>
      %reduce_max3A_1227 = vector.shape_cast %reduce_max3A_1226 : vector<1xf32> to vector<1x1x1xf32>
      %reduce_max3A_1228 = vector.extract %reduce_max3A_1227[0, 0, 0] : f32 from vector<1x1x1xf32>
      %swap3A_1229 = arith.constant 57 : index
      %swap3A_1230 = memref.load %arg12[%swap3A_1229] : memref<96xf32, #tpu.memory_space<smem>>
      memref.store %reduce_max3A_1228, %arg12[%swap3A_1229] : memref<96xf32, #tpu.memory_space<smem>>
      %get3A_1231 = arith.constant 0 : index
      %get3A_1232 = arith.constant 29 : index
      %get3A_1233 = arith.constant 0 : index
      %get3A_1234 = arith.constant 0 : index
      %get3A_1235 = vector.load %arg2[%get3A_1231, %get3A_1232, %get3A_1233, %get3A_1234] : memref<1x40x2x128xf32, #tpu.memory_space<vmem>>, vector<1x1x1x128xf32>
      %get3A_1236 = vector.shape_cast %get3A_1235 : vector<1x1x1x128xf32> to vector<1x128xf32>
      %get3A_1237 = arith.constant 0 : index
      %get3A_1238 = arith.constant 29 : index
      %get3A_1239 = arith.constant 1 : index
      %get3A_1240 = arith.constant 0 : index
      %get3A_1241 = vector.load %arg2[%get3A_1237, %get3A_1238, %get3A_1239, %get3A_1240] : memref<1x40x2x128xf32, #tpu.memory_space<vmem>>, vector<1x1x1x128xf32>
      %get3A_1242 = vector.shape_cast %get3A_1241 : vector<1x1x1x128xf32> to vector<1x128xf32>
      %reduce_min3A_1243 = vector.shape_cast %get3A_1236 : vector<1x128xf32> to vector<1x1x128xf32>
      %reduce_min3A_1244 = arith.constant dense<0x7F800000> : vector<1xf32>
      %reduce_min3A_1245 = vector.multi_reduction <minimumf>, %reduce_min3A_1243, %reduce_min3A_1244 [1, 2] : vector<1x1x128xf32> to vector<1xf32>
      %reduce_min3A_1246 = vector.shape_cast %reduce_min3A_1245 : vector<1xf32> to vector<1x1x1xf32>
      %reduce_min3A_1247 = vector.extract %reduce_min3A_1246[0, 0, 0] : f32 from vector<1x1x1xf32>
      %swap3A_1248 = arith.constant 58 : index
      %swap3A_1249 = memref.load %arg12[%swap3A_1248] : memref<96xf32, #tpu.memory_space<smem>>
      memref.store %reduce_min3A_1247, %arg12[%swap3A_1248] : memref<96xf32, #tpu.memory_space<smem>>
      %lt3A_1250 = arith.constant 1.000000e+06 : f32
      %lt3A_1251 = vector.broadcast %lt3A_1250 : f32 to vector<1x128xf32>
      %lt3A_1252 = arith.cmpf olt, %get3A_1236, %lt3A_1251 : vector<1x128xf32>
      %jit3A_1253 = arith.constant -1.000000e+06 : f32
      %broadcast_in_dim3A_1254 = vector.broadcast %jit3A_1253 : f32 to vector<1x128xf32>
      %select_n3A_1255 = arith.select %lt3A_1252, %get3A_1242, %broadcast_in_dim3A_1254 : vector<1x128xi1>, vector<1x128xf32>
      %reduce_max3A_1256 = vector.shape_cast %select_n3A_1255 : vector<1x128xf32> to vector<1x1x128xf32>
      %reduce_max3A_1257 = arith.constant dense<0xFF800000> : vector<1xf32>
      %reduce_max3A_1258 = vector.multi_reduction <maximumf>, %reduce_max3A_1256, %reduce_max3A_1257 [1, 2] : vector<1x1x128xf32> to vector<1xf32>
      %reduce_max3A_1259 = vector.shape_cast %reduce_max3A_1258 : vector<1xf32> to vector<1x1x1xf32>
      %reduce_max3A_1260 = vector.extract %reduce_max3A_1259[0, 0, 0] : f32 from vector<1x1x1xf32>
      %swap3A_1261 = arith.constant 59 : index
      %swap3A_1262 = memref.load %arg12[%swap3A_1261] : memref<96xf32, #tpu.memory_space<smem>>
      memref.store %reduce_max3A_1260, %arg12[%swap3A_1261] : memref<96xf32, #tpu.memory_space<smem>>
      %get3A_1263 = arith.constant 0 : index
      %get3A_1264 = arith.constant 30 : index
      %get3A_1265 = arith.constant 0 : index
      %get3A_1266 = arith.constant 0 : index
      %get3A_1267 = vector.load %arg2[%get3A_1263, %get3A_1264, %get3A_1265, %get3A_1266] : memref<1x40x2x128xf32, #tpu.memory_space<vmem>>, vector<1x1x1x128xf32>
      %get3A_1268 = vector.shape_cast %get3A_1267 : vector<1x1x1x128xf32> to vector<1x128xf32>
      %get3A_1269 = arith.constant 0 : index
      %get3A_1270 = arith.constant 30 : index
      %get3A_1271 = arith.constant 1 : index
      %get3A_1272 = arith.constant 0 : index
      %get3A_1273 = vector.load %arg2[%get3A_1269, %get3A_1270, %get3A_1271, %get3A_1272] : memref<1x40x2x128xf32, #tpu.memory_space<vmem>>, vector<1x1x1x128xf32>
      %get3A_1274 = vector.shape_cast %get3A_1273 : vector<1x1x1x128xf32> to vector<1x128xf32>
      %reduce_min3A_1275 = vector.shape_cast %get3A_1268 : vector<1x128xf32> to vector<1x1x128xf32>
      %reduce_min3A_1276 = arith.constant dense<0x7F800000> : vector<1xf32>
      %reduce_min3A_1277 = vector.multi_reduction <minimumf>, %reduce_min3A_1275, %reduce_min3A_1276 [1, 2] : vector<1x1x128xf32> to vector<1xf32>
      %reduce_min3A_1278 = vector.shape_cast %reduce_min3A_1277 : vector<1xf32> to vector<1x1x1xf32>
      %reduce_min3A_1279 = vector.extract %reduce_min3A_1278[0, 0, 0] : f32 from vector<1x1x1xf32>
      %swap3A_1280 = arith.constant 60 : index
      %swap3A_1281 = memref.load %arg12[%swap3A_1280] : memref<96xf32, #tpu.memory_space<smem>>
      memref.store %reduce_min3A_1279, %arg12[%swap3A_1280] : memref<96xf32, #tpu.memory_space<smem>>
      %lt3A_1282 = arith.constant 1.000000e+06 : f32
      %lt3A_1283 = vector.broadcast %lt3A_1282 : f32 to vector<1x128xf32>
      %lt3A_1284 = arith.cmpf olt, %get3A_1268, %lt3A_1283 : vector<1x128xf32>
      %jit3A_1285 = arith.constant -1.000000e+06 : f32
      %broadcast_in_dim3A_1286 = vector.broadcast %jit3A_1285 : f32 to vector<1x128xf32>
      %select_n3A_1287 = arith.select %lt3A_1284, %get3A_1274, %broadcast_in_dim3A_1286 : vector<1x128xi1>, vector<1x128xf32>
      %reduce_max3A_1288 = vector.shape_cast %select_n3A_1287 : vector<1x128xf32> to vector<1x1x128xf32>
      %reduce_max3A_1289 = arith.constant dense<0xFF800000> : vector<1xf32>
      %reduce_max3A_1290 = vector.multi_reduction <maximumf>, %reduce_max3A_1288, %reduce_max3A_1289 [1, 2] : vector<1x1x128xf32> to vector<1xf32>
      %reduce_max3A_1291 = vector.shape_cast %reduce_max3A_1290 : vector<1xf32> to vector<1x1x1xf32>
      %reduce_max3A_1292 = vector.extract %reduce_max3A_1291[0, 0, 0] : f32 from vector<1x1x1xf32>
      %swap3A_1293 = arith.constant 61 : index
      %swap3A_1294 = memref.load %arg12[%swap3A_1293] : memref<96xf32, #tpu.memory_space<smem>>
      memref.store %reduce_max3A_1292, %arg12[%swap3A_1293] : memref<96xf32, #tpu.memory_space<smem>>
      %get3A_1295 = arith.constant 0 : index
      %get3A_1296 = arith.constant 31 : index
      %get3A_1297 = arith.constant 0 : index
      %get3A_1298 = arith.constant 0 : index
      %get3A_1299 = vector.load %arg2[%get3A_1295, %get3A_1296, %get3A_1297, %get3A_1298] : memref<1x40x2x128xf32, #tpu.memory_space<vmem>>, vector<1x1x1x128xf32>
      %get3A_1300 = vector.shape_cast %get3A_1299 : vector<1x1x1x128xf32> to vector<1x128xf32>
      %get3A_1301 = arith.constant 0 : index
      %get3A_1302 = arith.constant 31 : index
      %get3A_1303 = arith.constant 1 : index
      %get3A_1304 = arith.constant 0 : index
      %get3A_1305 = vector.load %arg2[%get3A_1301, %get3A_1302, %get3A_1303, %get3A_1304] : memref<1x40x2x128xf32, #tpu.memory_space<vmem>>, vector<1x1x1x128xf32>
      %get3A_1306 = vector.shape_cast %get3A_1305 : vector<1x1x1x128xf32> to vector<1x128xf32>
      %reduce_min3A_1307 = vector.shape_cast %get3A_1300 : vector<1x128xf32> to vector<1x1x128xf32>
      %reduce_min3A_1308 = arith.constant dense<0x7F800000> : vector<1xf32>
      %reduce_min3A_1309 = vector.multi_reduction <minimumf>, %reduce_min3A_1307, %reduce_min3A_1308 [1, 2] : vector<1x1x128xf32> to vector<1xf32>
      %reduce_min3A_1310 = vector.shape_cast %reduce_min3A_1309 : vector<1xf32> to vector<1x1x1xf32>
      %reduce_min3A_1311 = vector.extract %reduce_min3A_1310[0, 0, 0] : f32 from vector<1x1x1xf32>
      %swap3A_1312 = arith.constant 62 : index
      %swap3A_1313 = memref.load %arg12[%swap3A_1312] : memref<96xf32, #tpu.memory_space<smem>>
      memref.store %reduce_min3A_1311, %arg12[%swap3A_1312] : memref<96xf32, #tpu.memory_space<smem>>
      %lt3A_1314 = arith.constant 1.000000e+06 : f32
      %lt3A_1315 = vector.broadcast %lt3A_1314 : f32 to vector<1x128xf32>
      %lt3A_1316 = arith.cmpf olt, %get3A_1300, %lt3A_1315 : vector<1x128xf32>
      %jit3A_1317 = arith.constant -1.000000e+06 : f32
      %broadcast_in_dim3A_1318 = vector.broadcast %jit3A_1317 : f32 to vector<1x128xf32>
      %select_n3A_1319 = arith.select %lt3A_1316, %get3A_1306, %broadcast_in_dim3A_1318 : vector<1x128xi1>, vector<1x128xf32>
      %reduce_max3A_1320 = vector.shape_cast %select_n3A_1319 : vector<1x128xf32> to vector<1x1x128xf32>
      %reduce_max3A_1321 = arith.constant dense<0xFF800000> : vector<1xf32>
      %reduce_max3A_1322 = vector.multi_reduction <maximumf>, %reduce_max3A_1320, %reduce_max3A_1321 [1, 2] : vector<1x1x128xf32> to vector<1xf32>
      %reduce_max3A_1323 = vector.shape_cast %reduce_max3A_1322 : vector<1xf32> to vector<1x1x1xf32>
      %reduce_max3A_1324 = vector.extract %reduce_max3A_1323[0, 0, 0] : f32 from vector<1x1x1xf32>
      %swap3A_1325 = arith.constant 63 : index
      %swap3A_1326 = memref.load %arg12[%swap3A_1325] : memref<96xf32, #tpu.memory_space<smem>>
      memref.store %reduce_max3A_1324, %arg12[%swap3A_1325] : memref<96xf32, #tpu.memory_space<smem>>
      %get3A_1327 = arith.constant 0 : index
      %get3A_1328 = arith.constant 32 : index
      %get3A_1329 = arith.constant 0 : index
      %get3A_1330 = arith.constant 0 : index
      %get3A_1331 = vector.load %arg2[%get3A_1327, %get3A_1328, %get3A_1329, %get3A_1330] : memref<1x40x2x128xf32, #tpu.memory_space<vmem>>, vector<1x1x1x128xf32>
      %get3A_1332 = vector.shape_cast %get3A_1331 : vector<1x1x1x128xf32> to vector<1x128xf32>
      %get3A_1333 = arith.constant 0 : index
      %get3A_1334 = arith.constant 32 : index
      %get3A_1335 = arith.constant 1 : index
      %get3A_1336 = arith.constant 0 : index
      %get3A_1337 = vector.load %arg2[%get3A_1333, %get3A_1334, %get3A_1335, %get3A_1336] : memref<1x40x2x128xf32, #tpu.memory_space<vmem>>, vector<1x1x1x128xf32>
      %get3A_1338 = vector.shape_cast %get3A_1337 : vector<1x1x1x128xf32> to vector<1x128xf32>
      %reduce_min3A_1339 = vector.shape_cast %get3A_1332 : vector<1x128xf32> to vector<1x1x128xf32>
      %reduce_min3A_1340 = arith.constant dense<0x7F800000> : vector<1xf32>
      %reduce_min3A_1341 = vector.multi_reduction <minimumf>, %reduce_min3A_1339, %reduce_min3A_1340 [1, 2] : vector<1x1x128xf32> to vector<1xf32>
      %reduce_min3A_1342 = vector.shape_cast %reduce_min3A_1341 : vector<1xf32> to vector<1x1x1xf32>
      %reduce_min3A_1343 = vector.extract %reduce_min3A_1342[0, 0, 0] : f32 from vector<1x1x1xf32>
      %swap3A_1344 = arith.constant 64 : index
      %swap3A_1345 = memref.load %arg12[%swap3A_1344] : memref<96xf32, #tpu.memory_space<smem>>
      memref.store %reduce_min3A_1343, %arg12[%swap3A_1344] : memref<96xf32, #tpu.memory_space<smem>>
      %lt3A_1346 = arith.constant 1.000000e+06 : f32
      %lt3A_1347 = vector.broadcast %lt3A_1346 : f32 to vector<1x128xf32>
      %lt3A_1348 = arith.cmpf olt, %get3A_1332, %lt3A_1347 : vector<1x128xf32>
      %jit3A_1349 = arith.constant -1.000000e+06 : f32
      %broadcast_in_dim3A_1350 = vector.broadcast %jit3A_1349 : f32 to vector<1x128xf32>
      %select_n3A_1351 = arith.select %lt3A_1348, %get3A_1338, %broadcast_in_dim3A_1350 : vector<1x128xi1>, vector<1x128xf32>
      %reduce_max3A_1352 = vector.shape_cast %select_n3A_1351 : vector<1x128xf32> to vector<1x1x128xf32>
      %reduce_max3A_1353 = arith.constant dense<0xFF800000> : vector<1xf32>
      %reduce_max3A_1354 = vector.multi_reduction <maximumf>, %reduce_max3A_1352, %reduce_max3A_1353 [1, 2] : vector<1x1x128xf32> to vector<1xf32>
      %reduce_max3A_1355 = vector.shape_cast %reduce_max3A_1354 : vector<1xf32> to vector<1x1x1xf32>
      %reduce_max3A_1356 = vector.extract %reduce_max3A_1355[0, 0, 0] : f32 from vector<1x1x1xf32>
      %swap3A_1357 = arith.constant 65 : index
      %swap3A_1358 = memref.load %arg12[%swap3A_1357] : memref<96xf32, #tpu.memory_space<smem>>
      memref.store %reduce_max3A_1356, %arg12[%swap3A_1357] : memref<96xf32, #tpu.memory_space<smem>>
      %get3A_1359 = arith.constant 0 : index
      %get3A_1360 = arith.constant 33 : index
      %get3A_1361 = arith.constant 0 : index
      %get3A_1362 = arith.constant 0 : index
      %get3A_1363 = vector.load %arg2[%get3A_1359, %get3A_1360, %get3A_1361, %get3A_1362] : memref<1x40x2x128xf32, #tpu.memory_space<vmem>>, vector<1x1x1x128xf32>
      %get3A_1364 = vector.shape_cast %get3A_1363 : vector<1x1x1x128xf32> to vector<1x128xf32>
      %get3A_1365 = arith.constant 0 : index
      %get3A_1366 = arith.constant 33 : index
      %get3A_1367 = arith.constant 1 : index
      %get3A_1368 = arith.constant 0 : index
      %get3A_1369 = vector.load %arg2[%get3A_1365, %get3A_1366, %get3A_1367, %get3A_1368] : memref<1x40x2x128xf32, #tpu.memory_space<vmem>>, vector<1x1x1x128xf32>
      %get3A_1370 = vector.shape_cast %get3A_1369 : vector<1x1x1x128xf32> to vector<1x128xf32>
      %reduce_min3A_1371 = vector.shape_cast %get3A_1364 : vector<1x128xf32> to vector<1x1x128xf32>
      %reduce_min3A_1372 = arith.constant dense<0x7F800000> : vector<1xf32>
      %reduce_min3A_1373 = vector.multi_reduction <minimumf>, %reduce_min3A_1371, %reduce_min3A_1372 [1, 2] : vector<1x1x128xf32> to vector<1xf32>
      %reduce_min3A_1374 = vector.shape_cast %reduce_min3A_1373 : vector<1xf32> to vector<1x1x1xf32>
      %reduce_min3A_1375 = vector.extract %reduce_min3A_1374[0, 0, 0] : f32 from vector<1x1x1xf32>
      %swap3A_1376 = arith.constant 66 : index
      %swap3A_1377 = memref.load %arg12[%swap3A_1376] : memref<96xf32, #tpu.memory_space<smem>>
      memref.store %reduce_min3A_1375, %arg12[%swap3A_1376] : memref<96xf32, #tpu.memory_space<smem>>
      %lt3A_1378 = arith.constant 1.000000e+06 : f32
      %lt3A_1379 = vector.broadcast %lt3A_1378 : f32 to vector<1x128xf32>
      %lt3A_1380 = arith.cmpf olt, %get3A_1364, %lt3A_1379 : vector<1x128xf32>
      %jit3A_1381 = arith.constant -1.000000e+06 : f32
      %broadcast_in_dim3A_1382 = vector.broadcast %jit3A_1381 : f32 to vector<1x128xf32>
      %select_n3A_1383 = arith.select %lt3A_1380, %get3A_1370, %broadcast_in_dim3A_1382 : vector<1x128xi1>, vector<1x128xf32>
      %reduce_max3A_1384 = vector.shape_cast %select_n3A_1383 : vector<1x128xf32> to vector<1x1x128xf32>
      %reduce_max3A_1385 = arith.constant dense<0xFF800000> : vector<1xf32>
      %reduce_max3A_1386 = vector.multi_reduction <maximumf>, %reduce_max3A_1384, %reduce_max3A_1385 [1, 2] : vector<1x1x128xf32> to vector<1xf32>
      %reduce_max3A_1387 = vector.shape_cast %reduce_max3A_1386 : vector<1xf32> to vector<1x1x1xf32>
      %reduce_max3A_1388 = vector.extract %reduce_max3A_1387[0, 0, 0] : f32 from vector<1x1x1xf32>
      %swap3A_1389 = arith.constant 67 : index
      %swap3A_1390 = memref.load %arg12[%swap3A_1389] : memref<96xf32, #tpu.memory_space<smem>>
      memref.store %reduce_max3A_1388, %arg12[%swap3A_1389] : memref<96xf32, #tpu.memory_space<smem>>
      %get3A_1391 = arith.constant 0 : index
      %get3A_1392 = arith.constant 34 : index
      %get3A_1393 = arith.constant 0 : index
      %get3A_1394 = arith.constant 0 : index
      %get3A_1395 = vector.load %arg2[%get3A_1391, %get3A_1392, %get3A_1393, %get3A_1394] : memref<1x40x2x128xf32, #tpu.memory_space<vmem>>, vector<1x1x1x128xf32>
      %get3A_1396 = vector.shape_cast %get3A_1395 : vector<1x1x1x128xf32> to vector<1x128xf32>
      %get3A_1397 = arith.constant 0 : index
      %get3A_1398 = arith.constant 34 : index
      %get3A_1399 = arith.constant 1 : index
      %get3A_1400 = arith.constant 0 : index
      %get3A_1401 = vector.load %arg2[%get3A_1397, %get3A_1398, %get3A_1399, %get3A_1400] : memref<1x40x2x128xf32, #tpu.memory_space<vmem>>, vector<1x1x1x128xf32>
      %get3A_1402 = vector.shape_cast %get3A_1401 : vector<1x1x1x128xf32> to vector<1x128xf32>
      %reduce_min3A_1403 = vector.shape_cast %get3A_1396 : vector<1x128xf32> to vector<1x1x128xf32>
      %reduce_min3A_1404 = arith.constant dense<0x7F800000> : vector<1xf32>
      %reduce_min3A_1405 = vector.multi_reduction <minimumf>, %reduce_min3A_1403, %reduce_min3A_1404 [1, 2] : vector<1x1x128xf32> to vector<1xf32>
      %reduce_min3A_1406 = vector.shape_cast %reduce_min3A_1405 : vector<1xf32> to vector<1x1x1xf32>
      %reduce_min3A_1407 = vector.extract %reduce_min3A_1406[0, 0, 0] : f32 from vector<1x1x1xf32>
      %swap3A_1408 = arith.constant 68 : index
      %swap3A_1409 = memref.load %arg12[%swap3A_1408] : memref<96xf32, #tpu.memory_space<smem>>
      memref.store %reduce_min3A_1407, %arg12[%swap3A_1408] : memref<96xf32, #tpu.memory_space<smem>>
      %lt3A_1410 = arith.constant 1.000000e+06 : f32
      %lt3A_1411 = vector.broadcast %lt3A_1410 : f32 to vector<1x128xf32>
      %lt3A_1412 = arith.cmpf olt, %get3A_1396, %lt3A_1411 : vector<1x128xf32>
      %jit3A_1413 = arith.constant -1.000000e+06 : f32
      %broadcast_in_dim3A_1414 = vector.broadcast %jit3A_1413 : f32 to vector<1x128xf32>
      %select_n3A_1415 = arith.select %lt3A_1412, %get3A_1402, %broadcast_in_dim3A_1414 : vector<1x128xi1>, vector<1x128xf32>
      %reduce_max3A_1416 = vector.shape_cast %select_n3A_1415 : vector<1x128xf32> to vector<1x1x128xf32>
      %reduce_max3A_1417 = arith.constant dense<0xFF800000> : vector<1xf32>
      %reduce_max3A_1418 = vector.multi_reduction <maximumf>, %reduce_max3A_1416, %reduce_max3A_1417 [1, 2] : vector<1x1x128xf32> to vector<1xf32>
      %reduce_max3A_1419 = vector.shape_cast %reduce_max3A_1418 : vector<1xf32> to vector<1x1x1xf32>
      %reduce_max3A_1420 = vector.extract %reduce_max3A_1419[0, 0, 0] : f32 from vector<1x1x1xf32>
      %swap3A_1421 = arith.constant 69 : index
      %swap3A_1422 = memref.load %arg12[%swap3A_1421] : memref<96xf32, #tpu.memory_space<smem>>
      memref.store %reduce_max3A_1420, %arg12[%swap3A_1421] : memref<96xf32, #tpu.memory_space<smem>>
      %get3A_1423 = arith.constant 0 : index
      %get3A_1424 = arith.constant 35 : index
      %get3A_1425 = arith.constant 0 : index
      %get3A_1426 = arith.constant 0 : index
      %get3A_1427 = vector.load %arg2[%get3A_1423, %get3A_1424, %get3A_1425, %get3A_1426] : memref<1x40x2x128xf32, #tpu.memory_space<vmem>>, vector<1x1x1x128xf32>
      %get3A_1428 = vector.shape_cast %get3A_1427 : vector<1x1x1x128xf32> to vector<1x128xf32>
      %get3A_1429 = arith.constant 0 : index
      %get3A_1430 = arith.constant 35 : index
      %get3A_1431 = arith.constant 1 : index
      %get3A_1432 = arith.constant 0 : index
      %get3A_1433 = vector.load %arg2[%get3A_1429, %get3A_1430, %get3A_1431, %get3A_1432] : memref<1x40x2x128xf32, #tpu.memory_space<vmem>>, vector<1x1x1x128xf32>
      %get3A_1434 = vector.shape_cast %get3A_1433 : vector<1x1x1x128xf32> to vector<1x128xf32>
      %reduce_min3A_1435 = vector.shape_cast %get3A_1428 : vector<1x128xf32> to vector<1x1x128xf32>
      %reduce_min3A_1436 = arith.constant dense<0x7F800000> : vector<1xf32>
      %reduce_min3A_1437 = vector.multi_reduction <minimumf>, %reduce_min3A_1435, %reduce_min3A_1436 [1, 2] : vector<1x1x128xf32> to vector<1xf32>
      %reduce_min3A_1438 = vector.shape_cast %reduce_min3A_1437 : vector<1xf32> to vector<1x1x1xf32>
      %reduce_min3A_1439 = vector.extract %reduce_min3A_1438[0, 0, 0] : f32 from vector<1x1x1xf32>
      %swap3A_1440 = arith.constant 70 : index
      %swap3A_1441 = memref.load %arg12[%swap3A_1440] : memref<96xf32, #tpu.memory_space<smem>>
      memref.store %reduce_min3A_1439, %arg12[%swap3A_1440] : memref<96xf32, #tpu.memory_space<smem>>
      %lt3A_1442 = arith.constant 1.000000e+06 : f32
      %lt3A_1443 = vector.broadcast %lt3A_1442 : f32 to vector<1x128xf32>
      %lt3A_1444 = arith.cmpf olt, %get3A_1428, %lt3A_1443 : vector<1x128xf32>
      %jit3A_1445 = arith.constant -1.000000e+06 : f32
      %broadcast_in_dim3A_1446 = vector.broadcast %jit3A_1445 : f32 to vector<1x128xf32>
      %select_n3A_1447 = arith.select %lt3A_1444, %get3A_1434, %broadcast_in_dim3A_1446 : vector<1x128xi1>, vector<1x128xf32>
      %reduce_max3A_1448 = vector.shape_cast %select_n3A_1447 : vector<1x128xf32> to vector<1x1x128xf32>
      %reduce_max3A_1449 = arith.constant dense<0xFF800000> : vector<1xf32>
      %reduce_max3A_1450 = vector.multi_reduction <maximumf>, %reduce_max3A_1448, %reduce_max3A_1449 [1, 2] : vector<1x1x128xf32> to vector<1xf32>
      %reduce_max3A_1451 = vector.shape_cast %reduce_max3A_1450 : vector<1xf32> to vector<1x1x1xf32>
      %reduce_max3A_1452 = vector.extract %reduce_max3A_1451[0, 0, 0] : f32 from vector<1x1x1xf32>
      %swap3A_1453 = arith.constant 71 : index
      %swap3A_1454 = memref.load %arg12[%swap3A_1453] : memref<96xf32, #tpu.memory_space<smem>>
      memref.store %reduce_max3A_1452, %arg12[%swap3A_1453] : memref<96xf32, #tpu.memory_space<smem>>
      %get3A_1455 = arith.constant 0 : index
      %get3A_1456 = arith.constant 36 : index
      %get3A_1457 = arith.constant 0 : index
      %get3A_1458 = arith.constant 0 : index
      %get3A_1459 = vector.load %arg2[%get3A_1455, %get3A_1456, %get3A_1457, %get3A_1458] : memref<1x40x2x128xf32, #tpu.memory_space<vmem>>, vector<1x1x1x128xf32>
      %get3A_1460 = vector.shape_cast %get3A_1459 : vector<1x1x1x128xf32> to vector<1x128xf32>
      %get3A_1461 = arith.constant 0 : index
      %get3A_1462 = arith.constant 36 : index
      %get3A_1463 = arith.constant 1 : index
      %get3A_1464 = arith.constant 0 : index
      %get3A_1465 = vector.load %arg2[%get3A_1461, %get3A_1462, %get3A_1463, %get3A_1464] : memref<1x40x2x128xf32, #tpu.memory_space<vmem>>, vector<1x1x1x128xf32>
      %get3A_1466 = vector.shape_cast %get3A_1465 : vector<1x1x1x128xf32> to vector<1x128xf32>
      %reduce_min3A_1467 = vector.shape_cast %get3A_1460 : vector<1x128xf32> to vector<1x1x128xf32>
      %reduce_min3A_1468 = arith.constant dense<0x7F800000> : vector<1xf32>
      %reduce_min3A_1469 = vector.multi_reduction <minimumf>, %reduce_min3A_1467, %reduce_min3A_1468 [1, 2] : vector<1x1x128xf32> to vector<1xf32>
      %reduce_min3A_1470 = vector.shape_cast %reduce_min3A_1469 : vector<1xf32> to vector<1x1x1xf32>
      %reduce_min3A_1471 = vector.extract %reduce_min3A_1470[0, 0, 0] : f32 from vector<1x1x1xf32>
      %swap3A_1472 = arith.constant 72 : index
      %swap3A_1473 = memref.load %arg12[%swap3A_1472] : memref<96xf32, #tpu.memory_space<smem>>
      memref.store %reduce_min3A_1471, %arg12[%swap3A_1472] : memref<96xf32, #tpu.memory_space<smem>>
      %lt3A_1474 = arith.constant 1.000000e+06 : f32
      %lt3A_1475 = vector.broadcast %lt3A_1474 : f32 to vector<1x128xf32>
      %lt3A_1476 = arith.cmpf olt, %get3A_1460, %lt3A_1475 : vector<1x128xf32>
      %jit3A_1477 = arith.constant -1.000000e+06 : f32
      %broadcast_in_dim3A_1478 = vector.broadcast %jit3A_1477 : f32 to vector<1x128xf32>
      %select_n3A_1479 = arith.select %lt3A_1476, %get3A_1466, %broadcast_in_dim3A_1478 : vector<1x128xi1>, vector<1x128xf32>
      %reduce_max3A_1480 = vector.shape_cast %select_n3A_1479 : vector<1x128xf32> to vector<1x1x128xf32>
      %reduce_max3A_1481 = arith.constant dense<0xFF800000> : vector<1xf32>
      %reduce_max3A_1482 = vector.multi_reduction <maximumf>, %reduce_max3A_1480, %reduce_max3A_1481 [1, 2] : vector<1x1x128xf32> to vector<1xf32>
      %reduce_max3A_1483 = vector.shape_cast %reduce_max3A_1482 : vector<1xf32> to vector<1x1x1xf32>
      %reduce_max3A_1484 = vector.extract %reduce_max3A_1483[0, 0, 0] : f32 from vector<1x1x1xf32>
      %swap3A_1485 = arith.constant 73 : index
      %swap3A_1486 = memref.load %arg12[%swap3A_1485] : memref<96xf32, #tpu.memory_space<smem>>
      memref.store %reduce_max3A_1484, %arg12[%swap3A_1485] : memref<96xf32, #tpu.memory_space<smem>>
      %get3A_1487 = arith.constant 0 : index
      %get3A_1488 = arith.constant 37 : index
      %get3A_1489 = arith.constant 0 : index
      %get3A_1490 = arith.constant 0 : index
      %get3A_1491 = vector.load %arg2[%get3A_1487, %get3A_1488, %get3A_1489, %get3A_1490] : memref<1x40x2x128xf32, #tpu.memory_space<vmem>>, vector<1x1x1x128xf32>
      %get3A_1492 = vector.shape_cast %get3A_1491 : vector<1x1x1x128xf32> to vector<1x128xf32>
      %get3A_1493 = arith.constant 0 : index
      %get3A_1494 = arith.constant 37 : index
      %get3A_1495 = arith.constant 1 : index
      %get3A_1496 = arith.constant 0 : index
      %get3A_1497 = vector.load %arg2[%get3A_1493, %get3A_1494, %get3A_1495, %get3A_1496] : memref<1x40x2x128xf32, #tpu.memory_space<vmem>>, vector<1x1x1x128xf32>
      %get3A_1498 = vector.shape_cast %get3A_1497 : vector<1x1x1x128xf32> to vector<1x128xf32>
      %reduce_min3A_1499 = vector.shape_cast %get3A_1492 : vector<1x128xf32> to vector<1x1x128xf32>
      %reduce_min3A_1500 = arith.constant dense<0x7F800000> : vector<1xf32>
      %reduce_min3A_1501 = vector.multi_reduction <minimumf>, %reduce_min3A_1499, %reduce_min3A_1500 [1, 2] : vector<1x1x128xf32> to vector<1xf32>
      %reduce_min3A_1502 = vector.shape_cast %reduce_min3A_1501 : vector<1xf32> to vector<1x1x1xf32>
      %reduce_min3A_1503 = vector.extract %reduce_min3A_1502[0, 0, 0] : f32 from vector<1x1x1xf32>
      %swap3A_1504 = arith.constant 74 : index
      %swap3A_1505 = memref.load %arg12[%swap3A_1504] : memref<96xf32, #tpu.memory_space<smem>>
      memref.store %reduce_min3A_1503, %arg12[%swap3A_1504] : memref<96xf32, #tpu.memory_space<smem>>
      %lt3A_1506 = arith.constant 1.000000e+06 : f32
      %lt3A_1507 = vector.broadcast %lt3A_1506 : f32 to vector<1x128xf32>
      %lt3A_1508 = arith.cmpf olt, %get3A_1492, %lt3A_1507 : vector<1x128xf32>
      %jit3A_1509 = arith.constant -1.000000e+06 : f32
      %broadcast_in_dim3A_1510 = vector.broadcast %jit3A_1509 : f32 to vector<1x128xf32>
      %select_n3A_1511 = arith.select %lt3A_1508, %get3A_1498, %broadcast_in_dim3A_1510 : vector<1x128xi1>, vector<1x128xf32>
      %reduce_max3A_1512 = vector.shape_cast %select_n3A_1511 : vector<1x128xf32> to vector<1x1x128xf32>
      %reduce_max3A_1513 = arith.constant dense<0xFF800000> : vector<1xf32>
      %reduce_max3A_1514 = vector.multi_reduction <maximumf>, %reduce_max3A_1512, %reduce_max3A_1513 [1, 2] : vector<1x1x128xf32> to vector<1xf32>
      %reduce_max3A_1515 = vector.shape_cast %reduce_max3A_1514 : vector<1xf32> to vector<1x1x1xf32>
      %reduce_max3A_1516 = vector.extract %reduce_max3A_1515[0, 0, 0] : f32 from vector<1x1x1xf32>
      %swap3A_1517 = arith.constant 75 : index
      %swap3A_1518 = memref.load %arg12[%swap3A_1517] : memref<96xf32, #tpu.memory_space<smem>>
      memref.store %reduce_max3A_1516, %arg12[%swap3A_1517] : memref<96xf32, #tpu.memory_space<smem>>
      %get3A_1519 = arith.constant 0 : index
      %get3A_1520 = arith.constant 38 : index
      %get3A_1521 = arith.constant 0 : index
      %get3A_1522 = arith.constant 0 : index
      %get3A_1523 = vector.load %arg2[%get3A_1519, %get3A_1520, %get3A_1521, %get3A_1522] : memref<1x40x2x128xf32, #tpu.memory_space<vmem>>, vector<1x1x1x128xf32>
      %get3A_1524 = vector.shape_cast %get3A_1523 : vector<1x1x1x128xf32> to vector<1x128xf32>
      %get3A_1525 = arith.constant 0 : index
      %get3A_1526 = arith.constant 38 : index
      %get3A_1527 = arith.constant 1 : index
      %get3A_1528 = arith.constant 0 : index
      %get3A_1529 = vector.load %arg2[%get3A_1525, %get3A_1526, %get3A_1527, %get3A_1528] : memref<1x40x2x128xf32, #tpu.memory_space<vmem>>, vector<1x1x1x128xf32>
      %get3A_1530 = vector.shape_cast %get3A_1529 : vector<1x1x1x128xf32> to vector<1x128xf32>
      %reduce_min3A_1531 = vector.shape_cast %get3A_1524 : vector<1x128xf32> to vector<1x1x128xf32>
      %reduce_min3A_1532 = arith.constant dense<0x7F800000> : vector<1xf32>
      %reduce_min3A_1533 = vector.multi_reduction <minimumf>, %reduce_min3A_1531, %reduce_min3A_1532 [1, 2] : vector<1x1x128xf32> to vector<1xf32>
      %reduce_min3A_1534 = vector.shape_cast %reduce_min3A_1533 : vector<1xf32> to vector<1x1x1xf32>
      %reduce_min3A_1535 = vector.extract %reduce_min3A_1534[0, 0, 0] : f32 from vector<1x1x1xf32>
      %swap3A_1536 = arith.constant 76 : index
      %swap3A_1537 = memref.load %arg12[%swap3A_1536] : memref<96xf32, #tpu.memory_space<smem>>
      memref.store %reduce_min3A_1535, %arg12[%swap3A_1536] : memref<96xf32, #tpu.memory_space<smem>>
      %lt3A_1538 = arith.constant 1.000000e+06 : f32
      %lt3A_1539 = vector.broadcast %lt3A_1538 : f32 to vector<1x128xf32>
      %lt3A_1540 = arith.cmpf olt, %get3A_1524, %lt3A_1539 : vector<1x128xf32>
      %jit3A_1541 = arith.constant -1.000000e+06 : f32
      %broadcast_in_dim3A_1542 = vector.broadcast %jit3A_1541 : f32 to vector<1x128xf32>
      %select_n3A_1543 = arith.select %lt3A_1540, %get3A_1530, %broadcast_in_dim3A_1542 : vector<1x128xi1>, vector<1x128xf32>
      %reduce_max3A_1544 = vector.shape_cast %select_n3A_1543 : vector<1x128xf32> to vector<1x1x128xf32>
      %reduce_max3A_1545 = arith.constant dense<0xFF800000> : vector<1xf32>
      %reduce_max3A_1546 = vector.multi_reduction <maximumf>, %reduce_max3A_1544, %reduce_max3A_1545 [1, 2] : vector<1x1x128xf32> to vector<1xf32>
      %reduce_max3A_1547 = vector.shape_cast %reduce_max3A_1546 : vector<1xf32> to vector<1x1x1xf32>
      %reduce_max3A_1548 = vector.extract %reduce_max3A_1547[0, 0, 0] : f32 from vector<1x1x1xf32>
      %swap3A_1549 = arith.constant 77 : index
      %swap3A_1550 = memref.load %arg12[%swap3A_1549] : memref<96xf32, #tpu.memory_space<smem>>
      memref.store %reduce_max3A_1548, %arg12[%swap3A_1549] : memref<96xf32, #tpu.memory_space<smem>>
      %get3A_1551 = arith.constant 0 : index
      %get3A_1552 = arith.constant 39 : index
      %get3A_1553 = arith.constant 0 : index
      %get3A_1554 = arith.constant 0 : index
      %get3A_1555 = vector.load %arg2[%get3A_1551, %get3A_1552, %get3A_1553, %get3A_1554] : memref<1x40x2x128xf32, #tpu.memory_space<vmem>>, vector<1x1x1x128xf32>
      %get3A_1556 = vector.shape_cast %get3A_1555 : vector<1x1x1x128xf32> to vector<1x128xf32>
      %get3A_1557 = arith.constant 0 : index
      %get3A_1558 = arith.constant 39 : index
      %get3A_1559 = arith.constant 1 : index
      %get3A_1560 = arith.constant 0 : index
      %get3A_1561 = vector.load %arg2[%get3A_1557, %get3A_1558, %get3A_1559, %get3A_1560] : memref<1x40x2x128xf32, #tpu.memory_space<vmem>>, vector<1x1x1x128xf32>
      %get3A_1562 = vector.shape_cast %get3A_1561 : vector<1x1x1x128xf32> to vector<1x128xf32>
      %reduce_min3A_1563 = vector.shape_cast %get3A_1556 : vector<1x128xf32> to vector<1x1x128xf32>
      %reduce_min3A_1564 = arith.constant dense<0x7F800000> : vector<1xf32>
      %reduce_min3A_1565 = vector.multi_reduction <minimumf>, %reduce_min3A_1563, %reduce_min3A_1564 [1, 2] : vector<1x1x128xf32> to vector<1xf32>
      %reduce_min3A_1566 = vector.shape_cast %reduce_min3A_1565 : vector<1xf32> to vector<1x1x1xf32>
      %reduce_min3A_1567 = vector.extract %reduce_min3A_1566[0, 0, 0] : f32 from vector<1x1x1xf32>
      %swap3A_1568 = arith.constant 78 : index
      %swap3A_1569 = memref.load %arg12[%swap3A_1568] : memref<96xf32, #tpu.memory_space<smem>>
      memref.store %reduce_min3A_1567, %arg12[%swap3A_1568] : memref<96xf32, #tpu.memory_space<smem>>
      %lt3A_1570 = arith.constant 1.000000e+06 : f32
      %lt3A_1571 = vector.broadcast %lt3A_1570 : f32 to vector<1x128xf32>
      %lt3A_1572 = arith.cmpf olt, %get3A_1556, %lt3A_1571 : vector<1x128xf32>
      %jit3A_1573 = arith.constant -1.000000e+06 : f32
      %broadcast_in_dim3A_1574 = vector.broadcast %jit3A_1573 : f32 to vector<1x128xf32>
      %select_n3A_1575 = arith.select %lt3A_1572, %get3A_1562, %broadcast_in_dim3A_1574 : vector<1x128xi1>, vector<1x128xf32>
      %reduce_max3A_1576 = vector.shape_cast %select_n3A_1575 : vector<1x128xf32> to vector<1x1x128xf32>
      %reduce_max3A_1577 = arith.constant dense<0xFF800000> : vector<1xf32>
      %reduce_max3A_1578 = vector.multi_reduction <maximumf>, %reduce_max3A_1576, %reduce_max3A_1577 [1, 2] : vector<1x1x128xf32> to vector<1xf32>
      %reduce_max3A_1579 = vector.shape_cast %reduce_max3A_1578 : vector<1xf32> to vector<1x1x1xf32>
      %reduce_max3A_1580 = vector.extract %reduce_max3A_1579[0, 0, 0] : f32 from vector<1x1x1xf32>
      %swap3A_1581 = arith.constant 79 : index
      %swap3A_1582 = memref.load %arg12[%swap3A_1581] : memref<96xf32, #tpu.memory_space<smem>>
      memref.store %reduce_max3A_1580, %arg12[%swap3A_1581] : memref<96xf32, #tpu.memory_space<smem>>
      %broadcast_in_dim3A_1583 = arith.constant 0.000000e+00 : f32
      %broadcast_in_dim3A_1584 = vector.broadcast %broadcast_in_dim3A_1583 : f32 to vector<40x16x128xf32>
      %swap3A_1585 = arith.constant 0 : index
      %swap3A_1586 = arith.constant 0 : index
      %swap3A_1587 = arith.constant 0 : index
      %swap3A_1588 = vector.load %arg11[%swap3A_1585, %swap3A_1586, %swap3A_1587] : memref<40x16x128xf32, #tpu.memory_space<vmem>>, vector<40x16x128xf32>
      tpu.vector_store %arg11[%swap3A_1585, %swap3A_1586, %swap3A_1587], %broadcast_in_dim3A_1584 {strides = array<i32>} : memref<40x16x128xf32, #tpu.memory_space<vmem>>, vector<40x16x128xf32>,
    } else {
    }
    %scan3A = arith.constant 0 : i32
    %scan3A_294 = arith.constant 40 : i32
    %scan3A_295 = arith.addi %scan3A, %scan3A_294 : i32
    %scan3A_296 = arith.constant 1 : i32
    scf.for %scan3A_303 = %scan3A to %scan3A_295 step %scan3A_296  : i32 {
      %mul3A_304 = arith.constant 2 : i32
      %mul3A_305 = arith.muli %mul3A_304, %scan3A_303 : i32
      %add3A = arith.constant 1 : i32
      %add3A_306 = arith.addi %mul3A_305, %add3A : i32
      %get3A_307 = arith.index_cast %add3A_306 : i32 to index
      %get3A_308 = memref.load %arg12[%get3A_307] : memref<96xf32, #tpu.memory_space<smem>>
      %le3A = arith.cmpf ole, %reduce_min3A_160, %get3A_308 : f32
      %mul3A_309 = arith.constant 2 : i32
      %mul3A_310 = arith.muli %mul3A_309, %scan3A_303 : i32
      %get3A_311 = arith.index_cast %mul3A_310 : i32 to index
      %get3A_312 = memref.load %arg12[%get3A_311] : memref<96xf32, #tpu.memory_space<smem>>
      %ge3A = arith.cmpf oge, %reduce_max3A_164, %get3A_312 : f32
      %and3A = arith.andi %le3A, %ge3A : i1
      %convert_element_type3A_313 = arith.extui %and3A : i1 to i32
      %cond3A_314 = arith.constant 0 : i32
      %cond3A_315 = arith.cmpi ne, %convert_element_type3A_313, %cond3A_314 : i32
      scf.if %cond3A_315 {
        %get3A_316 = arith.constant 0 : index
        %get3A_317 = arith.index_cast %scan3A_303 : i32 to index
        %get3A_318 = arith.constant 0 : index
        %get3A_319 = arith.constant 0 : index
        %get3A_320 = vector.load %arg2[%get3A_316, %get3A_317, %get3A_318, %get3A_319] : memref<1x40x2x128xf32, #tpu.memory_space<vmem>>, vector<1x1x1x128xf32>
        %get3A_321 = vector.shape_cast %get3A_320 : vector<1x1x1x128xf32> to vector<1x128xf32>
        %get3A_322 = arith.constant 0 : index
        %get3A_323 = arith.index_cast %scan3A_303 : i32 to index
        %get3A_324 = arith.constant 1 : index
        %get3A_325 = arith.constant 0 : index
        %get3A_326 = vector.load %arg2[%get3A_322, %get3A_323, %get3A_324, %get3A_325] : memref<1x40x2x128xf32, #tpu.memory_space<vmem>>, vector<1x1x1x128xf32>
        %get3A_327 = vector.shape_cast %get3A_326 : vector<1x1x1x128xf32> to vector<1x128xf32>
        %sub3A_328 = arith.subf %get3A_327, %get3A_321 : vector<1x128xf32>
        %mul3A_329 = arith.constant 0.310344815 : f32
        %mul3A_330 = vector.broadcast %mul3A_329 : f32 to vector<1x128xf32>
        %mul3A_331 = arith.mulf %sub3A_328, %mul3A_330 : vector<1x128xf32>
        %mul3A_332 = arith.constant 2 : i32
        %mul3A_333 = arith.muli %mul3A_332, %scan3A_303 : i32
        %get3A_334 = arith.index_cast %mul3A_333 : i32 to index
        %get3A_335 = memref.load %arg12[%get3A_334] : memref<96xf32, #tpu.memory_space<smem>>
        %mul3A_336 = arith.constant 2 : i32
        %mul3A_337 = arith.muli %mul3A_336, %scan3A_303 : i32
        %add3A_338 = arith.constant 1 : i32
        %add3A_339 = arith.addi %mul3A_337, %add3A_338 : i32
        %get3A_340 = arith.index_cast %add3A_339 : i32 to index
        %get3A_341 = memref.load %arg12[%get3A_340] : memref<96xf32, #tpu.memory_space<smem>>
        %broadcast_in_dim3A_342 = arith.constant 0.000000e+00 : f32
        %broadcast_in_dim3A_343 = vector.broadcast %broadcast_in_dim3A_342 : f32 to vector<8x128xf32>
        %broadcast_in_dim3A_344 = arith.constant 0.000000e+00 : f32
        %broadcast_in_dim3A_345 = vector.broadcast %broadcast_in_dim3A_344 : f32 to vector<8x128xf32>
        %broadcast_in_dim3A_346 = arith.constant 0.000000e+00 : f32
        %broadcast_in_dim3A_347 = vector.broadcast %broadcast_in_dim3A_346 : f32 to vector<8x128xf32>
        %broadcast_in_dim3A_348 = arith.constant 0.000000e+00 : f32
        %broadcast_in_dim3A_349 = vector.broadcast %broadcast_in_dim3A_348 : f32 to vector<8x128xf32>
        %broadcast_in_dim3A_350 = arith.constant 0.000000e+00 : f32
        %broadcast_in_dim3A_351 = vector.broadcast %broadcast_in_dim3A_350 : f32 to vector<8x128xf32>
        %broadcast_in_dim3A_352 = arith.constant 0.000000e+00 : f32
        %broadcast_in_dim3A_353 = vector.broadcast %broadcast_in_dim3A_352 : f32 to vector<8x128xf32>
        %broadcast_in_dim3A_354 = arith.constant 0.000000e+00 : f32
        %broadcast_in_dim3A_355 = vector.broadcast %broadcast_in_dim3A_354 : f32 to vector<8x128xf32>
        %broadcast_in_dim3A_356 = arith.constant 0.000000e+00 : f32
        %broadcast_in_dim3A_357 = vector.broadcast %broadcast_in_dim3A_356 : f32 to vector<8x128xf32>
        %broadcast_in_dim3A_358 = arith.constant 0.000000e+00 : f32
        %broadcast_in_dim3A_359 = vector.broadcast %broadcast_in_dim3A_358 : f32 to vector<8x128xf32>
        %broadcast_in_dim3A_360 = arith.constant 0.000000e+00 : f32
        %broadcast_in_dim3A_361 = vector.broadcast %broadcast_in_dim3A_360 : f32 to vector<8x128xf32>
        %scan3A_362 = arith.constant 0 : i32
        %scan3A_363 = arith.constant 8 : i32
        %scan3A_364 = arith.addi %scan3A_362, %scan3A_363 : i32
        %scan3A_365 = arith.constant 1 : i32
        %scan3A_366:10 = scf.for %scan3A_411 = %scan3A_362 to %scan3A_364 step %scan3A_365 iter_args(%scan3A_412 = %broadcast_in_dim3A_343, %scan3A_413 = %broadcast_in_dim3A_345, %scan3A_414 = %broadcast_in_dim3A_347, %scan3A_415 = %broadcast_in_dim3A_349, %scan3A_416 = %broadcast_in_dim3A_351, %scan3A_417 = %broadcast_in_dim3A_353, %scan3A_418 = %broadcast_in_dim3A_355, %scan3A_419 = %broadcast_in_dim3A_357, %scan3A_420 = %broadcast_in_dim3A_359, %scan3A_421 = %broadcast_in_dim3A_361) -> (vector<8x128xf32>, vector<8x128xf32>, vector<8x128xf32>, vector<8x128xf32>, vector<8x128xf32>, vector<8x128xf32>, vector<8x128xf32>, vector<8x128xf32>, vector<8x128xf32>, vector<8x128xf32>)  : i32 {
          %mul3A_422 = arith.constant 2 : i32
          %mul3A_423 = arith.muli %mul3A_422, %scan3A_411 : i32
          %add3A_424 = arith.constant 80 : i32
          %add3A_425 = arith.addi %add3A_424, %mul3A_423 : i32
          %get3A_426 = arith.index_cast %add3A_425 : i32 to index
          %get3A_427 = memref.load %arg12[%get3A_426] : memref<96xf32, #tpu.memory_space<smem>>
          %le3A_428 = arith.cmpf ole, %get3A_427, %get3A_341 : f32
          %mul3A_429 = arith.constant 2 : i32
          %mul3A_430 = arith.muli %mul3A_429, %scan3A_411 : i32
          %add3A_431 = arith.constant 80 : i32
          %add3A_432 = arith.addi %add3A_431, %mul3A_430 : i32
          %add3A_433 = arith.constant 1 : i32
          %add3A_434 = arith.addi %add3A_432, %add3A_433 : i32
          %get3A_435 = arith.index_cast %add3A_434 : i32 to index
          %get3A_436 = memref.load %arg12[%get3A_435] : memref<96xf32, #tpu.memory_space<smem>>
          %ge3A_437 = arith.cmpf oge, %get3A_436, %get3A_335 : f32
          %and3A_438 = arith.andi %le3A_428, %ge3A_437 : i1
          %convert_element_type3A_439 = arith.extui %and3A_438 : i1 to i32
          %cond3A_440 = arith.constant 0 : i32
          %cond3A_441 = arith.cmpi ne, %convert_element_type3A_439, %cond3A_440 : i32
          %cond3A_442:10 = scf.if %cond3A_441 -> (vector<8x128xf32>, vector<8x128xf32>, vector<8x128xf32>, vector<8x128xf32>, vector<8x128xf32>, vector<8x128xf32>, vector<8x128xf32>, vector<8x128xf32>, vector<8x128xf32>, vector<8x128xf32>) {
            %mul3A_443 = arith.constant 128 : i32
            %mul3A_444 = arith.muli %scan3A_411, %mul3A_443 : i32
            %get3A_445 = arith.index_cast %mul3A_444 : i32 to index
            %get3A_446 = arith.constant 0 : index
            %get3A_447 = vector.load %arg8[%get3A_445, %get3A_446] : memref<1024x128xf32, #tpu.memory_space<vmem>>, vector<128x128xf32>
            %min3A = vector.broadcast %get3A_327 : vector<1x128xf32> to vector<128x128xf32>
            %min3A_448 = arith.minimumf %get3A_447, %min3A : vector<128x128xf32>
            %get3A_449 = arith.index_cast %mul3A_444 : i32 to index
            %get3A_450 = arith.constant 0 : index
            %get3A_451 = vector.load %arg7[%get3A_449, %get3A_450] : memref<1024x128xf32, #tpu.memory_space<vmem>>, vector<128x128xf32>
            %max3A_452 = vector.broadcast %get3A_321 : vector<1x128xf32> to vector<128x128xf32>
            %max3A_453 = arith.maximumf %get3A_451, %max3A_452 : vector<128x128xf32>
            %sub3A_454 = arith.subf %min3A_448, %max3A_453 : vector<128x128xf32>
            %get3A_455 = arith.index_cast %mul3A_444 : i32 to index
            %get3A_456 = arith.constant 0 : index
            %get3A_457 = vector.load %arg9[%get3A_455, %get3A_456] : memref<1024x128xf32, #tpu.memory_space<vmem>>, vector<128x128xf32>
            %add3A_458 = vector.broadcast %mul3A_331 : vector<1x128xf32> to vector<128x128xf32>
            %add3A_459 = arith.addf %get3A_457, %add3A_458 : vector<128x128xf32>
            %gt3A = arith.cmpf ogt, %sub3A_454, %add3A_459 : vector<128x128xf32>
            %jit3A_460 = arith.constant 1.000000e+00 : f32
            %jit3A_461 = arith.constant 0.000000e+00 : f32
            %broadcast_in_dim3A_462 = vector.broadcast %jit3A_460 : f32 to vector<128x128xf32>
            %broadcast_in_dim3A_463 = vector.broadcast %jit3A_461 : f32 to vector<128x128xf32>
            %select_n3A_464 = arith.select %gt3A, %broadcast_in_dim3A_462, %broadcast_in_dim3A_463 : vector<128x128xi1>, vector<128x128xf32>
            %get3A_465 = arith.constant 0 : index
            %get3A_466 = arith.index_cast %mul3A_444 : i32 to index
            %get3A_467 = arith.constant 0 : index
            %get3A_468 = vector.load %arg10[%get3A_465, %get3A_466, %get3A_467] : memref<10x1024x128xf32, #tpu.memory_space<vmem>>, vector<1x128x128xf32>
            %get3A_469 = vector.shape_cast %get3A_468 : vector<1x128x128xf32> to vector<128x128xf32>
            %mul3A_470 = arith.mulf %select_n3A_464, %get3A_469 : vector<128x128xf32>
            %reshape3A = vector.shape_cast %mul3A_470 : vector<128x128xf32> to vector<16x8x128xf32>
            %reduce_max3A_471 = arith.constant dense<0xFF800000> : vector<8x128xf32>
            %reduce_max3A_472 = vector.multi_reduction <maximumf>, %reshape3A, %reduce_max3A_471 [0] : vector<16x8x128xf32> to vector<8x128xf32>
            %max3A_473 = arith.maximumf %scan3A_412, %reduce_max3A_472 : vector<8x128xf32>
            %get3A_474 = arith.constant 1 : index
            %get3A_475 = arith.index_cast %mul3A_444 : i32 to index
            %get3A_476 = arith.constant 0 : index
            %get3A_477 = vector.load %arg10[%get3A_474, %get3A_475, %get3A_476] : memref<10x1024x128xf32, #tpu.memory_space<vmem>>, vector<1x128x128xf32>
            %get3A_478 = vector.shape_cast %get3A_477 : vector<1x128x128xf32> to vector<128x128xf32>
            %mul3A_479 = arith.mulf %select_n3A_464, %get3A_478 : vector<128x128xf32>
            %reshape3A_480 = vector.shape_cast %mul3A_479 : vector<128x128xf32> to vector<16x8x128xf32>
            %reduce_max3A_481 = arith.constant dense<0xFF800000> : vector<8x128xf32>
            %reduce_max3A_482 = vector.multi_reduction <maximumf>, %reshape3A_480, %reduce_max3A_481 [0] : vector<16x8x128xf32> to vector<8x128xf32>
            %max3A_483 = arith.maximumf %scan3A_413, %reduce_max3A_482 : vector<8x128xf32>
            %get3A_484 = arith.constant 2 : index
            %get3A_485 = arith.index_cast %mul3A_444 : i32 to index
            %get3A_486 = arith.constant 0 : index
            %get3A_487 = vector.load %arg10[%get3A_484, %get3A_485, %get3A_486] : memref<10x1024x128xf32, #tpu.memory_space<vmem>>, vector<1x128x128xf32>
            %get3A_488 = vector.shape_cast %get3A_487 : vector<1x128x128xf32> to vector<128x128xf32>
            %mul3A_489 = arith.mulf %select_n3A_464, %get3A_488 : vector<128x128xf32>
            %reshape3A_490 = vector.shape_cast %mul3A_489 : vector<128x128xf32> to vector<16x8x128xf32>
            %reduce_max3A_491 = arith.constant dense<0xFF800000> : vector<8x128xf32>
            %reduce_max3A_492 = vector.multi_reduction <maximumf>, %reshape3A_490, %reduce_max3A_491 [0] : vector<16x8x128xf32> to vector<8x128xf32>
            %max3A_493 = arith.maximumf %scan3A_414, %reduce_max3A_492 : vector<8x128xf32>
            %get3A_494 = arith.constant 3 : index
            %get3A_495 = arith.index_cast %mul3A_444 : i32 to index
            %get3A_496 = arith.constant 0 : index
            %get3A_497 = vector.load %arg10[%get3A_494, %get3A_495, %get3A_496] : memref<10x1024x128xf32, #tpu.memory_space<vmem>>, vector<1x128x128xf32>
            %get3A_498 = vector.shape_cast %get3A_497 : vector<1x128x128xf32> to vector<128x128xf32>
            %mul3A_499 = arith.mulf %select_n3A_464, %get3A_498 : vector<128x128xf32>
            %reshape3A_500 = vector.shape_cast %mul3A_499 : vector<128x128xf32> to vector<16x8x128xf32>
            %reduce_max3A_501 = arith.constant dense<0xFF800000> : vector<8x128xf32>
            %reduce_max3A_502 = vector.multi_reduction <maximumf>, %reshape3A_500, %reduce_max3A_501 [0] : vector<16x8x128xf32> to vector<8x128xf32>
            %max3A_503 = arith.maximumf %scan3A_415, %reduce_max3A_502 : vector<8x128xf32>
            %get3A_504 = arith.constant 4 : index
            %get3A_505 = arith.index_cast %mul3A_444 : i32 to index
            %get3A_506 = arith.constant 0 : index
            %get3A_507 = vector.load %arg10[%get3A_504, %get3A_505, %get3A_506] : memref<10x1024x128xf32, #tpu.memory_space<vmem>>, vector<1x128x128xf32>
            %get3A_508 = vector.shape_cast %get3A_507 : vector<1x128x128xf32> to vector<128x128xf32>
            %mul3A_509 = arith.mulf %select_n3A_464, %get3A_508 : vector<128x128xf32>
            %reshape3A_510 = vector.shape_cast %mul3A_509 : vector<128x128xf32> to vector<16x8x128xf32>
            %reduce_max3A_511 = arith.constant dense<0xFF800000> : vector<8x128xf32>
            %reduce_max3A_512 = vector.multi_reduction <maximumf>, %reshape3A_510, %reduce_max3A_511 [0] : vector<16x8x128xf32> to vector<8x128xf32>
            %max3A_513 = arith.maximumf %scan3A_416, %reduce_max3A_512 : vector<8x128xf32>
            %get3A_514 = arith.constant 5 : index
            %get3A_515 = arith.index_cast %mul3A_444 : i32 to index
            %get3A_516 = arith.constant 0 : index
            %get3A_517 = vector.load %arg10[%get3A_514, %get3A_515, %get3A_516] : memref<10x1024x128xf32, #tpu.memory_space<vmem>>, vector<1x128x128xf32>
            %get3A_518 = vector.shape_cast %get3A_517 : vector<1x128x128xf32> to vector<128x128xf32>
            %mul3A_519 = arith.mulf %select_n3A_464, %get3A_518 : vector<128x128xf32>
            %reshape3A_520 = vector.shape_cast %mul3A_519 : vector<128x128xf32> to vector<16x8x128xf32>
            %reduce_max3A_521 = arith.constant dense<0xFF800000> : vector<8x128xf32>
            %reduce_max3A_522 = vector.multi_reduction <maximumf>, %reshape3A_520, %reduce_max3A_521 [0] : vector<16x8x128xf32> to vector<8x128xf32>
            %max3A_523 = arith.maximumf %scan3A_417, %reduce_max3A_522 : vector<8x128xf32>
            %get3A_524 = arith.constant 6 : index
            %get3A_525 = arith.index_cast %mul3A_444 : i32 to index
            %get3A_526 = arith.constant 0 : index
            %get3A_527 = vector.load %arg10[%get3A_524, %get3A_525, %get3A_526] : memref<10x1024x128xf32, #tpu.memory_space<vmem>>, vector<1x128x128xf32>
            %get3A_528 = vector.shape_cast %get3A_527 : vector<1x128x128xf32> to vector<128x128xf32>
            %mul3A_529 = arith.mulf %select_n3A_464, %get3A_528 : vector<128x128xf32>
            %reshape3A_530 = vector.shape_cast %mul3A_529 : vector<128x128xf32> to vector<16x8x128xf32>
            %reduce_max3A_531 = arith.constant dense<0xFF800000> : vector<8x128xf32>
            %reduce_max3A_532 = vector.multi_reduction <maximumf>, %reshape3A_530, %reduce_max3A_531 [0] : vector<16x8x128xf32> to vector<8x128xf32>
            %max3A_533 = arith.maximumf %scan3A_418, %reduce_max3A_532 : vector<8x128xf32>
            %get3A_534 = arith.constant 7 : index
            %get3A_535 = arith.index_cast %mul3A_444 : i32 to index
            %get3A_536 = arith.constant 0 : index
            %get3A_537 = vector.load %arg10[%get3A_534, %get3A_535, %get3A_536] : memref<10x1024x128xf32, #tpu.memory_space<vmem>>, vector<1x128x128xf32>
            %get3A_538 = vector.shape_cast %get3A_537 : vector<1x128x128xf32> to vector<128x128xf32>
            %mul3A_539 = arith.mulf %select_n3A_464, %get3A_538 : vector<128x128xf32>
            %reshape3A_540 = vector.shape_cast %mul3A_539 : vector<128x128xf32> to vector<16x8x128xf32>
            %reduce_max3A_541 = arith.constant dense<0xFF800000> : vector<8x128xf32>
            %reduce_max3A_542 = vector.multi_reduction <maximumf>, %reshape3A_540, %reduce_max3A_541 [0] : vector<16x8x128xf32> to vector<8x128xf32>
            %max3A_543 = arith.maximumf %scan3A_419, %reduce_max3A_542 : vector<8x128xf32>
            %get3A_544 = arith.constant 8 : index
            %get3A_545 = arith.index_cast %mul3A_444 : i32 to index
            %get3A_546 = arith.constant 0 : index
            %get3A_547 = vector.load %arg10[%get3A_544, %get3A_545, %get3A_546] : memref<10x1024x128xf32, #tpu.memory_space<vmem>>, vector<1x128x128xf32>
            %get3A_548 = vector.shape_cast %get3A_547 : vector<1x128x128xf32> to vector<128x128xf32>
            %mul3A_549 = arith.mulf %select_n3A_464, %get3A_548 : vector<128x128xf32>
            %reshape3A_550 = vector.shape_cast %mul3A_549 : vector<128x128xf32> to vector<16x8x128xf32>
            %reduce_max3A_551 = arith.constant dense<0xFF800000> : vector<8x128xf32>
            %reduce_max3A_552 = vector.multi_reduction <maximumf>, %reshape3A_550, %reduce_max3A_551 [0] : vector<16x8x128xf32> to vector<8x128xf32>
            %max3A_553 = arith.maximumf %scan3A_420, %reduce_max3A_552 : vector<8x128xf32>
            %get3A_554 = arith.constant 9 : index
            %get3A_555 = arith.index_cast %mul3A_444 : i32 to index
            %get3A_556 = arith.constant 0 : index
            %get3A_557 = vector.load %arg10[%get3A_554, %get3A_555, %get3A_556] : memref<10x1024x128xf32, #tpu.memory_space<vmem>>, vector<1x128x128xf32>
            %get3A_558 = vector.shape_cast %get3A_557 : vector<1x128x128xf32> to vector<128x128xf32>
            %mul3A_559 = arith.mulf %select_n3A_464, %get3A_558 : vector<128x128xf32>
            %reshape3A_560 = vector.shape_cast %mul3A_559 : vector<128x128xf32> to vector<16x8x128xf32>
            %reduce_max3A_561 = arith.constant dense<0xFF800000> : vector<8x128xf32>
            %reduce_max3A_562 = vector.multi_reduction <maximumf>, %reshape3A_560, %reduce_max3A_561 [0] : vector<16x8x128xf32> to vector<8x128xf32>
            %max3A_563 = arith.maximumf %scan3A_421, %reduce_max3A_562 : vector<8x128xf32>
            scf.yield %max3A_473, %max3A_483, %max3A_493, %max3A_503, %max3A_513, %max3A_523, %max3A_533, %max3A_543, %max3A_553, %max3A_563 : vector<8x128xf32>, vector<8x128xf32>, vector<8x128xf32>, vector<8x128xf32>, vector<8x128xf32>, vector<8x128xf32>, vector<8x128xf32>, vector<8x128xf32>, vector<8x128xf32>, vector<8x128xf32>
          } else {
            scf.yield %scan3A_412, %scan3A_413, %scan3A_414, %scan3A_415, %scan3A_416, %scan3A_417, %scan3A_418, %scan3A_419, %scan3A_420, %scan3A_421 : vector<8x128xf32>, vector<8x128xf32>, vector<8x128xf32>, vector<8x128xf32>, vector<8x128xf32>, vector<8x128xf32>, vector<8x128xf32>, vector<8x128xf32>, vector<8x128xf32>, vector<8x128xf32>
          }
          scf.yield %cond3A_442#0, %cond3A_442#1, %cond3A_442#2, %cond3A_442#3, %cond3A_442#4, %cond3A_442#5, %cond3A_442#6, %cond3A_442#7, %cond3A_442#8, %cond3A_442#9 : vector<8x128xf32>, vector<8x128xf32>, vector<8x128xf32>, vector<8x128xf32>, vector<8x128xf32>, vector<8x128xf32>, vector<8x128xf32>, vector<8x128xf32>, vector<8x128xf32>, vector<8x128xf32>
        }
        %scan3A_367 = arith.constant 8 : i32
        %reduce_max3A_368 = arith.constant dense<0xFF800000> : vector<128xf32>
        %reduce_max3A_369 = vector.multi_reduction <maximumf>, %scan3A_366#0, %reduce_max3A_368 [0] : vector<8x128xf32> to vector<128xf32>
        %broadcast_in_dim3A_370 = vector.shape_cast %reduce_max3A_369 : vector<128xf32> to vector<1x128xf32>
        %reduce_max3A_371 = arith.constant dense<0xFF800000> : vector<128xf32>
        %reduce_max3A_372 = vector.multi_reduction <maximumf>, %scan3A_366#1, %reduce_max3A_371 [0] : vector<8x128xf32> to vector<128xf32>
        %broadcast_in_dim3A_373 = vector.shape_cast %reduce_max3A_372 : vector<128xf32> to vector<1x128xf32>
        %reduce_max3A_374 = arith.constant dense<0xFF800000> : vector<128xf32>
        %reduce_max3A_375 = vector.multi_reduction <maximumf>, %scan3A_366#2, %reduce_max3A_374 [0] : vector<8x128xf32> to vector<128xf32>
        %broadcast_in_dim3A_376 = vector.shape_cast %reduce_max3A_375 : vector<128xf32> to vector<1x128xf32>
        %reduce_max3A_377 = arith.constant dense<0xFF800000> : vector<128xf32>
        %reduce_max3A_378 = vector.multi_reduction <maximumf>, %scan3A_366#3, %reduce_max3A_377 [0] : vector<8x128xf32> to vector<128xf32>
        %broadcast_in_dim3A_379 = vector.shape_cast %reduce_max3A_378 : vector<128xf32> to vector<1x128xf32>
        %reduce_max3A_380 = arith.constant dense<0xFF800000> : vector<128xf32>
        %reduce_max3A_381 = vector.multi_reduction <maximumf>, %scan3A_366#4, %reduce_max3A_380 [0] : vector<8x128xf32> to vector<128xf32>
        %broadcast_in_dim3A_382 = vector.shape_cast %reduce_max3A_381 : vector<128xf32> to vector<1x128xf32>
        %reduce_max3A_383 = arith.constant dense<0xFF800000> : vector<128xf32>
        %reduce_max3A_384 = vector.multi_reduction <maximumf>, %scan3A_366#5, %reduce_max3A_383 [0] : vector<8x128xf32> to vector<128xf32>
        %broadcast_in_dim3A_385 = vector.shape_cast %reduce_max3A_384 : vector<128xf32> to vector<1x128xf32>
        %reduce_max3A_386 = arith.constant dense<0xFF800000> : vector<128xf32>
        %reduce_max3A_387 = vector.multi_reduction <maximumf>, %scan3A_366#6, %reduce_max3A_386 [0] : vector<8x128xf32> to vector<128xf32>
        %broadcast_in_dim3A_388 = vector.shape_cast %reduce_max3A_387 : vector<128xf32> to vector<1x128xf32>
        %reduce_max3A_389 = arith.constant dense<0xFF800000> : vector<128xf32>
        %reduce_max3A_390 = vector.multi_reduction <maximumf>, %scan3A_366#7, %reduce_max3A_389 [0] : vector<8x128xf32> to vector<128xf32>
        %broadcast_in_dim3A_391 = vector.shape_cast %reduce_max3A_390 : vector<128xf32> to vector<1x128xf32>
        %reduce_max3A_392 = arith.constant dense<0xFF800000> : vector<128xf32>
        %reduce_max3A_393 = vector.multi_reduction <maximumf>, %scan3A_366#8, %reduce_max3A_392 [0] : vector<8x128xf32> to vector<128xf32>
        %broadcast_in_dim3A_394 = vector.shape_cast %reduce_max3A_393 : vector<128xf32> to vector<1x128xf32>
        %reduce_max3A_395 = arith.constant dense<0xFF800000> : vector<128xf32>
        %reduce_max3A_396 = vector.multi_reduction <maximumf>, %scan3A_366#9, %reduce_max3A_395 [0] : vector<8x128xf32> to vector<128xf32>
        %broadcast_in_dim3A_397 = vector.shape_cast %reduce_max3A_396 : vector<128xf32> to vector<1x128xf32>
        %broadcast_in_dim3A_398 = arith.constant 0.000000e+00 : f32
        %broadcast_in_dim3A_399 = vector.broadcast %broadcast_in_dim3A_398 : f32 to vector<6x128xf32>
        %concatenate3A = tpu.concatenate %broadcast_in_dim3A_370, %broadcast_in_dim3A_373, %broadcast_in_dim3A_376, %broadcast_in_dim3A_379, %broadcast_in_dim3A_382, %broadcast_in_dim3A_385, %broadcast_in_dim3A_388, %broadcast_in_dim3A_391, %broadcast_in_dim3A_394, %broadcast_in_dim3A_397, %broadcast_in_dim3A_399 in 0 : vector<1x128xf32>, vector<1x128xf32>, vector<1x128xf32>, vector<1x128xf32>, vector<1x128xf32>, vector<1x128xf32>, vector<1x128xf32>, vector<1x128xf32>, vector<1x128xf32>, vector<1x128xf32>, vector<6x128xf32> -> vector<16x128xf32>
        %get3A_400 = arith.index_cast %scan3A_303 : i32 to index
        %get3A_401 = arith.constant 0 : index
        %get3A_402 = arith.constant 0 : index
        %get3A_403 = vector.load %arg11[%get3A_400, %get3A_401, %get3A_402] : memref<40x16x128xf32, #tpu.memory_space<vmem>>, vector<1x16x128xf32>
        %get3A_404 = vector.shape_cast %get3A_403 : vector<1x16x128xf32> to vector<16x128xf32>
        %max3A = arith.maximumf %get3A_404, %concatenate3A : vector<16x128xf32>
        %swap3A_405 = arith.index_cast %scan3A_303 : i32 to index
        %swap3A_406 = arith.constant 0 : index
        %swap3A_407 = arith.constant 0 : index
        %swap3A_408 = vector.load %arg11[%swap3A_405, %swap3A_406, %swap3A_407] : memref<40x16x128xf32, #tpu.memory_space<vmem>>, vector<1x16x128xf32>
        %swap3A_409 = vector.shape_cast %swap3A_408 : vector<1x16x128xf32> to vector<16x128xf32>
        %swap3A_410 = vector.shape_cast %max3A : vector<16x128xf32> to vector<1x16x128xf32>
        tpu.vector_store %arg11[%swap3A_405, %swap3A_406, %swap3A_407], %swap3A_410 {strides = array<i32>} : memref<40x16x128xf32, #tpu.memory_space<vmem>>, vector<1x16x128xf32>,
      } else {
      }
    }
    %scan3A_297 = arith.constant 40 : i32
    %eq3A_298 = arith.constant 4 : i32
    %eq3A_299 = arith.cmpi eq, %arg1, %eq3A_298 : i32
    %convert_element_type3A_300 = arith.extui %eq3A_299 : i1 to i32
    %cond3A_301 = arith.constant 0 : i32
    %cond3A_302 = arith.cmpi ne, %convert_element_type3A_300, %cond3A_301 : i32
    scf.if %cond3A_302 {
      %scan3A_303 = arith.constant 0 : i32
      %scan3A_304 = arith.constant 40 : i32
      %scan3A_305 = arith.addi %scan3A_303, %scan3A_304 : i32
      %scan3A_306 = arith.constant 1 : i32
      scf.for %scan3A_308 = %scan3A_303 to %scan3A_305 step %scan3A_306  : i32 {
        %get3A_309 = arith.index_cast %scan3A_308 : i32 to index
        %get3A_310 = arith.constant 0 : index
        %get3A_311 = arith.constant 0 : index
        %get3A_312 = vector.load %arg11[%get3A_309, %get3A_310, %get3A_311] : memref<40x16x128xf32, #tpu.memory_space<vmem>>, vector<1x16x128xf32>
        %get3A_313 = vector.shape_cast %get3A_312 : vector<1x16x128xf32> to vector<16x128xf32>
        %get3A_314 = arith.constant 0 : index
        %get3A_315 = arith.index_cast %scan3A_308 : i32 to index
        %get3A_316 = arith.constant 0 : index
        %get3A_317 = arith.constant 0 : index
        %get3A_318 = vector.load %arg3[%get3A_314, %get3A_315, %get3A_316, %get3A_317] : memref<1x40x16x128xf32, #tpu.memory_space<vmem>>, vector<1x1x16x128xf32>
        %get3A_319 = vector.shape_cast %get3A_318 : vector<1x1x16x128xf32> to vector<16x128xf32>
        %le3A = arith.cmpf ole, %get3A_313, %get3A_319 : vector<16x128xf32>
        %jit3A_320 = arith.constant 0.000000e+00 : f32
        %broadcast_in_dim3A_321 = vector.broadcast %jit3A_320 : f32 to vector<16x128xf32>
        %select_n3A_322 = arith.select %le3A, %get3A_319, %broadcast_in_dim3A_321 : vector<16x128xi1>, vector<16x128xf32>
        %reduce_max3A_323 = arith.constant dense<0xFF800000> : vector<128xf32>
        %reduce_max3A_324 = vector.multi_reduction <maximumf>, %select_n3A_322, %reduce_max3A_323 [0] : vector<16x128xf32> to vector<128xf32>
        %broadcast_in_dim3A_325 = vector.shape_cast %reduce_max3A_324 : vector<128xf32> to vector<1x128xf32>
        %get3A_326 = arith.constant 0 : index
        %get3A_327 = arith.index_cast %scan3A_308 : i32 to index
        %get3A_328 = arith.constant 0 : index
        %get3A_329 = arith.constant 0 : index
        %get3A_330 = vector.load %arg2[%get3A_326, %get3A_327, %get3A_328, %get3A_329] : memref<1x40x2x128xf32, #tpu.memory_space<vmem>>, vector<1x1x1x128xf32>
        %get3A_331 = vector.shape_cast %get3A_330 : vector<1x1x1x128xf32> to vector<1x128xf32>
        %get3A_332 = arith.constant 0 : index
        %get3A_333 = arith.index_cast %scan3A_308 : i32 to index
        %get3A_334 = arith.constant 1 : index
        %get3A_335 = arith.constant 0 : index
        %get3A_336 = vector.load %arg2[%get3A_332, %get3A_333, %get3A_334, %get3A_335] : memref<1x40x2x128xf32, #tpu.memory_space<vmem>>, vector<1x1x1x128xf32>
        %get3A_337 = vector.shape_cast %get3A_336 : vector<1x1x1x128xf32> to vector<1x128xf32>
        %gt3A = arith.constant -1.000000e+01 : f32
        %gt3A_338 = vector.broadcast %gt3A : f32 to vector<1x128xf32>
        %gt3A_339 = arith.cmpf ogt, %get3A_331, %gt3A_338 : vector<1x128xf32>
        %lt3A_340 = arith.constant 1.000000e+01 : f32
        %lt3A_341 = vector.broadcast %lt3A_340 : f32 to vector<1x128xf32>
        %lt3A_342 = arith.cmpf olt, %get3A_337, %lt3A_341 : vector<1x128xf32>
        %and3A = arith.andi %gt3A_339, %lt3A_342 : vector<1x128xi1>
        %jit3A_343 = arith.constant 0.000000e+00 : f32
        %broadcast_in_dim3A_344 = vector.broadcast %jit3A_343 : f32 to vector<1x128xf32>
        %select_n3A_345 = arith.select %and3A, %broadcast_in_dim3A_325, %broadcast_in_dim3A_344 : vector<1x128xi1>, vector<1x128xf32>
        %broadcast_in_dim3A_346 = arith.constant 0.000000e+00 : f32
        %broadcast_in_dim3A_347 = vector.broadcast %broadcast_in_dim3A_346 : f32 to vector<7x128xf32>
        %concatenate3A = tpu.concatenate %select_n3A_345, %broadcast_in_dim3A_347 in 0 : vector<1x128xf32>, vector<7x128xf32> -> vector<8x128xf32>
        %swap3A_348 = arith.constant 0 : index
        %swap3A_349 = arith.index_cast %scan3A_308 : i32 to index
        %swap3A_350 = arith.constant 0 : index
        %swap3A_351 = arith.constant 0 : index
        %swap3A_352 = vector.load %arg6[%swap3A_348, %swap3A_349, %swap3A_350, %swap3A_351] : memref<1x40x8x128xf32, #tpu.memory_space<vmem>>, vector<1x1x8x128xf32>
        %swap3A_353 = vector.shape_cast %swap3A_352 : vector<1x1x8x128xf32> to vector<8x128xf32>
        %swap3A_354 = vector.shape_cast %concatenate3A : vector<8x128xf32> to vector<1x1x8x128xf32>
        tpu.vector_store %arg6[%swap3A_348, %swap3A_349, %swap3A_350, %swap3A_351], %swap3A_354 {strides = array<i32>} : memref<1x40x8x128xf32, #tpu.memory_space<vmem>>, vector<1x1x8x128xf32>,
      }
      %scan3A_307 = arith.constant 40 : i32
    } else {
    }
    return
  }
  func.func @transform_0(%arg0: i32, %arg1: i32) -> (i32, i32, i32, i32) {
    %c0_i32 = arith.constant 0 : i32
    %c0_i32_0 = arith.constant 0 : i32
    %c0_i32_1 = arith.constant 0 : i32
    %c0_i32_2 = arith.constant 0 : i32
    return %arg0, %c0_i32, %c0_i32_0, %c0_i32_1 : i32, i32, i32, i32
  }
  func.func @transform_1(%arg0: i32, %arg1: i32) -> (i32, i32, i32, i32) {
    %c0_i32 = arith.constant 0 : i32
    %c0_i32_0 = arith.constant 0 : i32
    %c0_i32_1 = arith.constant 0 : i32
    %c0_i32_2 = arith.constant 0 : i32
    return %arg0, %c0_i32, %c0_i32_0, %c0_i32_1 : i32, i32, i32, i32
  }
  func.func @transform_2(%arg0: i32, %arg1: i32) -> (i32, i32, i32) {
    %c0_i32 = arith.constant 0 : i32
    %c0_i32_0 = arith.constant 0 : i32
    return %arg0, %arg1, %c0_i32 : i32, i32, i32
  }
  func.func @transform_3(%arg0: i32, %arg1: i32) -> (i32, i32, i32) {
    %c0_i32 = arith.constant 0 : i32
    %c0_i32_0 = arith.constant 0 : i32
    return %arg0, %arg1, %c0_i32 : i32, i32, i32
  }
  func.func @transform_4(%arg0: i32, %arg1: i32) -> (i32, i32, i32, i32) {
    %c0_i32 = arith.constant 0 : i32
    %c0_i32_0 = arith.constant 0 : i32
    %c0_i32_1 = arith.constant 0 : i32
    %c0_i32_2 = arith.constant 0 : i32
    return %arg0, %c0_i32, %c0_i32_0, %c0_i32_1 : i32, i32, i32, i32
  }
}

</mosaic_0001>

<sc_bundles>
// kernel: gather_offload_async_start.1
scs
__scs_entry_jumppad:
0x0: {  	(pc) =	sbr.rel $0x88, $3  }
0x1: {  	(tag) =	ssettag $0x0;
	lr =	simm.s32 $0x1  }
0x2: {  	[smem:$0x3F9E] =	sst lr;
	_ =	strace $0xD0000000  }
0x3: {  	_ = 	snop  }
0x4: {  	_ = 	snop  }
0x5: {  	_ = 	snop  }
0x6: {  	_ = 	snop  }
0x7: {  	_ = 	snop  }
__scs_overlays_trampoline_lowered:
0x8: {  	[smem:$0x3FAD] =	sst s0  }
0x9: {  	[smem:$0x3FAE] =	sst s1  }
0xa: {  	[smem:$0x3FAF] =	sst s2  }
0xb: {  	[smem:$0x3FB0] =	sst s3  }
0xc: {  	[smem:$0x3FB1] =	sst s4  }
0xd: {  	[smem:$0x3FB2] =	sst s5  }
0xe: {  	[smem:$0x3FB3] =	sst s6  }
0xf: {  	[smem:$0x3FB4] =	sst s7  }
0x10: {  	[smem:$0x3FB5] =	sst s8  }
0x11: {  	[smem:$0x3FB6] =	sst s9;
	s0 =	simm.s32 @!p0 $0x0  }
0x12: {  	s1 =	sld [smem:$0x3F9C];
	s0 =	simm.s32 @p0 $0x1  }
0x13: {  	[smem:$0x3FB7] =	sst s0;
	s0 =	simm.s32 @!p1 $0x0  }
0x14: {  	s2 =	sld [smem:$0x3F9B];
	s0 =	simm.s32 @p1 $0x1  }
0x15: {  	[smem:$0x3FB8] =	sst s0;
	s0 =	simm.s32 @!p2 $0x0  }
0x16: {  	s3 =	sld [smem:$0x3FDB];
	s0 =	simm.s32 @p2 $0x1  }
0x17: {  	s4 =	simm.s32 $0x1BF5;
	[smem:$0x3FBA] =	sst s0  }
0x18: {  	s0 =	sld [smem:$0x3F9D];
	_ =	swait.ge [sflag:s4], $0x0  }
0x19: {  	s7 =	sld [smem:$0x3F9E]  }
0x1a: {  	s8 =	sadd.s32 $0xFFFFE003, lr  }
0x1b: {  	s9 =	sadd.s32 $0xFFFFFEF7, lr;
	s5 =	simm.s32 $0xFFFFFFFF;
	p2 =	slt.u32 s8, $0xFFFFF086  }
0x1c: {  	p1 =	slt.u32 s9, $0xF7A;
	s5 =	simm.s32 @!p2 $0x0  }
0x1d: {  	s5 =	simm.s32 @p1 $0x1;
	p0 =	seq.s32 s7, s2  }
0x1e: {  	s7 =	smul.u32 @!p0 $0xF7A, s2;
	p2 =	seq.s32 @!p0 s5, $0x0  }
0x1f: {  	s9 =	smul.u32 $0xF7A, s1;
	s8 =	simm.s32 @!p0 $0x1BF5;
	p2 =	por !p2, p0  }
0x20: {  	[sflag:s8] =	ssyncset.s32 @!p0 $0xFFFFF086;
	s6 =	sadd.s32 @!p0 s3, s7;
	s7 =	simm.s32 @!p0 $0x108  }
0x21: {  	s3 =	sadd.s32 s3, s9;
	s6 =	sadd.s32 @!p0 $0x88, s6;
	s7 =	simm.s32 @p2 $0x1082  }
0x22: {  	[simem:s7], [sflag:s8] =	dma.local @!p0 [hbm:s6], $0xF7A  }
0x23: {  	s9 =	sor.u32 $0xD0000000, s2;
	s6 =	simm.s32 $0x108;
	_ =	swait.ge @!p0 [sflag:s8], $0x0  }
0x24: {  	s3 =	sadd.s32 $0x88, s3;
	s6 =	simm.s32 @!p1 $0x1082;
	[sflag:s4] =	ssyncset.s32 $0xFFFFF086  }
0x25: {  	[simem:s6], [sflag:s4] =	dma.local [hbm:s3], $0xF7A  }
0x26: {  	[smem:$0x3F9E] =	sst s1;
	(tag) =	ssettag s2;
	_ =	strace s9  }
0x27: {  	s1 =	sld [smem:$0x3FAE]  }
0x28: {  	s2 =	sld [smem:$0x3FAF]  }
0x29: {  	s4 =	sld [smem:$0x3FB1]  }
0x2a: {  	p0 =	seq.s32 s5, $0x0;
	s5 =	sld [smem:$0x3FB2]  }
0x2b: {  	s6 =	sld [smem:$0x3FB3]  }
0x2c: {  	s7 =	sld [smem:$0x3FB4]  }
0x2d: {  	s3 =	simm.s32 $0x108;
	s8 =	sld [smem:$0x3FB5]  }
0x2e: {  	s3 =	simm.s32 @!p0 $0x1082;
	s9 =	sld [smem:$0x3FB6]  }
0x2f: {  	lr =	sadd.s32 s0, s3;
	s0 =	sld [smem:$0x3FAD]  }
0x30: {  	s3 =	sld [smem:$0x3FB0]  }
0x31: {  	[smem:$0x3FB9] =	sst s10  }
0x32: {  	s10 =	sld [smem:$0x3FB7];
	_ =	sdelay $0x3  }
0x33: {  	p0 =	seq.s32 s10, $0x1;
	s10 =	sld [smem:$0x3FB9];
	_ =	sdelay $0x3  }
0x34: {  	[smem:$0x3FB9] =	sst s10  }
0x35: {  	s10 =	sld [smem:$0x3FB8];
	_ =	sdelay $0x3  }
0x36: {  	p1 =	seq.s32 s10, $0x1;
	s10 =	sld [smem:$0x3FB9];
	_ =	sdelay $0x3  }
0x37: {  	[smem:$0x3FB9] =	sst s10  }
0x38: {  	s10 =	sld [smem:$0x3FBA]  }
0x39: {  	_ = 	snop;
	(pc) =	sbr.ind lr, $3  }
0x3a: {  	_ = 	snop  }
0x3b: {  	_ = 	snop  }
0x3c: {  	p2 =	seq.s32 s10, $0x1;
	s10 =	sld [smem:$0x3FB9]  }
0x3d: {  	_ =	shalt  }
0x3e: {  	_ =	shalt  }
0x3f: {  	_ =	shalt  }
0x40: {  	_ =	shalt  }
0x41: {  	_ =	shalt  }
0x42: {  	_ =	shalt  }
0x43: {  	_ =	shalt  }
0x44: {  	_ =	shalt  }
0x45: {  	_ =	shalt  }
0x46: {  	_ =	shalt  }
0x47: {  	_ =	shalt  }
0x48: {  	_ =	shalt  }
0x49: {  	_ =	shalt  }
0x4a: {  	_ =	shalt  }
0x4b: {  	_ =	shalt  }
0x4c: {  	_ =	shalt  }
0x4d: {  	_ =	shalt  }
0x4e: {  	_ =	shalt  }
0x4f: {  	_ =	shalt  }
0x50: {  	_ =	shalt  }
0x51: {  	_ =	shalt  }
0x52: {  	_ =	shalt  }
0x53: {  	_ =	shalt  }
0x54: {  	_ =	shalt  }
0x55: {  	_ =	shalt  }
0x56: {  	_ =	shalt  }
0x57: {  	_ =	shalt  }
0x58: {  	_ =	shalt  }
0x59: {  	_ =	shalt  }
0x5a: {  	_ =	shalt  }
0x5b: {  	_ =	shalt  }
0x5c: {  	_ =	shalt  }
0x5d: {  	_ =	shalt  }
0x5e: {  	_ =	shalt  }
0x5f: {  	_ =	shalt  }
0x60: {  	_ =	shalt  }
0x61: {  	_ =	shalt  }
0x62: {  	_ =	shalt  }
0x63: {  	_ =	shalt  }
0x64: {  	_ =	shalt  }
0x65: {  	_ =	shalt  }
0x66: {  	_ =	shalt  }
0x67: {  	_ =	shalt  }
0x68: {  	_ =	shalt  }
0x69: {  	_ =	shalt  }
0x6a: {  	_ =	shalt  }
0x6b: {  	_ =	shalt  }
0x6c: {  	_ =	shalt  }
0x6d: {  	_ =	shalt  }
0x6e: {  	_ =	shalt  }
0x6f: {  	_ =	shalt  }
0x70: {  	_ =	shalt  }
0x71: {  	_ =	shalt  }
0x72: {  	_ =	shalt  }
0x73: {  	_ =	shalt  }
0x74: {  	_ =	shalt  }
0x75: {  	_ =	shalt  }
0x76: {  	_ =	shalt  }
0x77: {  	_ =	shalt  }
0x78: {  	_ =	shalt  }
0x79: {  	_ =	shalt  }
0x7a: {  	_ =	shalt  }
0x7b: {  	_ =	shalt  }
0x7c: {  	_ =	shalt  }
0x7d: {  	_ =	shalt  }
0x7e: {  	_ =	shalt  }
0x7f: {  	_ =	shalt  }
0x80: {  	_ =	shalt  }
0x81: {  	_ =	shalt  }
0x82: {  	_ =	shalt  }
0x83: {  	_ =	shalt  }
0x84: {  	_ =	shalt  }
0x85: {  	_ =	shalt  }
0x86: {  	_ =	shalt  }
0x87: {  	_ =	shalt  }
.Lfunc_end0:
.L_simem_size_0:
called_computation.1_lowered:
.L_overlay_start_0:
0x88: {  	s2 =	sld [smem:$0x3FD9]  }
0x89: {  	s3 =	sld [smem:$0x3FFE];
	_ =	sdelay $0x1  }
0x8a: {  	s1 =	srdreg.scid  }
0x8b: {  	s0 =	sand.u32 $0x1, s1  }
0x8c: {  	s16 =	sshll.u32 s0, $0xA;
	s2 =	sadd.s32 s3, s2  }
0x8d: {  	s2 =	sadd.s32 s2, s16  }
0x8e: {  	[smem:$0x3FC5] =	sst s2  }
0x8f: {  	_ = 	snop  }
0x90: {  	(tm) =	ssettm $0x1  }
0x91: {  	s17 =	sld [smem:$0x3FFB];
	_ =	sdelay $0x3  }
0x92: {  	_ =	strace s17  }
0x93: {  	s2 =	sld [smem:$0x3FFC];
	_ =	sdelay $0x3  }
0x94: {  	_ =	strace s2  }
0x95: {  	s2 =	sld [smem:$0x3FFD];
	_ =	sdelay $0x3  }
0x96: {  	_ =	strace s2  }
0x97: {  	_ =	strace $0x8FFFFFFF  }
0x98: {  	s18 =	sld [smem:$0x3FDB];
	_ =	sdelay $0x1  }
0x99: {  	s19 =	simm.s32 $_scs_section_size  }
0x9a: {  	s4 =	simm.s32 $_size__tile_overlayer_lowered;
	s5 =	simm.s32 $_tile_overlayer_lowered  }
0x9b: {  	s22 =	simm.s32 $0x1BFF;
	s21 =	sshll.u32 s5, $0x1;
	s2 =	sadd.s32 s19, s18  }
0x9c: {  	s6 =	simm.s32 $0x0;
	s20 =	sshll.u32 s4, $0x1;
	s4 =	sadd.s32 s21, s2  }
0x9d: {  	[timem:s6], [sflag:s22] =	dma.local [hbm:s4], s20  }
0x9e: {  	_ =	swait.ge [sflag:s22], s20  }
0x9f: {  	s3 =	ssub.s32 $0x0, s20;
	[sflag:s22] =	ssyncset.done $0x0  }
0xa0: {  	[sflag:s22] =	ssyncadd.s32 s3;
	_ =	sdelay $0x1  }
0xa1: {  	s23 =	simm.s32 $0x1B8B  }
0xa2: {  	_ =	swait.ge [sflag:s23], $0x1  }
0xa3: {  	[sflag:s23] =	ssyncset.done $0x0  }
0xa4: {  	s25 =	simm.s32 $0x1B8E;
	s24 =	sld [smem:$0x3FFE];
	[sflag:s23] =	ssyncadd.s32 $0xFFFFFFFF  }
0xa5: {  	s26 =	simm.s32 $execute0_lowered;
	[smem:$0x3FD2] =	sst s25  }
0xa6: {  	s4 =	sshll.u32 s26, $0x1;
	_ =	strace $0x8000004F;
	[dreg:$0x1] =	wrdreg $0xFFFFFFFF  }
0xa7: {  	s28 =	simm.s32 $_size_execute0_lowered;
	s2 =	sadd.s32 s2, s4;
	[dreg:$0x0] =	wrdreg $0x0  }
0xa8: {  	s4 =	sshll.u32 s28, $0x1;
	[dreg:$0x2] =	wrdreg s2  }
0xa9: {  	[dreg:$0x3] =	wrdreg s4  }
0xaa: {  	[dreg:$0x4] =	wrdreg $0xC0  }
0xab: {  	_ =	task [dreg:s6], $0x5FFFF  }
0xac: {  	[dreg:$0x1] =	wrdreg $0xFFFFFFFF  }
0xad: {  	[dreg:$0x0] =	wrdreg $0x60  }
0xae: {  	[dreg:$0x2] =	wrdreg s24  }
0xaf: {  	[dreg:$0x3] =	wrdreg $0x9  }
0xb0: {  	_ =	task.clear_ibuf [dreg:s6], $0x4FFFF;
	_ =	strace $0x9000004F  }
0xb1: {  	s29 =	simm.s32 $0x9;
	_ =	strace $0x80000051  }
0xb2: {  	_ =	swait.ge [sflag:s29], $0x1  }
0xb3: {  	[sflag:s29] =	ssyncadd.s32 $0xFFFFFFFF  }
0xb4: {  	_ =	strace $0x90000051  }
0xb5: {  	_ =	sfence  }
0xb6: {  	s30 =	sld [smem:$0x0];
	_ =	sdelay $0x2  }
0xb7: {  	s31 =	sshll.u32 s1, $0xD;
	s1 =	sshrl.u32 s1, $0x2  }
0xb8: {  	s3 =	sand.u32 $0x4000, s31;
	s1 =	sadd.s32 s1, s30  }
0xb9: {  	s0 =	sor.u32 s3, s0;
	s1 =	sshll.u32 s1, $0x11  }
0xba: {  	s0 =	sor.u32 s1, s0  }
0xbb: {  	s0 =	sadd.s32 $0x8F2B, s0  }
0xbc: {  	[sflag:s0] =	ssyncadd.remote.s32 $0x1  }
0xbd: {  	_ =	sfence.sel $0xFFFF  }
0xbe: {  	[dreg:$0x0] =	wrdreg $0xFFFFFFFF;
	(pc) =	sbr.abs _section_cstart, $3  }
0xbf: {  	[dreg:$0x1] =	wrdreg $0xFFFFFFFF  }
0xc0: {  	_ =	task.clear_ibuf [dreg:s6], $0x2FFFF;
	_ =	strace $0x9FFFFFFF  }
0xc1: {  	(tm) =	ssettm $0x7FFFFFFF  }
tec
execute0_lowered:
.L_overlay_start_1:
0x0: {  	(tag) =	ssettag $0x1  }
0x1: {  	s0 =	srdreg.scid  }
0x2: {  	s1 =	sshll.u32 s0, $0x4  }
0x3: {  	s0 =	stileid.u32;
	s1 =	sand.u32 $0x10, s1  }
0x4: {  	s2 =	sor.u32 s0, s1  }
0x5: {  	s1 =	smin.u32 s2, $0x12  }
0x6: {  	s1 =	sadd.s32 s2, s1  }
0x7: {  	p0 =	slt.u32 s2, $0x12;
	s2 =	simm.s32 $0x320;
	s1 =	smul.u32 $0x190, s1  }
0x8: {  	s2 =	simm.s32 @!p0 $0x190  }
0x9: {  	s2 =	sadd.s32 s2, s1  }
0xa: {  	s3 =	smin.u32 s2, $0x4E20  }
0xb: {  	s7 =	ssub.s32 s3, s1  }
0xc: {  	p0 =	sgt.s32 s7, $0x0  }
0xd: {  	s7 =	simm.s32 @!p0 $0x0  }
0xe: {  	s31 =	sand.u32 $0xFFF0, s7  }
0xf: {  	s2 =	sshrl.u32 s31, $0x4  }
0x10: {  	s2 =	smul.u32 $0xA3E, s2  }
0x11: {  	s9 =	rddreg [dreg:$0x0];
	s6 =	simm.s32 $0x1;
	s11 =	simm.s32 $0x3  }
0x12: {  	s13 =	simm.s32 $0x0;
	s12 =	simm.s32 $0x0;
	s8 =	sshrl.u32 s2, $0x10  }
0x13: {  	s4 =	sadd.s32 $0x2E00, s9;
	s5 =	sadd.s32 $0x2400, s9;
	s10 =	smul.u32 $0x190, s8  }
.Ltmp0:
0x14: {  	s9 =	sadd.s32 $0x54200, s9;
	s2 =	rddreg [dreg:$0x1];
	(pc) =	sbr.rel .LBB2_1-.Ltmp0, $4  }
0x15: {  	_ =	strace $0x80000050;
	p0 =	sne.s32 s7, s10;
	s10 =	simm.s32 $0x1  }
0x16: {  	[sflag:s6] =	ssyncpa.u1 $0x0;
	s7 =	simm.s32 $0x2;
	s10 =	simm.s32 @!p0 $0x0  }
0x17: {  	[sflag:s7] =	ssyncpa.u1 $0x0;
	p0 =	por $0x0, $0x0;
	s8 =	sadd.s32 s8, s10  }
0x18: {  	vm0 =	vmmov $0xff;
	vm1 =	vcmask $0x3F20;
	[sflag:s11] =	ssyncpa.u1 $0x0;
	s11 =	smov.u32 s1;
	s10 =	sadd.s32 $0x1, s8  }
.LBB2_6:
0x19: {  	[hbm:s17] =	stream.linear.scatter [tilespmem:s14], [sflag:$0x3], $0x400, $0x38;
	[tilespmem:$0x19320] =	vst v63  }
.LBB2_7:
0x1a: {  	s13 =	sadd.s32 $0x190, s11  }
0x1b: {  	s15 =	smov.u32 s1;
	p2 =	slt.s32 s13, s3  }
0x1c: {  	s15 =	smov.u32 @p2 s13;
	p2 =	sne.s32 s12, s10  }
.Ltmp1:
0x1d: {  	p1 =	slt.u32 s12, $0x2;
	(pc) =	sbr.rel @!p2 .LBB2_8-.Ltmp1, $4  }
0x1e: {  	s14 =	simm.s32 @!p1 $0x3  }
0x1f: {  	s16 =	sadd.s32 $0x1, s12;
	_ =	swait.ge @!p1 [sflag:s14], $0xC800  }
0x20: {  	p0 =	por !p0, !p0;
	s13 =	smov.u32 s11;
	[sflag:s14] =	ssyncset.done @!p1 $0x0  }
0x21: {  	s12 =	smov.u32 s16;
	s11 =	smov.u32 s15;
	[sflag:s14] =	ssyncadd.s32 @!p1 $0xFFFF3800  }
.LBB2_1:
0x22: {  	p1 =	sge.u32 s12, s8  }
0x23: {  	s14 =	sxor.u32 @!p1 $0xFFFFFFFF, s12  }
0x24: {  	s14 =	sand.u32 @!p1 $0x1, s14  }
0x25: {  	s14 =	smul.u32 @!p1 $0x640, s14  }
0x26: {  	s31 =	sadd.s32 $0xFFFFFFFF, s12;
	s15 =	sshrl.u32 @!p1 s11, $0x3  }
0x27: {  	s16 =	sand.u32 @!p1 $0x7, s11;
	s15 =	sadd.s32 @!p1 s5, s15;
	s14 =	sshrl.u32 @!p1 s14, $0x2  }
0x28: {  	[tilespmem:s14], [sflag:$0x2] =	stream.linear.gather @!p1 [hbm4b:s15+s16], $0x190, $0x38;
	[tilespmem:$0x19320] =	vst v63  }
0x29: {  	p1 =	sge.u32 s31, s8  }
.Ltmp2:
0x2a: {  	_ = 	snop;
	(pc) =	sbr.rel @p1 .LBB2_7-.Ltmp2, $1  }
0x2b: {  	_ =	sdelay $0x3  }
0x2c: {  	s14 =	simm.s32 $0x1  }
0x2d: {  	s14 =	simm.s32 @!p0 $0x0  }
0x2e: {  	s15 =	smul.u32 $0x640, s14  }
0x2f: {  	_ =	swait.ge [sflag:s7], $0x190  }
0x30: {  	[sflag:s7] =	ssyncset.done $0x0;
	s16 =	sshrl.u32 s15, $0x2  }
0x31: {  	[sflag:s7] =	ssyncadd.s32 $0xFFFFFE70;
	s15 =	sadd.s32 $0x0, s16  }
0x32: {  	v0 =	vld.msk [tilespmem:s15+$0x0 ss:$0x1], $0xffff;
	_ =	sdelay $0x4  }
0x33: {  	v1 =	vand.u32 $0x3, v0;
	v2 =	vshll.u32 v0, $0x5  }
0x34: {  	vm2 =	veq.s32 v0, $0x80000000;
	v0 =	vmul.u32 $0xA0000, v1;
	v1 =	vand.u32 $0xFFF80, v2  }
0x35: {  	v1 =	vsel vm2, $0xFFFFFF80, v1  }
0x36: {  	v0 =	vsel vm2, $0xFFF60000, v0;
	v2 =	vand.u32 $0xFFFFFC00, v1  }
0x37: {  	v1 =	vand.u32 $0x380, v1;
	v0 =	vadd.s32 v0, v2  }
0x38: {  	v0 =	vor.u32 v1, v0  }
0x39: {  	v0 =	vshrl.u32 v0, $0x3  }
0x3a: {  	s14 =	smul.u32 $0x32000, s14;
	_ =	sdelay $0x1  }
0x3b: {  	s14 =	sshrl.u32 s14, $0x2  }
0x3c: {  	s14 =	sor.u32 $0x320, s14  }
0x3d: {  	[tilespmem:s14], [sflag:$0x1] =	stream.indirect_vreg.gather [hbm:s4], $0x80, v0, vm0, $0x38;
	[tilespmem:$0x19320] =	vst v63  }
0x3e: {  	s17 =	sadd.s32 $0x10, s16;
	s15 =	sadd.s32 $0x400, s14  }
0x3f: {  	[tilespmem:s15], [sflag:$0x1] =	stream.indirect_vreg.gather [hbm:s4], $0x80, v0, vm1, $0x38;
	[tilespmem:$0x19320] =	vst v63  }
0x40: {  	s18 =	simm.s32 $0x80;
	v0 =	vld.msk [tilespmem:s17+$0x0 ss:$0x1], $0xffff;
	s17 =	smov.u32 s14  }
.LBB2_3:
0x41: {  	p1 =	sne.s32 s18, $0x600;
	_ =	sdelay $0x4  }
0x42: {  	v1 =	vand.u32 $0x3, v0;
	v2 =	vshll.u32 v0, $0x5  }
0x43: {  	vm2 =	veq.s32 v0, $0x80000000;
	v0 =	vmul.u32 $0xA0000, v1;
	v1 =	vand.u32 $0xFFF80, v2  }
0x44: {  	v1 =	vsel vm2, $0xFFFFFF80, v1  }
0x45: {  	v0 =	vsel vm2, $0xFFF60000, v0;
	v2 =	vand.u32 $0xFFFFFC00, v1  }
0x46: {  	v1 =	vand.u32 $0x380, v1;
	v0 =	vadd.s32 v0, v2  }
0x47: {  	v0 =	vor.u32 v1, v0  }
0x48: {  	v0 =	vshrl.u32 v0, $0x3;
	_ =	sdelay $0x3  }
.Ltmp3:
0x49: {  	s19 =	sshra.s32 s18, $0x2;
	s17 =	sadd.s32 $0x800, s17;
	(pc) =	sbr.rel @p1 .LBB2_3-.Ltmp3, $4  }
0x4a: {  	[tilespmem:s17], [sflag:$0x1] =	stream.indirect_vreg.gather [hbm:s4], $0x80, v0, vm0, $0x38;
	[tilespmem:$0x19320] =	vst v63  }
0x4b: {  	s19 =	sadd.s32 s19, s16;
	s20 =	sadd.s32 $0x400, s17  }
0x4c: {  	[tilespmem:s20], [sflag:$0x1] =	stream.indirect_vreg.gather [hbm:s4], $0x80, v0, vm1, $0x38;
	[tilespmem:$0x19320] =	vst v63  }
0x4d: {  	s18 =	sadd.s32 $0x40, s18;
	v0 =	vld.msk [tilespmem:s19+$0x0 ss:$0x1], $0xffff  }
0x4e: {  	_ =	sdelay $0x3  }
0x4f: {  	v1 =	vand.u32 $0x3, v0;
	v2 =	vshll.u32 v0, $0x5  }
0x50: {  	vm2 =	veq.s32 v0, $0x80000000;
	v61 =	vmul.u32 $0xA0000, v1;
	v62 =	vand.u32 $0xFFF80, v2  }
0x51: {  	v1 =	vsel vm2, $0xFFFFFF80, v62  }
0x52: {  	v0 =	vsel vm2, $0xFFF60000, v61;
	v63 =	vand.u32 $0xFFFFFC00, v1  }
0x53: {  	v1 =	vand.u32 $0x380, v1;
	v0 =	vadd.s32 v0, v63  }
0x54: {  	v0 =	vor.u32 v1, v0  }
0x55: {  	v0 =	vshrl.u32 v0, $0x3;
	_ =	sdelay $0x3  }
0x56: {  	s16 =	sadd.s32 $0x800, s17  }
0x57: {  	[tilespmem:s16], [sflag:$0x1] =	stream.indirect_vreg.gather [hbm:s4], $0x80, v0, vm0, $0x38;
	[tilespmem:$0x19320] =	vst v63  }
0x58: {  	s16 =	sadd.s32 $0x400, s16  }
0x59: {  	[tilespmem:s16], [sflag:$0x1] =	stream.indirect_vreg.gather [hbm:s4], $0x80, v0, vm1, $0x38;
	[tilespmem:$0x19320] =	vst v63  }
0x5a: {  	s13 =	sshll.u32 s13, $0x4;
	_ =	swait.ge [sflag:s6], $0xC800  }
0x5b: {  	s13 =	sadd.s32 s13, s9;
	[sflag:s6] =	ssyncset.done $0x0  }
0x5c: {  	s17 =	sadd.s32 $0x0, s13;
	s16 =	simm.s32 $0x80;
	[sflag:s6] =	ssyncadd.s32 $0xFFFF3800  }
.LBB2_5:
0x5d: {  	[hbm:s17] =	stream.linear.scatter [tilespmem:s14], [sflag:$0x3], $0x400, $0x38;
	[tilespmem:$0x19320] =	vst v63  }
0x5e: {  	s17 =	smov.u32 s16;
	s14 =	smov.u32 s15;
	p1 =	sne.s32 s16, $0x1880  }
.Ltmp4:
0x5f: {  	s16 =	sadd.s32 $0x80, s16;
	(pc) =	sbr.rel @p1 .LBB2_5-.Ltmp4, $2  }
0x60: {  	_ =	sdelay $0x2  }
0x61: {  	s15 =	sadd.s32 $0x400, s15;
	s17 =	sadd.s32 s17, s13  }
.Ltmp5:
0x62: {  	_ = 	snop;
	(pc) =	sbr.rel .LBB2_6-.Ltmp5, $1  }
0x63: {  	_ =	sdelay $0x3  }
.LBB2_8:
0x64: {  	_ =	sfence.sel $0x180000  }
0x65: {  	s1 =	simm.s32 $0x2;
	[bflag:$0x0] =	sbarrier.arrive $0xFFFF  }
0x66: {  	s30 =	simm.s32 $0x3;
	[sflag:s1] =	ssyncpa.u1 $0x1  }
0x67: {  	s31 =	simm.s32 $0x1;
	[sflag:s30] =	ssyncpa.u1 $0x1  }
0x68: {  	[sflag:s31] =	ssyncpa.u1 $0x1  }
0x69: {  	p0 =	sne.s32 s0, $0x0;
	_ =	strace $0x90000050  }
0x6a: {  	s0 =	sadd.s32 @!p0 $0x100000, s2;
	[bflag:$0x2] =	sbarrier.arrive $0xFFFF  }
0x6b: {  	[sflag:s0] =	ssyncadd.tile.s32 @!p0 $0x1;
	_ =	shalt  }
.Lfunc_end2:
_tile_overlayer_lowered:
.L_overlay_start_2:
0x6c: {  	(tag) =	ssettag $0x2  }
0x6d: {  	s0 =	rddreg [dreg:$0x0];
	s2 =	stileid.u32  }
0x6e: {  	s1 =	rddreg [dreg:$0x1];
	p0 =	sne.s32 s2, $0x0  }
0x6f: {  	s3 =	rddreg [dreg:$0x2];
	[bflag:$0x3] =	sbarrier.arrive $0xFFFF;
	s2 =	simm.s32 @!p0 $0x1C01  }
0x70: {  	[timem:s3], [sflag:s2] =	dma.local @!p0 [hbm:s0], s1  }
0x71: {  	s0 =	simm.s32 @!p0 $0x1  }
0x72: {  	_ =	swait.ge @!p0 [sflag:s0], s1  }
0x73: {  	s1 =	ssub.s32 @!p0 $0x0, s1;
	[sflag:s0] =	ssyncset.done @!p0 $0x0  }
0x74: {  	[sflag:s0] =	ssyncadd.s32 @!p0 s1  }
0x75: {  	[bflag:$0x3] =	sbarrier.arrive $0xFFFF  }
0x76: {  	_ =	shalt  }

// kernel: gather_offload_async_start.2
scs
__scs_entry_jumppad:
0x0: {  	(pc) =	sbr.rel $0x88, $3  }
0x1: {  	(tag) =	ssettag $0x0;
	lr =	simm.s32 $0x1  }
0x2: {  	[smem:$0x3F9E] =	sst lr;
	_ =	strace $0xD0000000  }
0x3: {  	_ = 	snop  }
0x4: {  	_ = 	snop  }
0x5: {  	_ = 	snop  }
0x6: {  	_ = 	snop  }
0x7: {  	_ = 	snop  }
__scs_overlays_trampoline_lowered:
0x8: {  	[smem:$0x3FAD] =	sst s0  }
0x9: {  	[smem:$0x3FAE] =	sst s1  }
0xa: {  	[smem:$0x3FAF] =	sst s2  }
0xb: {  	[smem:$0x3FB0] =	sst s3  }
0xc: {  	[smem:$0x3FB1] =	sst s4  }
0xd: {  	[smem:$0x3FB2] =	sst s5  }
0xe: {  	[smem:$0x3FB3] =	sst s6  }
0xf: {  	[smem:$0x3FB4] =	sst s7  }
0x10: {  	[smem:$0x3FB5] =	sst s8  }
0x11: {  	[smem:$0x3FB6] =	sst s9;
	s0 =	simm.s32 @!p0 $0x0  }
0x12: {  	s1 =	sld [smem:$0x3F9C];
	s0 =	simm.s32 @p0 $0x1  }
0x13: {  	[smem:$0x3FB7] =	sst s0;
	s0 =	simm.s32 @!p1 $0x0  }
0x14: {  	s2 =	sld [smem:$0x3F9B];
	s0 =	simm.s32 @p1 $0x1  }
0x15: {  	[smem:$0x3FB8] =	sst s0;
	s0 =	simm.s32 @!p2 $0x0  }
0x16: {  	s3 =	sld [smem:$0x3FDB];
	s0 =	simm.s32 @p2 $0x1  }
0x17: {  	s4 =	simm.s32 $0x1BF5;
	[smem:$0x3FBA] =	sst s0  }
0x18: {  	s0 =	sld [smem:$0x3F9D];
	_ =	swait.ge [sflag:s4], $0x0  }
0x19: {  	s7 =	sld [smem:$0x3F9E]  }
0x1a: {  	s8 =	sadd.s32 $0xFFFFE003, lr  }
0x1b: {  	s9 =	sadd.s32 $0xFFFFFEF7, lr;
	s5 =	simm.s32 $0xFFFFFFFF;
	p2 =	slt.u32 s8, $0xFFFFF086  }
0x1c: {  	p1 =	slt.u32 s9, $0xF7A;
	s5 =	simm.s32 @!p2 $0x0  }
0x1d: {  	s5 =	simm.s32 @p1 $0x1;
	p0 =	seq.s32 s7, s2  }
0x1e: {  	s7 =	smul.u32 @!p0 $0xF7A, s2;
	p2 =	seq.s32 @!p0 s5, $0x0  }
0x1f: {  	s9 =	smul.u32 $0xF7A, s1;
	s8 =	simm.s32 @!p0 $0x1BF5;
	p2 =	por !p2, p0  }
0x20: {  	[sflag:s8] =	ssyncset.s32 @!p0 $0xFFFFF086;
	s6 =	sadd.s32 @!p0 s3, s7;
	s7 =	simm.s32 @!p0 $0x108  }
0x21: {  	s3 =	sadd.s32 s3, s9;
	s6 =	sadd.s32 @!p0 $0x88, s6;
	s7 =	simm.s32 @p2 $0x1082  }
0x22: {  	[simem:s7], [sflag:s8] =	dma.local @!p0 [hbm:s6], $0xF7A  }
0x23: {  	s9 =	sor.u32 $0xD0000000, s2;
	s6 =	simm.s32 $0x108;
	_ =	swait.ge @!p0 [sflag:s8], $0x0  }
0x24: {  	s3 =	sadd.s32 $0x88, s3;
	s6 =	simm.s32 @!p1 $0x1082;
	[sflag:s4] =	ssyncset.s32 $0xFFFFF086  }
0x25: {  	[simem:s6], [sflag:s4] =	dma.local [hbm:s3], $0xF7A  }
0x26: {  	[smem:$0x3F9E] =	sst s1;
	(tag) =	ssettag s2;
	_ =	strace s9  }
0x27: {  	s1 =	sld [smem:$0x3FAE]  }
0x28: {  	s2 =	sld [smem:$0x3FAF]  }
0x29: {  	s4 =	sld [smem:$0x3FB1]  }
0x2a: {  	p0 =	seq.s32 s5, $0x0;
	s5 =	sld [smem:$0x3FB2]  }
0x2b: {  	s6 =	sld [smem:$0x3FB3]  }
0x2c: {  	s7 =	sld [smem:$0x3FB4]  }
0x2d: {  	s3 =	simm.s32 $0x108;
	s8 =	sld [smem:$0x3FB5]  }
0x2e: {  	s3 =	simm.s32 @!p0 $0x1082;
	s9 =	sld [smem:$0x3FB6]  }
0x2f: {  	lr =	sadd.s32 s0, s3;
	s0 =	sld [smem:$0x3FAD]  }
0x30: {  	s3 =	sld [smem:$0x3FB0]  }
0x31: {  	[smem:$0x3FB9] =	sst s10  }
0x32: {  	s10 =	sld [smem:$0x3FB7];
	_ =	sdelay $0x3  }
0x33: {  	p0 =	seq.s32 s10, $0x1;
	s10 =	sld [smem:$0x3FB9];
	_ =	sdelay $0x3  }
0x34: {  	[smem:$0x3FB9] =	sst s10  }
0x35: {  	s10 =	sld [smem:$0x3FB8];
	_ =	sdelay $0x3  }
0x36: {  	p1 =	seq.s32 s10, $0x1;
	s10 =	sld [smem:$0x3FB9];
	_ =	sdelay $0x3  }
0x37: {  	[smem:$0x3FB9] =	sst s10  }
0x38: {  	s10 =	sld [smem:$0x3FBA]  }
0x39: {  	_ = 	snop;
	(pc) =	sbr.ind lr, $3  }
0x3a: {  	_ = 	snop  }
0x3b: {  	_ = 	snop  }
0x3c: {  	p2 =	seq.s32 s10, $0x1;
	s10 =	sld [smem:$0x3FB9]  }
0x3d: {  	_ =	shalt  }
0x3e: {  	_ =	shalt  }
0x3f: {  	_ =	shalt  }
0x40: {  	_ =	shalt  }
0x41: {  	_ =	shalt  }
0x42: {  	_ =	shalt  }
0x43: {  	_ =	shalt  }
0x44: {  	_ =	shalt  }
0x45: {  	_ =	shalt  }
0x46: {  	_ =	shalt  }
0x47: {  	_ =	shalt  }
0x48: {  	_ =	shalt  }
0x49: {  	_ =	shalt  }
0x4a: {  	_ =	shalt  }
0x4b: {  	_ =	shalt  }
0x4c: {  	_ =	shalt  }
0x4d: {  	_ =	shalt  }
0x4e: {  	_ =	shalt  }
0x4f: {  	_ =	shalt  }
0x50: {  	_ =	shalt  }
0x51: {  	_ =	shalt  }
0x52: {  	_ =	shalt  }
0x53: {  	_ =	shalt  }
0x54: {  	_ =	shalt  }
0x55: {  	_ =	shalt  }
0x56: {  	_ =	shalt  }
0x57: {  	_ =	shalt  }
0x58: {  	_ =	shalt  }
0x59: {  	_ =	shalt  }
0x5a: {  	_ =	shalt  }
0x5b: {  	_ =	shalt  }
0x5c: {  	_ =	shalt  }
0x5d: {  	_ =	shalt  }
0x5e: {  	_ =	shalt  }
0x5f: {  	_ =	shalt  }
0x60: {  	_ =	shalt  }
0x61: {  	_ =	shalt  }
0x62: {  	_ =	shalt  }
0x63: {  	_ =	shalt  }
0x64: {  	_ =	shalt  }
0x65: {  	_ =	shalt  }
0x66: {  	_ =	shalt  }
0x67: {  	_ =	shalt  }
0x68: {  	_ =	shalt  }
0x69: {  	_ =	shalt  }
0x6a: {  	_ =	shalt  }
0x6b: {  	_ =	shalt  }
0x6c: {  	_ =	shalt  }
0x6d: {  	_ =	shalt  }
0x6e: {  	_ =	shalt  }
0x6f: {  	_ =	shalt  }
0x70: {  	_ =	shalt  }
0x71: {  	_ =	shalt  }
0x72: {  	_ =	shalt  }
0x73: {  	_ =	shalt  }
0x74: {  	_ =	shalt  }
0x75: {  	_ =	shalt  }
0x76: {  	_ =	shalt  }
0x77: {  	_ =	shalt  }
0x78: {  	_ =	shalt  }
0x79: {  	_ =	shalt  }
0x7a: {  	_ =	shalt  }
0x7b: {  	_ =	shalt  }
0x7c: {  	_ =	shalt  }
0x7d: {  	_ =	shalt  }
0x7e: {  	_ =	shalt  }
0x7f: {  	_ =	shalt  }
0x80: {  	_ =	shalt  }
0x81: {  	_ =	shalt  }
0x82: {  	_ =	shalt  }
0x83: {  	_ =	shalt  }
0x84: {  	_ =	shalt  }
0x85: {  	_ =	shalt  }
0x86: {  	_ =	shalt  }
0x87: {  	_ =	shalt  }
.Lfunc_end0:
.L_simem_size_0:
called_computation.2_lowered:
.L_overlay_start_0:
0x88: {  	s2 =	sld [smem:$0x3FD9]  }
0x89: {  	s3 =	sld [smem:$0x3FFE];
	_ =	sdelay $0x1  }
0x8a: {  	s1 =	srdreg.scid  }
0x8b: {  	s0 =	sand.u32 $0x1, s1  }
0x8c: {  	s17 =	sshll.u32 s0, $0xA;
	s2 =	sadd.s32 s3, s2  }
0x8d: {  	s2 =	sadd.s32 s2, s17  }
0x8e: {  	[smem:$0x3FC5] =	sst s2  }
0x8f: {  	_ = 	snop  }
0x90: {  	s2 =	sld [smem:$0x3FD0];
	(tm) =	ssettm $0x1  }
0x91: {  	s18 =	sld [smem:$0x3FFB];
	_ =	sdelay $0x3  }
0x92: {  	_ =	strace s18  }
0x93: {  	s3 =	sld [smem:$0x3FFC];
	_ =	sdelay $0x3  }
0x94: {  	_ =	strace s3  }
0x95: {  	s3 =	sld [smem:$0x3FFD];
	_ =	sdelay $0x3  }
0x96: {  	_ =	strace s3  }
0x97: {  	_ =	strace $0x8FFFFFFF  }
0x98: {  	s19 =	sld [smem:$0x3FDB];
	_ =	sdelay $0x1  }
0x99: {  	s4 =	simm.s32 $_scs_section_size  }
0x9a: {  	s5 =	simm.s32 $_size__tile_overlayer_lowered;
	s6 =	simm.s32 $_tile_overlayer_lowered  }
0x9b: {  	s22 =	simm.s32 $0x1BFF;
	s21 =	sshll.u32 s6, $0x1;
	s3 =	sadd.s32 s4, s19  }
0x9c: {  	s7 =	simm.s32 $0x0;
	s20 =	sshll.u32 s5, $0x1;
	s5 =	sadd.s32 s21, s3  }
0x9d: {  	[timem:s7], [sflag:s22] =	dma.local [hbm:s5], s20  }
0x9e: {  	_ =	swait.ge [sflag:s22], s20  }
0x9f: {  	s4 =	ssub.s32 $0x0, s20;
	[sflag:s22] =	ssyncset.done $0x0  }
0xa0: {  	[sflag:s22] =	ssyncadd.s32 s4;
	_ =	sdelay $0x1  }
0xa1: {  	s23 =	simm.s32 $0x1B8B  }
0xa2: {  	_ =	swait.ge [sflag:s23], $0x1  }
0xa3: {  	[sflag:s23] =	ssyncset.done $0x0  }
0xa4: {  	s25 =	simm.s32 $0x1B8E;
	s24 =	sld [smem:$0x3FFE];
	[sflag:s23] =	ssyncadd.s32 $0xFFFFFFFF  }
0xa5: {  	s26 =	simm.s32 $execute0_lowered;
	[smem:$0x3FD2] =	sst s25  }
0xa6: {  	s5 =	sshll.u32 s26, $0x1;
	_ =	strace $0x80000046;
	[dreg:$0x1] =	wrdreg $0xFFFFFFFF  }
0xa7: {  	s28 =	simm.s32 $_size_execute0_lowered;
	s3 =	sadd.s32 s3, s5;
	[dreg:$0x0] =	wrdreg $0x0  }
0xa8: {  	s5 =	sshll.u32 s28, $0x1;
	[dreg:$0x2] =	wrdreg s3  }
0xa9: {  	[dreg:$0x3] =	wrdreg s5  }
0xaa: {  	[dreg:$0x4] =	wrdreg $0xC0  }
0xab: {  	_ =	task [dreg:s7], $0x5FFFF  }
0xac: {  	[dreg:$0x1] =	wrdreg $0xFFFFFFFF  }
0xad: {  	[dreg:$0x0] =	wrdreg $0x60  }
0xae: {  	[dreg:$0x2] =	wrdreg s24  }
0xaf: {  	[dreg:$0x3] =	wrdreg s2  }
0xb0: {  	[dreg:$0x4] =	wrdreg $0x9  }
0xb1: {  	_ =	task.clear_ibuf [dreg:s7], $0x5FFFF;
	_ =	strace $0x90000046  }
0xb2: {  	s29 =	simm.s32 $0x9;
	_ =	strace $0x80000048  }
0xb3: {  	_ =	swait.ge [sflag:s29], $0x1  }
0xb4: {  	[sflag:s29] =	ssyncadd.s32 $0xFFFFFFFF  }
0xb5: {  	_ =	strace $0x90000048  }
0xb6: {  	_ =	sfence  }
0xb7: {  	s30 =	sld [smem:$0x0];
	_ =	sdelay $0x2  }
0xb8: {  	s31 =	sshll.u32 s1, $0xD;
	s1 =	sshrl.u32 s1, $0x2  }
0xb9: {  	s3 =	sand.u32 $0x4000, s31;
	s1 =	sadd.s32 s1, s30  }
0xba: {  	s0 =	sor.u32 s3, s0;
	s1 =	sshll.u32 s1, $0x11  }
0xbb: {  	s0 =	sor.u32 s1, s0  }
0xbc: {  	s0 =	sadd.s32 $0x8F2B, s0  }
0xbd: {  	[sflag:s0] =	ssyncadd.remote.s32 $0x1  }
0xbe: {  	_ =	sfence.sel $0xFFFF  }
0xbf: {  	[dreg:$0x0] =	wrdreg $0xFFFFFFFF;
	(pc) =	sbr.abs _section_cstart, $3  }
0xc0: {  	[dreg:$0x1] =	wrdreg $0xFFFFFFFF  }
0xc1: {  	_ =	task.clear_ibuf [dreg:s7], $0x2FFFF;
	_ =	strace $0x9FFFFFFF  }
0xc2: {  	(tm) =	ssettm $0x7FFFFFFF  }
0xc3: {  	_ =	shalt  }
tec
execute0_lowered:
.L_overlay_start_1:
0x0: {  	(tag) =	ssettag $0x1  }
0x1: {  	s0 =	srdreg.scid  }
0x2: {  	s1 =	sshll.u32 s0, $0x4  }
0x3: {  	s0 =	stileid.u32;
	s1 =	sand.u32 $0x10, s1  }
0x4: {  	s2 =	sor.u32 s0, s1  }
0x5: {  	s3 =	smin.u32 s2, $0x10  }
0x6: {  	s1 =	sshll.u32 s1, $0x4;
	s2 =	sshll.u32 s2, $0x9;
	s3 =	sshll.u32 s3, $0x8  }
0x7: {  	s9 =	rddreg [dreg:$0x0];
	s1 =	sxor.u32 $0x300, s1;
	s2 =	sadd.s32 s2, s3  }
0x8: {  	s6 =	simm.s32 $0x1;
	s7 =	simm.s32 $0x2;
	s1 =	sadd.s32 s1, s2  }
0x9: {  	s10 =	simm.s32 $0x3;
	s13 =	simm.s32 $0x0;
	s4 =	smin.u32 s1, $0x5000  }
0xa: {  	s12 =	simm.s32 $0x0;
	s5 =	sadd.s32 $0x3800, s9;
	s8 =	ssub.s32 s4, s2  }
.Ltmp0:
0xb: {  	s3 =	rddreg [dreg:$0x1];
	p0 =	sgt.s32 s8, $0x0;
	(pc) =	sbr.rel .LBB2_1-.Ltmp0, $4  }
0xc: {  	s1 =	rddreg [dreg:$0x2];
	_ =	strace $0x80000047;
	s8 =	simm.s32 @!p0 $0x0  }
0xd: {  	s9 =	sadd.s32 $0x54200, s9;
	[sflag:s6] =	ssyncpa.u1 $0x0;
	s8 =	sadd.s32 $0xFF, s8  }
0xe: {  	s11 =	smov.u32 s2;
	[sflag:s7] =	ssyncpa.u1 $0x0;
	s8 =	sshrl.u32 s8, $0x8  }
0xf: {  	vm0 =	vmmov $0xff;
	vm1 =	vcmask $0x3F20;
	[sflag:s10] =	ssyncpa.u1 $0x0;
	p0 =	por $0x0, $0x0;
	s10 =	sadd.s32 $0x1, s8  }
.LBB2_6:
0x10: {  	[hbm:s17] =	stream.linear.scatter [tilespmem:s14], [sflag:$0x3], $0x400, $0x38;
	[tilespmem:$0x10200] =	vst v63  }
.LBB2_7:
0x11: {  	s13 =	sadd.s32 $0x100, s11  }
0x12: {  	s15 =	smov.u32 s2;
	p2 =	slt.s32 s13, s4  }
0x13: {  	s15 =	smov.u32 @p2 s13;
	p2 =	sne.s32 s12, s10  }
.Ltmp1:
0x14: {  	p1 =	slt.u32 s12, $0x2;
	(pc) =	sbr.rel @!p2 .LBB2_8-.Ltmp1, $4  }
0x15: {  	s14 =	simm.s32 @!p1 $0x3  }
0x16: {  	s16 =	sadd.s32 $0x1, s12;
	_ =	swait.ge @!p1 [sflag:s14], $0x8000  }
0x17: {  	p0 =	por !p0, !p0;
	s13 =	smov.u32 s11;
	[sflag:s14] =	ssyncset.done @!p1 $0x0  }
0x18: {  	s12 =	smov.u32 s16;
	s11 =	smov.u32 s15;
	[sflag:s14] =	ssyncadd.s32 @!p1 $0xFFFF8000  }
.LBB2_1:
0x19: {  	p1 =	sge.u32 s12, s8  }
0x1a: {  	s14 =	sxor.u32 @!p1 $0xFFFFFFFF, s12  }
0x1b: {  	s31 =	sadd.s32 $0xFFFFFFFF, s12;
	s15 =	sshrl.u32 @!p1 s11, $0x3;
	s14 =	sshll.u32 @!p1 s14, $0x8  }
0x1c: {  	s16 =	sand.u32 @!p1 $0x7, s11;
	s15 =	sadd.s32 @!p1 s3, s15;
	s14 =	sand.u32 @!p1 $0x100, s14  }
0x1d: {  	[tilespmem:s14], [sflag:$0x2] =	stream.linear.gather @!p1 [hbm4b:s15+s16], $0x100, $0x38;
	[tilespmem:$0x10200] =	vst v63  }
0x1e: {  	p1 =	sge.u32 s31, s8  }
.Ltmp2:
0x1f: {  	_ = 	snop;
	(pc) =	sbr.rel @p1 .LBB2_7-.Ltmp2, $1  }
0x20: {  	_ =	sdelay $0x3  }
0x21: {  	s14 =	simm.s32 $0x1  }
0x22: {  	_ =	swait.ge [sflag:s7], $0x100;
	s14 =	simm.s32 @!p0 $0x0  }
0x23: {  	[sflag:s7] =	ssyncset.done $0x0;
	s16 =	sshll.u32 s14, $0x8  }
0x24: {  	[sflag:s7] =	ssyncadd.s32 $0xFFFFFF00;
	s15 =	sadd.s32 $0x0, s16  }
0x25: {  	v0 =	vld.msk [tilespmem:s15+$0x0 ss:$0x1], $0xffff;
	_ =	sdelay $0x4  }
0x26: {  	v1 =	vand.u32 $0x3, v0;
	v2 =	vshll.u32 v0, $0x5  }
0x27: {  	vm2 =	veq.s32 v0, $0x80000000;
	v0 =	vmul.u32 $0xA0000, v1;
	v1 =	vand.u32 $0xFFF80, v2  }
0x28: {  	v1 =	vsel vm2, $0xFFFFFF80, v1  }
0x29: {  	v0 =	vsel vm2, $0xFFF60000, v0;
	v2 =	vand.u32 $0xFFFFFC00, v1  }
0x2a: {  	v1 =	vand.u32 $0x380, v1;
	v0 =	vadd.s32 v0, v2  }
0x2b: {  	v0 =	vor.u32 v1, v0  }
0x2c: {  	v0 =	vshrl.u32 v0, $0x3;
	_ =	sdelay $0x2  }
0x2d: {  	s14 =	sshll.u32 s14, $0xF  }
0x2e: {  	s14 =	sor.u32 $0x200, s14  }
0x2f: {  	[tilespmem:s14], [sflag:$0x1] =	stream.indirect_vreg.gather [hbm:s5], $0x80, v0, vm0, $0x38;
	[tilespmem:$0x10200] =	vst v63  }
0x30: {  	s17 =	sadd.s32 $0x10, s16;
	s15 =	sadd.s32 $0x400, s14  }
0x31: {  	[tilespmem:s15], [sflag:$0x1] =	stream.indirect_vreg.gather [hbm:s5], $0x80, v0, vm1, $0x38;
	[tilespmem:$0x10200] =	vst v63  }
0x32: {  	s18 =	simm.s32 $0x80;
	v0 =	vld.msk [tilespmem:s17+$0x0 ss:$0x1], $0xffff;
	s17 =	smov.u32 s14  }
.LBB2_3:
0x33: {  	p1 =	sne.s32 s18, $0x3C0;
	_ =	sdelay $0x4  }
0x34: {  	v1 =	vand.u32 $0x3, v0;
	v2 =	vshll.u32 v0, $0x5  }
0x35: {  	vm2 =	veq.s32 v0, $0x80000000;
	v0 =	vmul.u32 $0xA0000, v1;
	v1 =	vand.u32 $0xFFF80, v2  }
0x36: {  	v1 =	vsel vm2, $0xFFFFFF80, v1  }
0x37: {  	v0 =	vsel vm2, $0xFFF60000, v0;
	v2 =	vand.u32 $0xFFFFFC00, v1  }
0x38: {  	v1 =	vand.u32 $0x380, v1;
	v0 =	vadd.s32 v0, v2  }
0x39: {  	v0 =	vor.u32 v1, v0  }
0x3a: {  	v0 =	vshrl.u32 v0, $0x3;
	_ =	sdelay $0x3  }
.Ltmp3:
0x3b: {  	s19 =	sshra.s32 s18, $0x2;
	s17 =	sadd.s32 $0x800, s17;
	(pc) =	sbr.rel @p1 .LBB2_3-.Ltmp3, $4  }
0x3c: {  	[tilespmem:s17], [sflag:$0x1] =	stream.indirect_vreg.gather [hbm:s5], $0x80, v0, vm0, $0x38;
	[tilespmem:$0x10200] =	vst v63  }
0x3d: {  	s19 =	sadd.s32 s19, s16;
	s20 =	sadd.s32 $0x400, s17  }
0x3e: {  	[tilespmem:s20], [sflag:$0x1] =	stream.indirect_vreg.gather [hbm:s5], $0x80, v0, vm1, $0x38;
	[tilespmem:$0x10200] =	vst v63  }
0x3f: {  	s18 =	sadd.s32 $0x40, s18;
	v0 =	vld.msk [tilespmem:s19+$0x0 ss:$0x1], $0xffff  }
0x40: {  	_ =	sdelay $0x3  }
0x41: {  	v1 =	vand.u32 $0x3, v0;
	v2 =	vshll.u32 v0, $0x5  }
0x42: {  	vm2 =	veq.s32 v0, $0x80000000;
	v61 =	vmul.u32 $0xA0000, v1;
	v62 =	vand.u32 $0xFFF80, v2  }
0x43: {  	v1 =	vsel vm2, $0xFFFFFF80, v62  }
0x44: {  	v0 =	vsel vm2, $0xFFF60000, v61;
	v63 =	vand.u32 $0xFFFFFC00, v1  }
0x45: {  	v1 =	vand.u32 $0x380, v1;
	v0 =	vadd.s32 v0, v63  }
0x46: {  	v0 =	vor.u32 v1, v0  }
0x47: {  	v0 =	vshrl.u32 v0, $0x3;
	_ =	sdelay $0x3  }
0x48: {  	s16 =	sadd.s32 $0x800, s17  }
0x49: {  	[tilespmem:s16], [sflag:$0x1] =	stream.indirect_vreg.gather [hbm:s5], $0x80, v0, vm0, $0x38;
	[tilespmem:$0x10200] =	vst v63  }
0x4a: {  	s16 =	sadd.s32 $0x400, s16  }
0x4b: {  	[tilespmem:s16], [sflag:$0x1] =	stream.indirect_vreg.gather [hbm:s5], $0x80, v0, vm1, $0x38;
	[tilespmem:$0x10200] =	vst v63  }
0x4c: {  	s13 =	sshll.u32 s13, $0x4;
	_ =	swait.ge [sflag:s6], $0x8000  }
0x4d: {  	s13 =	sadd.s32 s13, s9;
	[sflag:s6] =	ssyncset.done $0x0  }
0x4e: {  	s17 =	sadd.s32 $0x0, s13;
	s16 =	simm.s32 $0x80;
	[sflag:s6] =	ssyncadd.s32 $0xFFFF8000  }
.LBB2_5:
0x4f: {  	[hbm:s17] =	stream.linear.scatter [tilespmem:s14], [sflag:$0x3], $0x400, $0x38;
	[tilespmem:$0x10200] =	vst v63  }
0x50: {  	s17 =	smov.u32 s16;
	s14 =	smov.u32 s15;
	p1 =	sne.s32 s16, $0xF80  }
.Ltmp4:
0x51: {  	s16 =	sadd.s32 $0x80, s16;
	(pc) =	sbr.rel @p1 .LBB2_5-.Ltmp4, $2  }
0x52: {  	_ =	sdelay $0x2  }
0x53: {  	s15 =	sadd.s32 $0x400, s15;
	s17 =	sadd.s32 s17, s13  }
.Ltmp5:
0x54: {  	_ = 	snop;
	(pc) =	sbr.rel .LBB2_6-.Ltmp5, $1  }
0x55: {  	_ =	sdelay $0x3  }
.LBB2_8:
0x56: {  	_ =	sfence.sel $0x180000  }
0x57: {  	s2 =	simm.s32 $0x2;
	[bflag:$0x0] =	sbarrier.arrive $0xFFFF  }
0x58: {  	s30 =	simm.s32 $0x3;
	[sflag:s2] =	ssyncpa.u1 $0x1  }
0x59: {  	s31 =	simm.s32 $0x1;
	[sflag:s30] =	ssyncpa.u1 $0x1  }
0x5a: {  	[sflag:s31] =	ssyncpa.u1 $0x1  }
0x5b: {  	p0 =	sne.s32 s0, $0x0;
	_ =	strace $0x90000047  }
0x5c: {  	s0 =	sadd.s32 @!p0 $0x100000, s1;
	[bflag:$0x2] =	sbarrier.arrive $0xFFFF  }
0x5d: {  	[sflag:s0] =	ssyncadd.tile.s32 @!p0 $0x1;
	_ =	shalt  }
.Lfunc_end2:
_tile_overlayer_lowered:
.L_overlay_start_2:
0x5e: {  	(tag) =	ssettag $0x2  }
0x5f: {  	s0 =	rddreg [dreg:$0x0];
	s2 =	stileid.u32  }
0x60: {  	s1 =	rddreg [dreg:$0x1];
	p0 =	sne.s32 s2, $0x0  }
0x61: {  	s3 =	rddreg [dreg:$0x2];
	[bflag:$0x3] =	sbarrier.arrive $0xFFFF;
	s2 =	simm.s32 @!p0 $0x1C01  }
0x62: {  	[timem:s3], [sflag:s2] =	dma.local @!p0 [hbm:s0], s1  }
0x63: {  	s0 =	simm.s32 @!p0 $0x1  }
0x64: {  	_ =	swait.ge @!p0 [sflag:s0], s1  }
0x65: {  	s1 =	ssub.s32 @!p0 $0x0, s1;
	[sflag:s0] =	ssyncset.done @!p0 $0x0  }
0x66: {  	[sflag:s0] =	ssyncadd.s32 @!p0 s1  }
0x67: {  	[bflag:$0x3] =	sbarrier.arrive $0xFFFF  }
0x68: {  	_ =	shalt  }

// kernel: gather_offload_async_start.3
scs
__scs_entry_jumppad:
0x0: {  	(pc) =	sbr.rel $0x88, $3  }
0x1: {  	(tag) =	ssettag $0x0;
	lr =	simm.s32 $0x1  }
0x2: {  	[smem:$0x3F9E] =	sst lr;
	_ =	strace $0xD0000000  }
0x3: {  	_ = 	snop  }
0x4: {  	_ = 	snop  }
0x5: {  	_ = 	snop  }
0x6: {  	_ = 	snop  }
0x7: {  	_ = 	snop  }
__scs_overlays_trampoline_lowered:
0x8: {  	[smem:$0x3FAD] =	sst s0  }
0x9: {  	[smem:$0x3FAE] =	sst s1  }
0xa: {  	[smem:$0x3FAF] =	sst s2  }
0xb: {  	[smem:$0x3FB0] =	sst s3  }
0xc: {  	[smem:$0x3FB1] =	sst s4  }
0xd: {  	[smem:$0x3FB2] =	sst s5  }
0xe: {  	[smem:$0x3FB3] =	sst s6  }
0xf: {  	[smem:$0x3FB4] =	sst s7  }
0x10: {  	[smem:$0x3FB5] =	sst s8  }
0x11: {  	[smem:$0x3FB6] =	sst s9;
	s0 =	simm.s32 @!p0 $0x0  }
0x12: {  	s1 =	sld [smem:$0x3F9C];
	s0 =	simm.s32 @p0 $0x1  }
0x13: {  	[smem:$0x3FB7] =	sst s0;
	s0 =	simm.s32 @!p1 $0x0  }
0x14: {  	s2 =	sld [smem:$0x3F9B];
	s0 =	simm.s32 @p1 $0x1  }
0x15: {  	[smem:$0x3FB8] =	sst s0;
	s0 =	simm.s32 @!p2 $0x0  }
0x16: {  	s3 =	sld [smem:$0x3FDB];
	s0 =	simm.s32 @p2 $0x1  }
0x17: {  	s4 =	simm.s32 $0x1BF5;
	[smem:$0x3FBA] =	sst s0  }
0x18: {  	s0 =	sld [smem:$0x3F9D];
	_ =	swait.ge [sflag:s4], $0x0  }
0x19: {  	s7 =	sld [smem:$0x3F9E]  }
0x1a: {  	s8 =	sadd.s32 $0xFFFFE003, lr  }
0x1b: {  	s9 =	sadd.s32 $0xFFFFFEF7, lr;
	s5 =	simm.s32 $0xFFFFFFFF;
	p2 =	slt.u32 s8, $0xFFFFF086  }
0x1c: {  	p1 =	slt.u32 s9, $0xF7A;
	s5 =	simm.s32 @!p2 $0x0  }
0x1d: {  	s5 =	simm.s32 @p1 $0x1;
	p0 =	seq.s32 s7, s2  }
0x1e: {  	s7 =	smul.u32 @!p0 $0xF7A, s2;
	p2 =	seq.s32 @!p0 s5, $0x0  }
0x1f: {  	s9 =	smul.u32 $0xF7A, s1;
	s8 =	simm.s32 @!p0 $0x1BF5;
	p2 =	por !p2, p0  }
0x20: {  	[sflag:s8] =	ssyncset.s32 @!p0 $0xFFFFF086;
	s6 =	sadd.s32 @!p0 s3, s7;
	s7 =	simm.s32 @!p0 $0x108  }
0x21: {  	s3 =	sadd.s32 s3, s9;
	s6 =	sadd.s32 @!p0 $0x88, s6;
	s7 =	simm.s32 @p2 $0x1082  }
0x22: {  	[simem:s7], [sflag:s8] =	dma.local @!p0 [hbm:s6], $0xF7A  }
0x23: {  	s9 =	sor.u32 $0xD0000000, s2;
	s6 =	simm.s32 $0x108;
	_ =	swait.ge @!p0 [sflag:s8], $0x0  }
0x24: {  	s3 =	sadd.s32 $0x88, s3;
	s6 =	simm.s32 @!p1 $0x1082;
	[sflag:s4] =	ssyncset.s32 $0xFFFFF086  }
0x25: {  	[simem:s6], [sflag:s4] =	dma.local [hbm:s3], $0xF7A  }
0x26: {  	[smem:$0x3F9E] =	sst s1;
	(tag) =	ssettag s2;
	_ =	strace s9  }
0x27: {  	s1 =	sld [smem:$0x3FAE]  }
0x28: {  	s2 =	sld [smem:$0x3FAF]  }
0x29: {  	s4 =	sld [smem:$0x3FB1]  }
0x2a: {  	p0 =	seq.s32 s5, $0x0;
	s5 =	sld [smem:$0x3FB2]  }
0x2b: {  	s6 =	sld [smem:$0x3FB3]  }
0x2c: {  	s7 =	sld [smem:$0x3FB4]  }
0x2d: {  	s3 =	simm.s32 $0x108;
	s8 =	sld [smem:$0x3FB5]  }
0x2e: {  	s3 =	simm.s32 @!p0 $0x1082;
	s9 =	sld [smem:$0x3FB6]  }
0x2f: {  	lr =	sadd.s32 s0, s3;
	s0 =	sld [smem:$0x3FAD]  }
0x30: {  	s3 =	sld [smem:$0x3FB0]  }
0x31: {  	[smem:$0x3FB9] =	sst s10  }
0x32: {  	s10 =	sld [smem:$0x3FB7];
	_ =	sdelay $0x3  }
0x33: {  	p0 =	seq.s32 s10, $0x1;
	s10 =	sld [smem:$0x3FB9];
	_ =	sdelay $0x3  }
0x34: {  	[smem:$0x3FB9] =	sst s10  }
0x35: {  	s10 =	sld [smem:$0x3FB8];
	_ =	sdelay $0x3  }
0x36: {  	p1 =	seq.s32 s10, $0x1;
	s10 =	sld [smem:$0x3FB9];
	_ =	sdelay $0x3  }
0x37: {  	[smem:$0x3FB9] =	sst s10  }
0x38: {  	s10 =	sld [smem:$0x3FBA]  }
0x39: {  	_ = 	snop;
	(pc) =	sbr.ind lr, $3  }
0x3a: {  	_ = 	snop  }
0x3b: {  	_ = 	snop  }
0x3c: {  	p2 =	seq.s32 s10, $0x1;
	s10 =	sld [smem:$0x3FB9]  }
0x3d: {  	_ =	shalt  }
0x3e: {  	_ =	shalt  }
0x3f: {  	_ =	shalt  }
0x40: {  	_ =	shalt  }
0x41: {  	_ =	shalt  }
0x42: {  	_ =	shalt  }
0x43: {  	_ =	shalt  }
0x44: {  	_ =	shalt  }
0x45: {  	_ =	shalt  }
0x46: {  	_ =	shalt  }
0x47: {  	_ =	shalt  }
0x48: {  	_ =	shalt  }
0x49: {  	_ =	shalt  }
0x4a: {  	_ =	shalt  }
0x4b: {  	_ =	shalt  }
0x4c: {  	_ =	shalt  }
0x4d: {  	_ =	shalt  }
0x4e: {  	_ =	shalt  }
0x4f: {  	_ =	shalt  }
0x50: {  	_ =	shalt  }
0x51: {  	_ =	shalt  }
0x52: {  	_ =	shalt  }
0x53: {  	_ =	shalt  }
0x54: {  	_ =	shalt  }
0x55: {  	_ =	shalt  }
0x56: {  	_ =	shalt  }
0x57: {  	_ =	shalt  }
0x58: {  	_ =	shalt  }
0x59: {  	_ =	shalt  }
0x5a: {  	_ =	shalt  }
0x5b: {  	_ =	shalt  }
0x5c: {  	_ =	shalt  }
0x5d: {  	_ =	shalt  }
0x5e: {  	_ =	shalt  }
0x5f: {  	_ =	shalt  }
0x60: {  	_ =	shalt  }
0x61: {  	_ =	shalt  }
0x62: {  	_ =	shalt  }
0x63: {  	_ =	shalt  }
0x64: {  	_ =	shalt  }
0x65: {  	_ =	shalt  }
0x66: {  	_ =	shalt  }
0x67: {  	_ =	shalt  }
0x68: {  	_ =	shalt  }
0x69: {  	_ =	shalt  }
0x6a: {  	_ =	shalt  }
0x6b: {  	_ =	shalt  }
0x6c: {  	_ =	shalt  }
0x6d: {  	_ =	shalt  }
0x6e: {  	_ =	shalt  }
0x6f: {  	_ =	shalt  }
0x70: {  	_ =	shalt  }
0x71: {  	_ =	shalt  }
0x72: {  	_ =	shalt  }
0x73: {  	_ =	shalt  }
0x74: {  	_ =	shalt  }
0x75: {  	_ =	shalt  }
0x76: {  	_ =	shalt  }
0x77: {  	_ =	shalt  }
0x78: {  	_ =	shalt  }
0x79: {  	_ =	shalt  }
0x7a: {  	_ =	shalt  }
0x7b: {  	_ =	shalt  }
0x7c: {  	_ =	shalt  }
0x7d: {  	_ =	shalt  }
0x7e: {  	_ =	shalt  }
0x7f: {  	_ =	shalt  }
0x80: {  	_ =	shalt  }
0x81: {  	_ =	shalt  }
0x82: {  	_ =	shalt  }
0x83: {  	_ =	shalt  }
0x84: {  	_ =	shalt  }
0x85: {  	_ =	shalt  }
0x86: {  	_ =	shalt  }
0x87: {  	_ =	shalt  }
.Lfunc_end0:
.L_simem_size_0:
called_computation.3_lowered:
.L_overlay_start_0:
0x88: {  	s2 =	sld [smem:$0x3FD9]  }
0x89: {  	s3 =	sld [smem:$0x3FFE];
	_ =	sdelay $0x1  }
0x8a: {  	s1 =	srdreg.scid  }
0x8b: {  	s0 =	sand.u32 $0x1, s1  }
0x8c: {  	s17 =	sshll.u32 s0, $0xA;
	s2 =	sadd.s32 s3, s2  }
0x8d: {  	s2 =	sadd.s32 s2, s17  }
0x8e: {  	[smem:$0x3FC5] =	sst s2  }
0x8f: {  	_ = 	snop  }
0x90: {  	s18 =	sld [smem:$0x3FD0];
	(tm) =	ssettm $0x1  }
0x91: {  	s19 =	sld [smem:$0x3FFB];
	_ =	sdelay $0x3  }
0x92: {  	_ =	strace s19  }
0x93: {  	s2 =	sld [smem:$0x3FFC];
	_ =	sdelay $0x3  }
0x94: {  	_ =	strace s2  }
0x95: {  	s2 =	sld [smem:$0x3FFD];
	_ =	sdelay $0x3  }
0x96: {  	_ =	strace s2  }
0x97: {  	_ =	strace $0x8FFFFFFF  }
0x98: {  	s20 =	sld [smem:$0x3FDB];
	_ =	sdelay $0x1  }
0x99: {  	s4 =	simm.s32 $_scs_section_size  }
0x9a: {  	s5 =	simm.s32 $_size__tile_overlayer_lowered;
	s6 =	simm.s32 $_tile_overlayer_lowered  }
0x9b: {  	s7 =	simm.s32 $0x1BFF;
	s21 =	sshll.u32 s6, $0x1;
	s4 =	sadd.s32 s4, s20  }
0x9c: {  	s22 =	simm.s32 $0x0;
	s5 =	sshll.u32 s5, $0x1;
	s6 =	sadd.s32 s21, s4  }
0x9d: {  	[timem:s22], [sflag:s7] =	dma.local [hbm:s6], s5  }
0x9e: {  	_ =	swait.ge [sflag:s7], s5  }
0x9f: {  	s5 =	ssub.s32 $0x0, s5;
	[sflag:s7] =	ssyncset.done $0x0  }
0xa0: {  	[sflag:s7] =	ssyncadd.s32 s5;
	_ =	sdelay $0x1  }
0xa1: {  	s23 =	simm.s32 $0x1B8B  }
0xa2: {  	_ =	swait.ge [sflag:s23], $0x1  }
0xa3: {  	[sflag:s23] =	ssyncset.done $0x0  }
0xa4: {  	[sflag:s23] =	ssyncadd.s32 $0xFFFFFFFF  }
0xa5: {  	s5 =	sld [smem:$0x0]  }
0xa6: {  	s6 =	sand.u32 $0xFFFFFFFE, s1  }
0xa7: {  	p0 =	sne.s32 s1, s6  }
0xa8: {  	s6 =	sshll.u32 @p0 s6, $0xE  }
0xa9: {  	s6 =	sadd.s32 @p0 $0x11B8D, s6;
	s7 =	sshll.u32 @p0 s5, $0x11  }
0xaa: {  	s6 =	sor.u32 @p0 s7, s6  }
0xab: {  	[sflag:s6] =	ssyncadd.remote.s32 @p0 $0x1;
	_ =	sdelay $0x1  }
0xac: {  	s6 =	simm.s32 @p0 $0x1B8D  }
0xad: {  	_ =	swait.eq @p0 [sflag:s6], $0x1  }
0xae: {  	[sflag:s6] =	ssyncadd.s32 @p0 $0xFFFFFFFF  }
0xaf: {  	s7 =	sshll.u32 @!p0 s1, $0xE  }
0xb0: {  	s7 =	sor.u32 @!p0 $0x4000, s7;
	s6 =	simm.s32 @!p0 $0x1B8D  }
0xb1: {  	s5 =	sshll.u32 @!p0 s5, $0x11;
	s7 =	sadd.s32 @!p0 $0x11B8D, s7;
	_ =	swait.eq @!p0 [sflag:s6], $0x1  }
0xb2: {  	s5 =	sor.u32 @!p0 s5, s7;
	[sflag:s6] =	ssyncadd.s32 @!p0 $0xFFFFFFFF  }
0xb3: {  	s25 =	simm.s32 $0x1B8E;
	s24 =	sld [smem:$0x3FFE];
	[sflag:s5] =	ssyncadd.remote.s32 @!p0 $0x1  }
0xb4: {  	s26 =	simm.s32 $execute0_lowered;
	[smem:$0x3FD2] =	sst s25  }
0xb5: {  	s6 =	sshll.u32 s26, $0x1;
	_ =	strace $0x80000049;
	[dreg:$0x1] =	wrdreg $0xFFFFFFFF  }
0xb6: {  	s28 =	simm.s32 $_size_execute0_lowered;
	s4 =	sadd.s32 s4, s6;
	[dreg:$0x0] =	wrdreg $0x0  }
0xb7: {  	s6 =	sshll.u32 s28, $0x1;
	[dreg:$0x2] =	wrdreg s4  }
0xb8: {  	[dreg:$0x3] =	wrdreg s6  }
0xb9: {  	[dreg:$0x4] =	wrdreg $0xC0  }
0xba: {  	_ =	task [dreg:s22], $0x5FFFF  }
0xbb: {  	[dreg:$0x1] =	wrdreg $0xFFFFFFFF  }
0xbc: {  	[dreg:$0x0] =	wrdreg $0x60  }
0xbd: {  	[dreg:$0x2] =	wrdreg s24  }
0xbe: {  	[dreg:$0x3] =	wrdreg s18  }
0xbf: {  	[dreg:$0x4] =	wrdreg $0xA  }
0xc0: {  	_ =	task.clear_ibuf [dreg:s22], $0x5FFFF;
	_ =	strace $0x90000049  }
0xc1: {  	s29 =	simm.s32 $0xA;
	_ =	strace $0x8000004B  }
0xc2: {  	_ =	swait.ge [sflag:s29], $0x1  }
0xc3: {  	[sflag:s29] =	ssyncadd.s32 $0xFFFFFFFF  }
0xc4: {  	_ =	strace $0x9000004B  }
0xc5: {  	_ =	sfence  }
0xc6: {  	s30 =	sld [smem:$0x0];
	_ =	sdelay $0x2  }
0xc7: {  	s31 =	sshll.u32 s1, $0xD;
	s1 =	sshrl.u32 s1, $0x2  }
0xc8: {  	s4 =	sand.u32 $0x4000, s31;
	s1 =	sadd.s32 s1, s30  }
0xc9: {  	s0 =	sor.u32 s4, s0;
	s1 =	sshll.u32 s1, $0x11  }
0xca: {  	s0 =	sor.u32 s1, s0  }
0xcb: {  	s0 =	sadd.s32 $0x8F2B, s0  }
0xcc: {  	[sflag:s0] =	ssyncadd.remote.s32 $0x1  }
0xcd: {  	_ =	sfence.sel $0xFFFF  }
0xce: {  	[dreg:$0x0] =	wrdreg $0xFFFFFFFF;
	(pc) =	sbr.abs _section_cstart, $3  }
0xcf: {  	[dreg:$0x1] =	wrdreg $0xFFFFFFFF  }
0xd0: {  	_ =	task.clear_ibuf [dreg:s22], $0x2FFFF;
	_ =	strace $0x9FFFFFFF  }
0xd1: {  	(tm) =	ssettm $0x7FFFFFFF  }
tec
execute0_lowered:
.L_overlay_start_1:
0x0: {  	(tag) =	ssettag $0x1  }
0x1: {  	s0 =	srdreg.scid  }
0x2: {  	s1 =	sshll.u32 s0, $0x4  }
0x3: {  	s0 =	stileid.u32;
	s1 =	sand.u32 $0x10, s1  }
0x4: {  	s2 =	sor.u32 s0, s1  }
0x5: {  	s3 =	smin.u32 s2, $0x10  }
0x6: {  	s1 =	sshll.u32 s1, $0x4;
	s2 =	sshll.u32 s2, $0x9;
	s3 =	sshll.u32 s3, $0x8  }
0x7: {  	s9 =	rddreg [dreg:$0x0];
	s1 =	sxor.u32 $0x300, s1;
	s2 =	sadd.s32 s2, s3  }
0x8: {  	s6 =	simm.s32 $0x1;
	s7 =	simm.s32 $0x2;
	s1 =	sadd.s32 s1, s2  }
0x9: {  	s10 =	simm.s32 $0x3;
	s13 =	simm.s32 $0x0;
	s4 =	smin.u32 s1, $0x5000  }
0xa: {  	s12 =	simm.s32 $0x0;
	s5 =	sadd.s32 $0xA4200, s9;
	s8 =	ssub.s32 s4, s2  }
.Ltmp0:
0xb: {  	s3 =	rddreg [dreg:$0x1];
	p0 =	sgt.s32 s8, $0x0;
	(pc) =	sbr.rel .LBB2_1-.Ltmp0, $4  }
0xc: {  	s1 =	rddreg [dreg:$0x2];
	_ =	strace $0x8000004A;
	s8 =	simm.s32 @!p0 $0x0  }
0xd: {  	s9 =	sadd.s32 $0xF4200, s9;
	[sflag:s6] =	ssyncpa.u1 $0x0;
	s8 =	sadd.s32 $0xFF, s8  }
0xe: {  	s11 =	smov.u32 s2;
	[sflag:s7] =	ssyncpa.u1 $0x0;
	s8 =	sshrl.u32 s8, $0x8  }
0xf: {  	vm0 =	vmmov $0xff;
	vm1 =	vcmask $0x3F20;
	[sflag:s10] =	ssyncpa.u1 $0x0;
	p0 =	por $0x0, $0x0;
	s10 =	sadd.s32 $0x1, s8  }
.LBB2_6:
0x10: {  	[hbm:s17] =	stream.linear.scatter [tilespmem:s14], [sflag:$0x3], $0x400, $0x38;
	[tilespmem:$0x10200] =	vst v63  }
.LBB2_7:
0x11: {  	s13 =	sadd.s32 $0x100, s11  }
0x12: {  	s15 =	smov.u32 s2;
	p2 =	slt.s32 s13, s4  }
0x13: {  	s15 =	smov.u32 @p2 s13;
	p2 =	sne.s32 s12, s10  }
.Ltmp1:
0x14: {  	p1 =	slt.u32 s12, $0x2;
	(pc) =	sbr.rel @!p2 .LBB2_8-.Ltmp1, $4  }
0x15: {  	s14 =	simm.s32 @!p1 $0x3  }
0x16: {  	s16 =	sadd.s32 $0x1, s12;
	_ =	swait.ge @!p1 [sflag:s14], $0x8000  }
0x17: {  	p0 =	por !p0, !p0;
	s13 =	smov.u32 s11;
	[sflag:s14] =	ssyncset.done @!p1 $0x0  }
0x18: {  	s12 =	smov.u32 s16;
	s11 =	smov.u32 s15;
	[sflag:s14] =	ssyncadd.s32 @!p1 $0xFFFF8000  }
.LBB2_1:
0x19: {  	p1 =	sge.u32 s12, s8  }
0x1a: {  	s14 =	sxor.u32 @!p1 $0xFFFFFFFF, s12  }
0x1b: {  	s31 =	sadd.s32 $0xFFFFFFFF, s12;
	s15 =	sshrl.u32 @!p1 s11, $0x3;
	s14 =	sshll.u32 @!p1 s14, $0x8  }
0x1c: {  	s16 =	sand.u32 @!p1 $0x7, s11;
	s15 =	sadd.s32 @!p1 s3, s15;
	s14 =	sand.u32 @!p1 $0x100, s14  }
0x1d: {  	[tilespmem:s14], [sflag:$0x2] =	stream.linear.gather @!p1 [hbm4b:s15+s16], $0x100, $0x38;
	[tilespmem:$0x10200] =	vst v63  }
0x1e: {  	p1 =	sge.u32 s31, s8  }
.Ltmp2:
0x1f: {  	_ = 	snop;
	(pc) =	sbr.rel @p1 .LBB2_7-.Ltmp2, $1  }
0x20: {  	_ =	sdelay $0x3  }
0x21: {  	s14 =	simm.s32 $0x1  }
0x22: {  	_ =	swait.ge [sflag:s7], $0x100;
	s14 =	simm.s32 @!p0 $0x0  }
0x23: {  	[sflag:s7] =	ssyncset.done $0x0;
	s16 =	sshll.u32 s14, $0x8  }
0x24: {  	[sflag:s7] =	ssyncadd.s32 $0xFFFFFF00;
	s15 =	sadd.s32 $0x0, s16  }
0x25: {  	v0 =	vld.msk [tilespmem:s15+$0x0 ss:$0x1], $0xffff;
	_ =	sdelay $0x4  }
0x26: {  	v1 =	vand.u32 $0x3, v0;
	v2 =	vshll.u32 v0, $0x5  }
0x27: {  	vm2 =	veq.s32 v0, $0x80000000;
	v0 =	vmul.u32 $0xA0000, v1;
	v1 =	vand.u32 $0xFFF80, v2  }
0x28: {  	v1 =	vsel vm2, $0xFFFFFF80, v1  }
0x29: {  	v0 =	vsel vm2, $0xFFF60000, v0;
	v2 =	vand.u32 $0xFFFFFC00, v1  }
0x2a: {  	v1 =	vand.u32 $0x380, v1;
	v0 =	vadd.s32 v0, v2  }
0x2b: {  	v0 =	vor.u32 v1, v0  }
0x2c: {  	v0 =	vshrl.u32 v0, $0x3;
	_ =	sdelay $0x2  }
0x2d: {  	s14 =	sshll.u32 s14, $0xF  }
0x2e: {  	s14 =	sor.u32 $0x200, s14  }
0x2f: {  	[tilespmem:s14], [sflag:$0x1] =	stream.indirect_vreg.gather [hbm:s5], $0x80, v0, vm0, $0x38;
	[tilespmem:$0x10200] =	vst v63  }
0x30: {  	s17 =	sadd.s32 $0x10, s16;
	s15 =	sadd.s32 $0x400, s14  }
0x31: {  	[tilespmem:s15], [sflag:$0x1] =	stream.indirect_vreg.gather [hbm:s5], $0x80, v0, vm1, $0x38;
	[tilespmem:$0x10200] =	vst v63  }
0x32: {  	s18 =	simm.s32 $0x80;
	v0 =	vld.msk [tilespmem:s17+$0x0 ss:$0x1], $0xffff;
	s17 =	smov.u32 s14  }
.LBB2_3:
0x33: {  	p1 =	sne.s32 s18, $0x3C0;
	_ =	sdelay $0x4  }
0x34: {  	v1 =	vand.u32 $0x3, v0;
	v2 =	vshll.u32 v0, $0x5  }
0x35: {  	vm2 =	veq.s32 v0, $0x80000000;
	v0 =	vmul.u32 $0xA0000, v1;
	v1 =	vand.u32 $0xFFF80, v2  }
0x36: {  	v1 =	vsel vm2, $0xFFFFFF80, v1  }
0x37: {  	v0 =	vsel vm2, $0xFFF60000, v0;
	v2 =	vand.u32 $0xFFFFFC00, v1  }
0x38: {  	v1 =	vand.u32 $0x380, v1;
	v0 =	vadd.s32 v0, v2  }
0x39: {  	v0 =	vor.u32 v1, v0  }
0x3a: {  	v0 =	vshrl.u32 v0, $0x3;
	_ =	sdelay $0x3  }
.Ltmp3:
0x3b: {  	s19 =	sshra.s32 s18, $0x2;
	s17 =	sadd.s32 $0x800, s17;
	(pc) =	sbr.rel @p1 .LBB2_3-.Ltmp3, $4  }
0x3c: {  	[tilespmem:s17], [sflag:$0x1] =	stream.indirect_vreg.gather [hbm:s5], $0x80, v0, vm0, $0x38;
	[tilespmem:$0x10200] =	vst v63  }
0x3d: {  	s19 =	sadd.s32 s19, s16;
	s20 =	sadd.s32 $0x400, s17  }
0x3e: {  	[tilespmem:s20], [sflag:$0x1] =	stream.indirect_vreg.gather [hbm:s5], $0x80, v0, vm1, $0x38;
	[tilespmem:$0x10200] =	vst v63  }
0x3f: {  	s18 =	sadd.s32 $0x40, s18;
	v0 =	vld.msk [tilespmem:s19+$0x0 ss:$0x1], $0xffff  }
0x40: {  	_ =	sdelay $0x3  }
0x41: {  	v1 =	vand.u32 $0x3, v0;
	v2 =	vshll.u32 v0, $0x5  }
0x42: {  	vm2 =	veq.s32 v0, $0x80000000;
	v61 =	vmul.u32 $0xA0000, v1;
	v62 =	vand.u32 $0xFFF80, v2  }
0x43: {  	v1 =	vsel vm2, $0xFFFFFF80, v62  }
0x44: {  	v0 =	vsel vm2, $0xFFF60000, v61;
	v63 =	vand.u32 $0xFFFFFC00, v1  }
0x45: {  	v1 =	vand.u32 $0x380, v1;
	v0 =	vadd.s32 v0, v63  }
0x46: {  	v0 =	vor.u32 v1, v0  }
0x47: {  	v0 =	vshrl.u32 v0, $0x3;
	_ =	sdelay $0x3  }
0x48: {  	s16 =	sadd.s32 $0x800, s17  }
0x49: {  	[tilespmem:s16], [sflag:$0x1] =	stream.indirect_vreg.gather [hbm:s5], $0x80, v0, vm0, $0x38;
	[tilespmem:$0x10200] =	vst v63  }
0x4a: {  	s16 =	sadd.s32 $0x400, s16  }
0x4b: {  	[tilespmem:s16], [sflag:$0x1] =	stream.indirect_vreg.gather [hbm:s5], $0x80, v0, vm1, $0x38;
	[tilespmem:$0x10200] =	vst v63  }
0x4c: {  	s13 =	sshll.u32 s13, $0x4;
	_ =	swait.ge [sflag:s6], $0x8000  }
0x4d: {  	s13 =	sadd.s32 s13, s9;
	[sflag:s6] =	ssyncset.done $0x0  }
0x4e: {  	s17 =	sadd.s32 $0x0, s13;
	s16 =	simm.s32 $0x80;
	[sflag:s6] =	ssyncadd.s32 $0xFFFF8000  }
.LBB2_5:
0x4f: {  	[hbm:s17] =	stream.linear.scatter [tilespmem:s14], [sflag:$0x3], $0x400, $0x38;
	[tilespmem:$0x10200] =	vst v63  }
0x50: {  	s17 =	smov.u32 s16;
	s14 =	smov.u32 s15;
	p1 =	sne.s32 s16, $0xF80  }
.Ltmp4:
0x51: {  	s16 =	sadd.s32 $0x80, s16;
	(pc) =	sbr.rel @p1 .LBB2_5-.Ltmp4, $2  }
0x52: {  	_ =	sdelay $0x2  }
0x53: {  	s15 =	sadd.s32 $0x400, s15;
	s17 =	sadd.s32 s17, s13  }
.Ltmp5:
0x54: {  	_ = 	snop;
	(pc) =	sbr.rel .LBB2_6-.Ltmp5, $1  }
0x55: {  	_ =	sdelay $0x3  }
.LBB2_8:
0x56: {  	_ =	sfence.sel $0x180000  }
0x57: {  	s2 =	simm.s32 $0x2;
	[bflag:$0x0] =	sbarrier.arrive $0xFFFF  }
0x58: {  	s30 =	simm.s32 $0x3;
	[sflag:s2] =	ssyncpa.u1 $0x1  }
0x59: {  	s31 =	simm.s32 $0x1;
	[sflag:s30] =	ssyncpa.u1 $0x1  }
0x5a: {  	[sflag:s31] =	ssyncpa.u1 $0x1  }
0x5b: {  	p0 =	sne.s32 s0, $0x0;
	_ =	strace $0x9000004A  }
0x5c: {  	s0 =	sadd.s32 @!p0 $0x100000, s1;
	[bflag:$0x2] =	sbarrier.arrive $0xFFFF  }
0x5d: {  	[sflag:s0] =	ssyncadd.tile.s32 @!p0 $0x1;
	_ =	shalt  }
.Lfunc_end2:
_tile_overlayer_lowered:
.L_overlay_start_2:
0x5e: {  	(tag) =	ssettag $0x2  }
0x5f: {  	s0 =	rddreg [dreg:$0x0];
	s2 =	stileid.u32  }
0x60: {  	s1 =	rddreg [dreg:$0x1];
	p0 =	sne.s32 s2, $0x0  }
0x61: {  	s3 =	rddreg [dreg:$0x2];
	[bflag:$0x3] =	sbarrier.arrive $0xFFFF;
	s2 =	simm.s32 @!p0 $0x1C01  }
0x62: {  	[timem:s3], [sflag:s2] =	dma.local @!p0 [hbm:s0], s1  }
0x63: {  	s0 =	simm.s32 @!p0 $0x1  }
0x64: {  	_ =	swait.ge @!p0 [sflag:s0], s1  }
0x65: {  	s1 =	ssub.s32 @!p0 $0x0, s1;
	[sflag:s0] =	ssyncset.done @!p0 $0x0  }
0x66: {  	[sflag:s0] =	ssyncadd.s32 @!p0 s1  }
0x67: {  	[bflag:$0x3] =	sbarrier.arrive $0xFFFF  }
0x68: {  	_ =	shalt  }

// kernel: gather_offload_async_start
scs
__scs_entry_jumppad:
0x0: {  	(pc) =	sbr.rel $0x88, $3  }
0x1: {  	(tag) =	ssettag $0x0;
	lr =	simm.s32 $0x1  }
0x2: {  	[smem:$0x3F9E] =	sst lr;
	_ =	strace $0xD0000000  }
0x3: {  	_ = 	snop  }
0x4: {  	_ = 	snop  }
0x5: {  	_ = 	snop  }
0x6: {  	_ = 	snop  }
0x7: {  	_ = 	snop  }
__scs_overlays_trampoline_lowered:
0x8: {  	[smem:$0x3FAD] =	sst s0  }
0x9: {  	[smem:$0x3FAE] =	sst s1  }
0xa: {  	[smem:$0x3FAF] =	sst s2  }
0xb: {  	[smem:$0x3FB0] =	sst s3  }
0xc: {  	[smem:$0x3FB1] =	sst s4  }
0xd: {  	[smem:$0x3FB2] =	sst s5  }
0xe: {  	[smem:$0x3FB3] =	sst s6  }
0xf: {  	[smem:$0x3FB4] =	sst s7  }
0x10: {  	[smem:$0x3FB5] =	sst s8  }
0x11: {  	[smem:$0x3FB6] =	sst s9;
	s0 =	simm.s32 @!p0 $0x0  }
0x12: {  	s1 =	sld [smem:$0x3F9C];
	s0 =	simm.s32 @p0 $0x1  }
0x13: {  	[smem:$0x3FB7] =	sst s0;
	s0 =	simm.s32 @!p1 $0x0  }
0x14: {  	s2 =	sld [smem:$0x3F9B];
	s0 =	simm.s32 @p1 $0x1  }
0x15: {  	[smem:$0x3FB8] =	sst s0;
	s0 =	simm.s32 @!p2 $0x0  }
0x16: {  	s3 =	sld [smem:$0x3FDB];
	s0 =	simm.s32 @p2 $0x1  }
0x17: {  	s4 =	simm.s32 $0x1BF5;
	[smem:$0x3FBA] =	sst s0  }
0x18: {  	s0 =	sld [smem:$0x3F9D];
	_ =	swait.ge [sflag:s4], $0x0  }
0x19: {  	s7 =	sld [smem:$0x3F9E]  }
0x1a: {  	s8 =	sadd.s32 $0xFFFFE003, lr  }
0x1b: {  	s9 =	sadd.s32 $0xFFFFFEF7, lr;
	s5 =	simm.s32 $0xFFFFFFFF;
	p2 =	slt.u32 s8, $0xFFFFF086  }
0x1c: {  	p1 =	slt.u32 s9, $0xF7A;
	s5 =	simm.s32 @!p2 $0x0  }
0x1d: {  	s5 =	simm.s32 @p1 $0x1;
	p0 =	seq.s32 s7, s2  }
0x1e: {  	s7 =	smul.u32 @!p0 $0xF7A, s2;
	p2 =	seq.s32 @!p0 s5, $0x0  }
0x1f: {  	s9 =	smul.u32 $0xF7A, s1;
	s8 =	simm.s32 @!p0 $0x1BF5;
	p2 =	por !p2, p0  }
0x20: {  	[sflag:s8] =	ssyncset.s32 @!p0 $0xFFFFF086;
	s6 =	sadd.s32 @!p0 s3, s7;
	s7 =	simm.s32 @!p0 $0x108  }
0x21: {  	s3 =	sadd.s32 s3, s9;
	s6 =	sadd.s32 @!p0 $0x88, s6;
	s7 =	simm.s32 @p2 $0x1082  }
0x22: {  	[simem:s7], [sflag:s8] =	dma.local @!p0 [hbm:s6], $0xF7A  }
0x23: {  	s9 =	sor.u32 $0xD0000000, s2;
	s6 =	simm.s32 $0x108;
	_ =	swait.ge @!p0 [sflag:s8], $0x0  }
0x24: {  	s3 =	sadd.s32 $0x88, s3;
	s6 =	simm.s32 @!p1 $0x1082;
	[sflag:s4] =	ssyncset.s32 $0xFFFFF086  }
0x25: {  	[simem:s6], [sflag:s4] =	dma.local [hbm:s3], $0xF7A  }
0x26: {  	[smem:$0x3F9E] =	sst s1;
	(tag) =	ssettag s2;
	_ =	strace s9  }
0x27: {  	s1 =	sld [smem:$0x3FAE]  }
0x28: {  	s2 =	sld [smem:$0x3FAF]  }
0x29: {  	s4 =	sld [smem:$0x3FB1]  }
0x2a: {  	p0 =	seq.s32 s5, $0x0;
	s5 =	sld [smem:$0x3FB2]  }
0x2b: {  	s6 =	sld [smem:$0x3FB3]  }
0x2c: {  	s7 =	sld [smem:$0x3FB4]  }
0x2d: {  	s3 =	simm.s32 $0x108;
	s8 =	sld [smem:$0x3FB5]  }
0x2e: {  	s3 =	simm.s32 @!p0 $0x1082;
	s9 =	sld [smem:$0x3FB6]  }
0x2f: {  	lr =	sadd.s32 s0, s3;
	s0 =	sld [smem:$0x3FAD]  }
0x30: {  	s3 =	sld [smem:$0x3FB0]  }
0x31: {  	[smem:$0x3FB9] =	sst s10  }
0x32: {  	s10 =	sld [smem:$0x3FB7];
	_ =	sdelay $0x3  }
0x33: {  	p0 =	seq.s32 s10, $0x1;
	s10 =	sld [smem:$0x3FB9];
	_ =	sdelay $0x3  }
0x34: {  	[smem:$0x3FB9] =	sst s10  }
0x35: {  	s10 =	sld [smem:$0x3FB8];
	_ =	sdelay $0x3  }
0x36: {  	p1 =	seq.s32 s10, $0x1;
	s10 =	sld [smem:$0x3FB9];
	_ =	sdelay $0x3  }
0x37: {  	[smem:$0x3FB9] =	sst s10  }
0x38: {  	s10 =	sld [smem:$0x3FBA]  }
0x39: {  	_ = 	snop;
	(pc) =	sbr.ind lr, $3  }
0x3a: {  	_ = 	snop  }
0x3b: {  	_ = 	snop  }
0x3c: {  	p2 =	seq.s32 s10, $0x1;
	s10 =	sld [smem:$0x3FB9]  }
0x3d: {  	_ =	shalt  }
0x3e: {  	_ =	shalt  }
0x3f: {  	_ =	shalt  }
0x40: {  	_ =	shalt  }
0x41: {  	_ =	shalt  }
0x42: {  	_ =	shalt  }
0x43: {  	_ =	shalt  }
0x44: {  	_ =	shalt  }
0x45: {  	_ =	shalt  }
0x46: {  	_ =	shalt  }
0x47: {  	_ =	shalt  }
0x48: {  	_ =	shalt  }
0x49: {  	_ =	shalt  }
0x4a: {  	_ =	shalt  }
0x4b: {  	_ =	shalt  }
0x4c: {  	_ =	shalt  }
0x4d: {  	_ =	shalt  }
0x4e: {  	_ =	shalt  }
0x4f: {  	_ =	shalt  }
0x50: {  	_ =	shalt  }
0x51: {  	_ =	shalt  }
0x52: {  	_ =	shalt  }
0x53: {  	_ =	shalt  }
0x54: {  	_ =	shalt  }
0x55: {  	_ =	shalt  }
0x56: {  	_ =	shalt  }
0x57: {  	_ =	shalt  }
0x58: {  	_ =	shalt  }
0x59: {  	_ =	shalt  }
0x5a: {  	_ =	shalt  }
0x5b: {  	_ =	shalt  }
0x5c: {  	_ =	shalt  }
0x5d: {  	_ =	shalt  }
0x5e: {  	_ =	shalt  }
0x5f: {  	_ =	shalt  }
0x60: {  	_ =	shalt  }
0x61: {  	_ =	shalt  }
0x62: {  	_ =	shalt  }
0x63: {  	_ =	shalt  }
0x64: {  	_ =	shalt  }
0x65: {  	_ =	shalt  }
0x66: {  	_ =	shalt  }
0x67: {  	_ =	shalt  }
0x68: {  	_ =	shalt  }
0x69: {  	_ =	shalt  }
0x6a: {  	_ =	shalt  }
0x6b: {  	_ =	shalt  }
0x6c: {  	_ =	shalt  }
0x6d: {  	_ =	shalt  }
0x6e: {  	_ =	shalt  }
0x6f: {  	_ =	shalt  }
0x70: {  	_ =	shalt  }
0x71: {  	_ =	shalt  }
0x72: {  	_ =	shalt  }
0x73: {  	_ =	shalt  }
0x74: {  	_ =	shalt  }
0x75: {  	_ =	shalt  }
0x76: {  	_ =	shalt  }
0x77: {  	_ =	shalt  }
0x78: {  	_ =	shalt  }
0x79: {  	_ =	shalt  }
0x7a: {  	_ =	shalt  }
0x7b: {  	_ =	shalt  }
0x7c: {  	_ =	shalt  }
0x7d: {  	_ =	shalt  }
0x7e: {  	_ =	shalt  }
0x7f: {  	_ =	shalt  }
0x80: {  	_ =	shalt  }
0x81: {  	_ =	shalt  }
0x82: {  	_ =	shalt  }
0x83: {  	_ =	shalt  }
0x84: {  	_ =	shalt  }
0x85: {  	_ =	shalt  }
0x86: {  	_ =	shalt  }
0x87: {  	_ =	shalt  }
.Lfunc_end0:
.L_simem_size_0:
called_computation_lowered:
.L_overlay_start_0:
0x88: {  	s2 =	sld [smem:$0x3FD9]  }
0x89: {  	s3 =	sld [smem:$0x3FFE];
	_ =	sdelay $0x1  }
0x8a: {  	s1 =	srdreg.scid  }
0x8b: {  	s0 =	sand.u32 $0x1, s1  }
0x8c: {  	s17 =	sshll.u32 s0, $0xA;
	s2 =	sadd.s32 s3, s2  }
0x8d: {  	s2 =	sadd.s32 s2, s17  }
0x8e: {  	[smem:$0x3FC5] =	sst s2  }
0x8f: {  	_ = 	snop  }
0x90: {  	s2 =	sld [smem:$0x3FD0];
	(tm) =	ssettm $0x1  }
0x91: {  	s18 =	sld [smem:$0x3FFB];
	_ =	sdelay $0x3  }
0x92: {  	_ =	strace s18  }
0x93: {  	s3 =	sld [smem:$0x3FFC];
	_ =	sdelay $0x3  }
0x94: {  	_ =	strace s3  }
0x95: {  	s3 =	sld [smem:$0x3FFD];
	_ =	sdelay $0x3  }
0x96: {  	_ =	strace s3  }
0x97: {  	_ =	strace $0x8FFFFFFF  }
0x98: {  	s19 =	sld [smem:$0x3FDB];
	_ =	sdelay $0x1  }
0x99: {  	s4 =	simm.s32 $_scs_section_size  }
0x9a: {  	s5 =	simm.s32 $_size__tile_overlayer_lowered;
	s6 =	simm.s32 $_tile_overlayer_lowered  }
0x9b: {  	s22 =	simm.s32 $0x1BFF;
	s21 =	sshll.u32 s6, $0x1;
	s3 =	sadd.s32 s4, s19  }
0x9c: {  	s7 =	simm.s32 $0x0;
	s20 =	sshll.u32 s5, $0x1;
	s5 =	sadd.s32 s21, s3  }
0x9d: {  	[timem:s7], [sflag:s22] =	dma.local [hbm:s5], s20  }
0x9e: {  	_ =	swait.ge [sflag:s22], s20  }
0x9f: {  	s4 =	ssub.s32 $0x0, s20;
	[sflag:s22] =	ssyncset.done $0x0  }
0xa0: {  	[sflag:s22] =	ssyncadd.s32 s4;
	_ =	sdelay $0x1  }
0xa1: {  	s23 =	simm.s32 $0x1B8B  }
0xa2: {  	_ =	swait.ge [sflag:s23], $0x1  }
0xa3: {  	[sflag:s23] =	ssyncset.done $0x0  }
0xa4: {  	s25 =	simm.s32 $0x1B8E;
	s24 =	sld [smem:$0x3FFE];
	[sflag:s23] =	ssyncadd.s32 $0xFFFFFFFF  }
0xa5: {  	s26 =	simm.s32 $execute0_lowered;
	[smem:$0x3FD2] =	sst s25  }
0xa6: {  	s5 =	sshll.u32 s26, $0x1;
	_ =	strace $0x8000004C;
	[dreg:$0x1] =	wrdreg $0xFFFFFFFF  }
0xa7: {  	s28 =	simm.s32 $_size_execute0_lowered;
	s3 =	sadd.s32 s3, s5;
	[dreg:$0x0] =	wrdreg $0x0  }
0xa8: {  	s5 =	sshll.u32 s28, $0x1;
	[dreg:$0x2] =	wrdreg s3  }
0xa9: {  	[dreg:$0x3] =	wrdreg s5  }
0xaa: {  	[dreg:$0x4] =	wrdreg $0xC0  }
0xab: {  	_ =	task [dreg:s7], $0x5FFFF  }
0xac: {  	[dreg:$0x1] =	wrdreg $0xFFFFFFFF  }
0xad: {  	[dreg:$0x0] =	wrdreg $0x60  }
0xae: {  	[dreg:$0x2] =	wrdreg s24  }
0xaf: {  	[dreg:$0x3] =	wrdreg s2  }
0xb0: {  	[dreg:$0x4] =	wrdreg $0x9  }
0xb1: {  	_ =	task.clear_ibuf [dreg:s7], $0x5FFFF;
	_ =	strace $0x9000004C  }
0xb2: {  	s29 =	simm.s32 $0x9;
	_ =	strace $0x8000004E  }
0xb3: {  	_ =	swait.ge [sflag:s29], $0x1  }
0xb4: {  	[sflag:s29] =	ssyncadd.s32 $0xFFFFFFFF  }
0xb5: {  	_ =	strace $0x9000004E  }
0xb6: {  	_ =	sfence  }
0xb7: {  	s30 =	sld [smem:$0x0];
	_ =	sdelay $0x2  }
0xb8: {  	s31 =	sshll.u32 s1, $0xD;
	s1 =	sshrl.u32 s1, $0x2  }
0xb9: {  	s3 =	sand.u32 $0x4000, s31;
	s1 =	sadd.s32 s1, s30  }
0xba: {  	s0 =	sor.u32 s3, s0;
	s1 =	sshll.u32 s1, $0x11  }
0xbb: {  	s0 =	sor.u32 s1, s0  }
0xbc: {  	s0 =	sadd.s32 $0x8F2B, s0  }
0xbd: {  	[sflag:s0] =	ssyncadd.remote.s32 $0x1  }
0xbe: {  	_ =	sfence.sel $0xFFFF  }
0xbf: {  	[dreg:$0x0] =	wrdreg $0xFFFFFFFF;
	(pc) =	sbr.abs _section_cstart, $3  }
0xc0: {  	[dreg:$0x1] =	wrdreg $0xFFFFFFFF  }
0xc1: {  	_ =	task.clear_ibuf [dreg:s7], $0x2FFFF;
	_ =	strace $0x9FFFFFFF  }
0xc2: {  	(tm) =	ssettm $0x7FFFFFFF  }
0xc3: {  	_ =	shalt  }
tec
execute0_lowered:
.L_overlay_start_1:
0x0: {  	(tag) =	ssettag $0x1  }
0x1: {  	s0 =	srdreg.scid  }
0x2: {  	s1 =	sshll.u32 s0, $0x4  }
0x3: {  	s0 =	stileid.u32;
	s1 =	sand.u32 $0x10, s1  }
0x4: {  	s2 =	sor.u32 s0, s1  }
0x5: {  	s3 =	smin.u32 s2, $0x10  }
0x6: {  	s1 =	sshll.u32 s1, $0x4;
	s2 =	sshll.u32 s2, $0x9;
	s3 =	sshll.u32 s3, $0x8  }
0x7: {  	s9 =	rddreg [dreg:$0x0];
	s1 =	sxor.u32 $0x300, s1;
	s2 =	sadd.s32 s2, s3  }
0x8: {  	s6 =	simm.s32 $0x1;
	s7 =	simm.s32 $0x2;
	s1 =	sadd.s32 s1, s2  }
0x9: {  	s10 =	simm.s32 $0x3;
	s13 =	simm.s32 $0x0;
	s4 =	smin.u32 s1, $0x5000  }
0xa: {  	s12 =	simm.s32 $0x0;
	s5 =	sadd.s32 $0x144200, s9;
	s8 =	ssub.s32 s4, s2  }
.Ltmp0:
0xb: {  	s3 =	rddreg [dreg:$0x1];
	p0 =	sgt.s32 s8, $0x0;
	(pc) =	sbr.rel .LBB2_1-.Ltmp0, $4  }
0xc: {  	s1 =	rddreg [dreg:$0x2];
	_ =	strace $0x8000004D;
	s8 =	simm.s32 @!p0 $0x0  }
0xd: {  	s9 =	sadd.s32 $0x2E00, s9;
	[sflag:s6] =	ssyncpa.u1 $0x0;
	s8 =	sadd.s32 $0xFF, s8  }
0xe: {  	s11 =	smov.u32 s2;
	[sflag:s7] =	ssyncpa.u1 $0x0;
	s8 =	sshrl.u32 s8, $0x8  }
0xf: {  	vm0 =	vmmov $0xff;
	vm1 =	vcmask $0x3F20;
	[sflag:s10] =	ssyncpa.u1 $0x0;
	p0 =	por $0x0, $0x0;
	s10 =	sadd.s32 $0x1, s8  }
.LBB2_6:
0x10: {  	[hbm:s17] =	stream.linear.scatter [tilespmem:s14], [sflag:$0x3], $0x400, $0x38;
	[tilespmem:$0x10200] =	vst v63  }
.LBB2_7:
0x11: {  	s13 =	sadd.s32 $0x100, s11  }
0x12: {  	s15 =	smov.u32 s2;
	p2 =	slt.s32 s13, s4  }
0x13: {  	s15 =	smov.u32 @p2 s13;
	p2 =	sne.s32 s12, s10  }
.Ltmp1:
0x14: {  	p1 =	slt.u32 s12, $0x2;
	(pc) =	sbr.rel @!p2 .LBB2_8-.Ltmp1, $4  }
0x15: {  	s14 =	simm.s32 @!p1 $0x3  }
0x16: {  	s16 =	sadd.s32 $0x1, s12;
	_ =	swait.ge @!p1 [sflag:s14], $0x8000  }
0x17: {  	p0 =	por !p0, !p0;
	s13 =	smov.u32 s11;
	[sflag:s14] =	ssyncset.done @!p1 $0x0  }
0x18: {  	s12 =	smov.u32 s16;
	s11 =	smov.u32 s15;
	[sflag:s14] =	ssyncadd.s32 @!p1 $0xFFFF8000  }
.LBB2_1:
0x19: {  	p1 =	sge.u32 s12, s8  }
0x1a: {  	s14 =	sxor.u32 @!p1 $0xFFFFFFFF, s12  }
0x1b: {  	s31 =	sadd.s32 $0xFFFFFFFF, s12;
	s15 =	sshrl.u32 @!p1 s11, $0x3;
	s14 =	sshll.u32 @!p1 s14, $0x8  }
0x1c: {  	s16 =	sand.u32 @!p1 $0x7, s11;
	s15 =	sadd.s32 @!p1 s3, s15;
	s14 =	sand.u32 @!p1 $0x100, s14  }
0x1d: {  	[tilespmem:s14], [sflag:$0x2] =	stream.linear.gather @!p1 [hbm4b:s15+s16], $0x100, $0x38;
	[tilespmem:$0x10200] =	vst v63  }
0x1e: {  	p1 =	sge.u32 s31, s8  }
.Ltmp2:
0x1f: {  	_ = 	snop;
	(pc) =	sbr.rel @p1 .LBB2_7-.Ltmp2, $1  }
0x20: {  	_ =	sdelay $0x3  }
0x21: {  	s14 =	simm.s32 $0x1  }
0x22: {  	_ =	swait.ge [sflag:s7], $0x100;
	s14 =	simm.s32 @!p0 $0x0  }
0x23: {  	[sflag:s7] =	ssyncset.done $0x0;
	s16 =	sshll.u32 s14, $0x8  }
0x24: {  	[sflag:s7] =	ssyncadd.s32 $0xFFFFFF00;
	s15 =	sadd.s32 $0x0, s16  }
0x25: {  	v0 =	vld.msk [tilespmem:s15+$0x0 ss:$0x1], $0xffff;
	_ =	sdelay $0x4  }
0x26: {  	v1 =	vand.u32 $0x3, v0;
	v2 =	vshll.u32 v0, $0x5  }
0x27: {  	vm2 =	veq.s32 v0, $0x80000000;
	v0 =	vmul.u32 $0xA0000, v1;
	v1 =	vand.u32 $0xFFF80, v2  }
0x28: {  	v1 =	vsel vm2, $0xFFFFFF80, v1  }
0x29: {  	v0 =	vsel vm2, $0xFFF60000, v0;
	v2 =	vand.u32 $0xFFFFFC00, v1  }
0x2a: {  	v1 =	vand.u32 $0x380, v1;
	v0 =	vadd.s32 v0, v2  }
0x2b: {  	v0 =	vor.u32 v1, v0  }
0x2c: {  	v0 =	vshrl.u32 v0, $0x3;
	_ =	sdelay $0x2  }
0x2d: {  	s14 =	sshll.u32 s14, $0xF  }
0x2e: {  	s14 =	sor.u32 $0x200, s14  }
0x2f: {  	[tilespmem:s14], [sflag:$0x1] =	stream.indirect_vreg.gather [hbm:s5], $0x80, v0, vm0, $0x38;
	[tilespmem:$0x10200] =	vst v63  }
0x30: {  	s17 =	sadd.s32 $0x10, s16;
	s15 =	sadd.s32 $0x400, s14  }
0x31: {  	[tilespmem:s15], [sflag:$0x1] =	stream.indirect_vreg.gather [hbm:s5], $0x80, v0, vm1, $0x38;
	[tilespmem:$0x10200] =	vst v63  }
0x32: {  	s18 =	simm.s32 $0x80;
	v0 =	vld.msk [tilespmem:s17+$0x0 ss:$0x1], $0xffff;
	s17 =	smov.u32 s14  }
.LBB2_3:
0x33: {  	p1 =	sne.s32 s18, $0x3C0;
	_ =	sdelay $0x4  }
0x34: {  	v1 =	vand.u32 $0x3, v0;
	v2 =	vshll.u32 v0, $0x5  }
0x35: {  	vm2 =	veq.s32 v0, $0x80000000;
	v0 =	vmul.u32 $0xA0000, v1;
	v1 =	vand.u32 $0xFFF80, v2  }
0x36: {  	v1 =	vsel vm2, $0xFFFFFF80, v1  }
0x37: {  	v0 =	vsel vm2, $0xFFF60000, v0;
	v2 =	vand.u32 $0xFFFFFC00, v1  }
0x38: {  	v1 =	vand.u32 $0x380, v1;
	v0 =	vadd.s32 v0, v2  }
0x39: {  	v0 =	vor.u32 v1, v0  }
0x3a: {  	v0 =	vshrl.u32 v0, $0x3;
	_ =	sdelay $0x3  }
.Ltmp3:
0x3b: {  	s19 =	sshra.s32 s18, $0x2;
	s17 =	sadd.s32 $0x800, s17;
	(pc) =	sbr.rel @p1 .LBB2_3-.Ltmp3, $4  }
0x3c: {  	[tilespmem:s17], [sflag:$0x1] =	stream.indirect_vreg.gather [hbm:s5], $0x80, v0, vm0, $0x38;
	[tilespmem:$0x10200] =	vst v63  }
0x3d: {  	s19 =	sadd.s32 s19, s16;
	s20 =	sadd.s32 $0x400, s17  }
0x3e: {  	[tilespmem:s20], [sflag:$0x1] =	stream.indirect_vreg.gather [hbm:s5], $0x80, v0, vm1, $0x38;
	[tilespmem:$0x10200] =	vst v63  }
0x3f: {  	s18 =	sadd.s32 $0x40, s18;
	v0 =	vld.msk [tilespmem:s19+$0x0 ss:$0x1], $0xffff  }
0x40: {  	_ =	sdelay $0x3  }
0x41: {  	v1 =	vand.u32 $0x3, v0;
	v2 =	vshll.u32 v0, $0x5  }
0x42: {  	vm2 =	veq.s32 v0, $0x80000000;
	v61 =	vmul.u32 $0xA0000, v1;
	v62 =	vand.u32 $0xFFF80, v2  }
0x43: {  	v1 =	vsel vm2, $0xFFFFFF80, v62  }
0x44: {  	v0 =	vsel vm2, $0xFFF60000, v61;
	v63 =	vand.u32 $0xFFFFFC00, v1  }
0x45: {  	v1 =	vand.u32 $0x380, v1;
	v0 =	vadd.s32 v0, v63  }
0x46: {  	v0 =	vor.u32 v1, v0  }
0x47: {  	v0 =	vshrl.u32 v0, $0x3;
	_ =	sdelay $0x3  }
0x48: {  	s16 =	sadd.s32 $0x800, s17  }
0x49: {  	[tilespmem:s16], [sflag:$0x1] =	stream.indirect_vreg.gather [hbm:s5], $0x80, v0, vm0, $0x38;
	[tilespmem:$0x10200] =	vst v63  }
0x4a: {  	s16 =	sadd.s32 $0x400, s16  }
0x4b: {  	[tilespmem:s16], [sflag:$0x1] =	stream.indirect_vreg.gather [hbm:s5], $0x80, v0, vm1, $0x38;
	[tilespmem:$0x10200] =	vst v63  }
0x4c: {  	s13 =	sshll.u32 s13, $0x4;
	_ =	swait.ge [sflag:s6], $0x8000  }
0x4d: {  	s13 =	sadd.s32 s13, s9;
	[sflag:s6] =	ssyncset.done $0x0  }
0x4e: {  	s17 =	sadd.s32 $0x0, s13;
	s16 =	simm.s32 $0x80;
	[sflag:s6] =	ssyncadd.s32 $0xFFFF8000  }
.LBB2_5:
0x4f: {  	[hbm:s17] =	stream.linear.scatter [tilespmem:s14], [sflag:$0x3], $0x400, $0x38;
	[tilespmem:$0x10200] =	vst v63  }
0x50: {  	s17 =	smov.u32 s16;
	s14 =	smov.u32 s15;
	p1 =	sne.s32 s16, $0xF80  }
.Ltmp4:
0x51: {  	s16 =	sadd.s32 $0x80, s16;
	(pc) =	sbr.rel @p1 .LBB2_5-.Ltmp4, $2  }
0x52: {  	_ =	sdelay $0x2  }
0x53: {  	s15 =	sadd.s32 $0x400, s15;
	s17 =	sadd.s32 s17, s13  }
.Ltmp5:
0x54: {  	_ = 	snop;
	(pc) =	sbr.rel .LBB2_6-.Ltmp5, $1  }
0x55: {  	_ =	sdelay $0x3  }
.LBB2_8:
0x56: {  	_ =	sfence.sel $0x180000  }
0x57: {  	s2 =	simm.s32 $0x2;
	[bflag:$0x0] =	sbarrier.arrive $0xFFFF  }
0x58: {  	s30 =	simm.s32 $0x3;
	[sflag:s2] =	ssyncpa.u1 $0x1  }
0x59: {  	s31 =	simm.s32 $0x1;
	[sflag:s30] =	ssyncpa.u1 $0x1  }
0x5a: {  	[sflag:s31] =	ssyncpa.u1 $0x1  }
0x5b: {  	p0 =	sne.s32 s0, $0x0;
	_ =	strace $0x9000004D  }
0x5c: {  	s0 =	sadd.s32 @!p0 $0x100000, s1;
	[bflag:$0x2] =	sbarrier.arrive $0xFFFF  }
0x5d: {  	[sflag:s0] =	ssyncadd.tile.s32 @!p0 $0x1;
	_ =	shalt  }
.Lfunc_end2:
_tile_overlayer_lowered:
.L_overlay_start_2:
0x5e: {  	(tag) =	ssettag $0x2  }
0x5f: {  	s0 =	rddreg [dreg:$0x0];
	s2 =	stileid.u32  }
0x60: {  	s1 =	rddreg [dreg:$0x1];
	p0 =	sne.s32 s2, $0x0  }
0x61: {  	s3 =	rddreg [dreg:$0x2];
	[bflag:$0x3] =	sbarrier.arrive $0xFFFF;
	s2 =	simm.s32 @!p0 $0x1C01  }
0x62: {  	[timem:s3], [sflag:s2] =	dma.local @!p0 [hbm:s0], s1  }
0x63: {  	s0 =	simm.s32 @!p0 $0x1  }
0x64: {  	_ =	swait.ge @!p0 [sflag:s0], s1  }
0x65: {  	s1 =	ssub.s32 @!p0 $0x0, s1;
	[sflag:s0] =	ssyncset.done @!p0 $0x0  }
0x66: {  	[sflag:s0] =	ssyncadd.s32 @!p0 s1  }
0x67: {  	[bflag:$0x3] =	sbarrier.arrive $0xFFFF  }
0x68: {  	_ =	shalt  }

</sc_bundles>
